<compile_context>
chip_gen: v7x
topology: tpu7x:2x2x1
jax: 0.10.2.dev20260603
libtpu: 0.0.44.dev20260713+nightly
codegen_flags: <defaults>
</compile_context>

<pallas_src>
import jax
import jax.numpy as jnp
from jax import lax
from jax.experimental import pallas as pl
from jax.experimental.pallas import tpu as pltpu
from jax.experimental.pallas import tpu_sc as plsc

_N = 10000
_D = 128
_G = 64
_EPS = 1e-5

_NC = 2
_NS = 16
_NW = _NC * _NS
_CHUNK = 128
_NPAD = 10240
_ROWS_PER_TILE = _NPAD // _NS
_JUNK = _N
_RBLK = 1000
_F0 = 0.62


def _make_sc_aggr(ch0, ch1):
    chmax = max(ch0, ch1)

    def body(src_hbm, dst_hbm, h_hbm, z_hbm, p0_hbm, p1_hbm,
             aggr_sh, src_v, dst_v, rows_v, sem):
        c = lax.axis_index("c")
        s = lax.axis_index("s")
        wid = s * _NC + c
        base = s * _ROWS_PER_TILE

        pltpu.sync_copy(z_hbm, rows_v)
        for k in range(_ROWS_PER_TILE // _CHUNK):
            pltpu.sync_copy(rows_v, aggr_sh.at[pl.ds(base + k * _CHUNK, _CHUNK)])
        pltpu.sync_copy(src_hbm.at[wid], src_v)
        pltpu.sync_copy(dst_hbm.at[wid], dst_v)
        plsc.subcore_barrier()

        nch = jnp.where(c == 0, ch0, ch1)

        def chunk_body(j, carry):
            pltpu.async_copy(h_hbm.at[src_v.at[j]], rows_v, sem).wait()
            pltpu.sync_copy(rows_v, aggr_sh.at[dst_v.at[j]], add=True)
            return carry

        lax.fori_loop(0, nch, chunk_body, 0)

        plsc.subcore_barrier()
        for k in range(_ROWS_PER_TILE // _CHUNK):
            sl = pl.ds(base + k * _CHUNK, _CHUNK)
            pltpu.sync_copy(aggr_sh.at[sl], rows_v)

            @pl.when(c == 0)
            def _():
                pltpu.sync_copy(rows_v, p0_hbm.at[sl])

            @pl.when(c == 1)
            def _():
                pltpu.sync_copy(rows_v, p1_hbm.at[sl])

    mesh = plsc.VectorSubcoreMesh(
        core_axis_name="c", subcore_axis_name="s",
        num_cores=_NC, num_subcores=_NS)
    return pl.kernel(
        body,
        out_type=[jax.ShapeDtypeStruct((_NPAD, _D), jnp.float32),
                  jax.ShapeDtypeStruct((_NPAD, _D), jnp.float32)],
        mesh=mesh,
        scratch_types=[
            pltpu.VMEM_SHARED((_NPAD, _D), jnp.float32),
            pltpu.VMEM((chmax, _CHUNK), jnp.int32),
            pltpu.VMEM((chmax, _CHUNK), jnp.int32),
            pltpu.VMEM((_CHUNK, _D), jnp.float32),
            pltpu.SemaphoreType.DMA,
        ],
    )


def _mlp_body(h_ref, p0_ref, p1_ref, w1_ref, b1_ref, w2_ref, b2_ref,
              mid_ref, sum_ref, sq_ref):
    u = h_ref[...] + p0_ref[...] + p1_ref[...]
    t = jnp.dot(u, w1_ref[...], preferred_element_type=jnp.float32) + b1_ref[...]
    t = jnp.maximum(t, 0.0)
    mid = jnp.dot(t, w2_ref[...], preferred_element_type=jnp.float32) + b2_ref[...]
    mid_ref[...] = mid

    @pl.when(pl.program_id(0) == 0)
    def _():
        sum_ref[...] = jnp.zeros_like(sum_ref)
        sq_ref[...] = jnp.zeros_like(sq_ref)

    sum_ref[...] += jnp.sum(mid, axis=0, keepdims=True)
    sq_ref[...] += jnp.sum(mid * mid, axis=0, keepdims=True)


def _bn_scale(sum_v, sq_v, g_v, be_v):
    mean = sum_v * (1.0 / _N)
    var = sq_v * (1.0 / _N) - mean * mean
    a = g_v * lax.rsqrt(var + _EPS)
    b = be_v - mean * a
    return a, b


def _bn_body(mid_ref, sum_ref, sq_ref, g_ref, be_ref, out_ref):
    a, b = _bn_scale(sum_ref[...], sq_ref[...], g_ref[...], be_ref[...])
    out_ref[...] = jnp.maximum(mid_ref[...] * a + b, 0.0)


def _bn_pool_body(mid_ref, sum_ref, sq_ref, g_ref, be_ref, batch_ref,
                  node_ref, graph_ref, cnt_ref):
    a, b = _bn_scale(sum_ref[...], sq_ref[...], g_ref[...], be_ref[...])
    hblk = jnp.maximum(mid_ref[...] * a + b, 0.0)
    node_ref[...] = hblk
    bb = batch_ref[...]
    m = (bb == lax.broadcasted_iota(jnp.int32, (_RBLK, _G), 1)
         ).astype(jnp.float32)
    dn = (((0,), (0,)), ((), ()))
    sums = lax.dot_general(m, hblk, dn, preferred_element_type=jnp.float32)
    cnts = lax.dot_general(m, jnp.ones_like(hblk), dn,
                           preferred_element_type=jnp.float32)

    @pl.when(pl.program_id(0) == 0)
    def _():
        graph_ref[...] = jnp.zeros_like(graph_ref)
        cnt_ref[...] = jnp.zeros_like(cnt_ref)

    graph_ref[...] += sums
    cnt_ref[...] += cnts

    @pl.when(pl.program_id(0) == pl.num_programs(0) - 1)
    def _():
        graph_ref[...] = graph_ref[...] / jnp.maximum(cnt_ref[...], 1.0)


def _row_spec(blk):
    return pl.BlockSpec(blk, lambda i: (i, 0))


def _const_spec(blk):
    return pl.BlockSpec(blk, lambda i: (0, 0))


def _mlp_call(h, p0, p1, w1, b1, w2, b2):
    grid = (_N // _RBLK,)
    return pl.pallas_call(
        _mlp_body,
        grid=grid,
        in_specs=[
            _row_spec((_RBLK, _D)), _row_spec((_RBLK, _D)),
            _row_spec((_RBLK, _D)),
            _const_spec((_D, _D)), _const_spec((1, _D)),
            _const_spec((_D, _D)), _const_spec((1, _D)),
        ],
        out_specs=[_row_spec((_RBLK, _D)), _const_spec((1, _D)),
                   _const_spec((1, _D))],
        out_shape=[jax.ShapeDtypeStruct((_N, _D), jnp.float32),
                   jax.ShapeDtypeStruct((1, _D), jnp.float32),
                   jax.ShapeDtypeStruct((1, _D), jnp.float32)],
    )(h, p0, p1, w1, b1, w2, b2)


def _bn_call(mid, s1, s2, g, be):
    return pl.pallas_call(
        _bn_body,
        grid=(_N // _RBLK,),
        in_specs=[_row_spec((_RBLK, _D)), _const_spec((1, _D)),
                  _const_spec((1, _D)), _const_spec((1, _D)),
                  _const_spec((1, _D))],
        out_specs=_row_spec((_RBLK, _D)),
        out_shape=jax.ShapeDtypeStruct((_N, _D), jnp.float32),
    )(mid, s1, s2, g, be)


def _bn_pool_call(mid, s1, s2, g, be, batch2):
    return pl.pallas_call(
        _bn_pool_body,
        grid=(_N // _RBLK,),
        in_specs=[_row_spec((_RBLK, _D)), _const_spec((1, _D)),
                  _const_spec((1, _D)), _const_spec((1, _D)),
                  _const_spec((1, _D)), _row_spec((_RBLK, 1))],
        out_specs=[_row_spec((_RBLK, _D)), _const_spec((_G, _D))],
        out_shape=[jax.ShapeDtypeStruct((_N, _D), jnp.float32),
                   jax.ShapeDtypeStruct((_G, _D), jnp.float32)],
        scratch_shapes=[pltpu.VMEM((_G, _D), jnp.float32)],
    )(mid, s1, s2, g, be, batch2)


def kernel(x, edge_index, batch, params):
    e = edge_index.shape[1]
    t = -(-e // _CHUNK)
    ch0 = max(1, int(round(t * _F0 / _NS)))
    ch1 = max(1, -(-max(t - _NS * ch0, 0) // _NS))
    chmax = max(ch0, ch1)
    cap0 = _NS * ch0 * _CHUNK
    total = _NS * (ch0 + ch1) * _CHUNK
    src = jnp.concatenate(
        [edge_index[0], jnp.zeros((total - e,), jnp.int32)])
    dst = jnp.concatenate(
        [edge_index[1], jnp.full((total - e,), _JUNK, jnp.int32)])
    a0s = jnp.pad(src[:cap0].reshape(_NS, ch0, _CHUNK),
                  ((0, 0), (0, chmax - ch0), (0, 0)))
    a1s = jnp.pad(src[cap0:].reshape(_NS, ch1, _CHUNK),
                  ((0, 0), (0, chmax - ch1), (0, 0)))
    a0d = jnp.pad(dst[:cap0].reshape(_NS, ch0, _CHUNK),
                  ((0, 0), (0, chmax - ch0), (0, 0)),
                  constant_values=_JUNK)
    a1d = jnp.pad(dst[cap0:].reshape(_NS, ch1, _CHUNK),
                  ((0, 0), (0, chmax - ch1), (0, 0)),
                  constant_values=_JUNK)
    src3 = jnp.stack([a0s, a1s], axis=1).reshape(_NW, chmax, _CHUNK)
    dst3 = jnp.stack([a0d, a1d], axis=1).reshape(_NW, chmax, _CHUNK)
    zeros = jnp.zeros((_CHUNK, _D), jnp.float32)
    batch2 = batch.reshape(_N, 1)

    sc_aggr = _make_sc_aggr(ch0, ch1)

    h = x
    node = graph = None
    n_layers = len(params)
    for i, (w1, b1, w2, b2, gamma, beta) in enumerate(params):
        p0, p1 = sc_aggr(src3, dst3, h, zeros)
        mid, s1, s2 = _mlp_call(h, p0, p1, w1, b1.reshape(1, _D),
                                w2, b2.reshape(1, _D))
        g2 = gamma.reshape(1, _D)
        be2 = beta.reshape(1, _D)
        if i < n_layers - 1:
            h = _bn_call(mid, s1, s2, g2, be2)
        else:
            node, graph = _bn_pool_call(mid, s1, s2, g2, be2, batch2)
    return (node, graph)

# --- scband reference (transcript-rebuilt; emitter-appended) ---
"""Pipeline reference for scband-gin-89627377533181 (READ-ONLY COPY).

The authoritative reference and input builder live on the scoring server;
editing this copy changes nothing except your own understanding.
"""

import jax, jax.numpy as jnp
import numpy as np

N = 10000
E = 320000
D = 128
H = 128
L = 3
G = 64
BN_EPS = 1e-5


def setup_inputs(seed: int = 0) -> dict:
    key = jax.random.key(seed)
    ks = jax.random.split(key, 3 + 4 * L)
    x = jax.random.normal(ks[0], (N, D), dtype=jnp.float32)
    edge_index = jax.random.randint(ks[1], (2, E), 0, N, dtype=jnp.int32)
    batch = jnp.sort(jax.random.randint(ks[2], (N,), 0, G, dtype=jnp.int32))
    params = []
    for i in range(L):
        in_dim = D if i == 0 else H
        kW1 = ks[3 + 4 * i]
        kW2 = ks[3 + 4 * i + 1]
        W1 = jax.random.normal(kW1, (in_dim, H), dtype=jnp.float32) * (1.0 / np.sqrt(in_dim))
        b1 = jnp.zeros((H,), dtype=jnp.float32)
        W2 = jax.random.normal(kW2, (H, H), dtype=jnp.float32) * (1.0 / np.sqrt(H))
        b2 = jnp.zeros((H,), dtype=jnp.float32)
        gamma = jnp.ones((H,), dtype=jnp.float32)
        beta = jnp.zeros((H,), dtype=jnp.float32)
        params.append((W1, b1, W2, b2, gamma, beta))
    return {"x": x, "edge_index": edge_index, "batch": batch, "params": tuple(params)}


def _gin_conv(x, src, dst, W1, b1, W2, b2):
    # GINConv with eps=0: h = MLP((1+eps)*x + sum_{j in N(i)} x_j)
    aggr = jax.ops.segment_sum(x[src], dst, num_segments=N)
    h = x + aggr
    h = h @ W1 + b1
    h = jax.nn.relu(h)
    h = h @ W2 + b2
    return h


def _batchnorm_train(h, gamma, beta):
    mean = jnp.mean(h, axis=0)
    var = jnp.var(h, axis=0)  # biased, matches torch BN normalization
    return (h - mean) / jnp.sqrt(var + BN_EPS) * gamma + beta


def reference(x, edge_index, batch, params):
    src = edge_index[0]
    dst = edge_index[1]
    h = x
    for (W1, b1, W2, b2, gamma, beta) in params:
        h = _gin_conv(h, src, dst, W1, b1, W2, b2)
        h = _batchnorm_train(h, gamma, beta)
        h = jax.nn.relu(h)
    node_embeddings = h
    sums = jax.ops.segment_sum(h, batch, num_segments=G)
    counts = jax.ops.segment_sum(jnp.ones((N,), dtype=h.dtype), batch, num_segments=G)
    graph_embeddings = sums / jnp.clip(counts, 1.0)[:, None]
    return (node_embeddings, graph_embeddings)

if __name__ == "__main__":
    import jax
    _d = setup_inputs()
    print(jax.jit(kernel)(*tuple(_d.values())))

</pallas_src>

<mosaic_0001>
#map = affine_map<(d0, d1) -> (0, 0, 0)>
#map1 = affine_map<(d0, d1) -> (0, 0)>
module attributes {stable_mosaic.version = 14 : i64} {
  func.func @body(%arg0: i32, %arg1: i32, %arg2: memref<32x97x128xi32, #tpu.memory_space<hbm>>, %arg3: memref<32x97x128xi32, #tpu.memory_space<hbm>>, %arg4: memref<10000x128xf32, #tpu.memory_space<hbm>>, %arg5: memref<128x128xf32, #tpu.memory_space<hbm>>, %arg6: memref<10240x128xf32, #tpu.memory_space<hbm>>, %arg7: memref<10240x128xf32, #tpu.memory_space<hbm>>, %arg8: memref<10240x128xf32, #tpu.memory_space<vmem_shared>>, %arg9: memref<97x128xi32, #tpu.memory_space<vmem>>, %arg10: memref<97x128xi32, #tpu.memory_space<vmem>>, %arg11: memref<128x128xf32, #tpu.memory_space<vmem>>, %arg12: memref<!tpu.dma_semaphore, #tpu.memory_space<semaphore_mem>>) attributes {dimension_semantics = [#tpu.dimension_semantics<core_parallel>, #tpu.dimension_semantics<subcore_parallel>], iteration_bounds = array<i64: 2, 16>, scalar_prefetch = 0 : i64, scratch_operands = 5 : i64, tpu.core_type = #tpu.core_type<sc_vector_subcore>, window_params = [{transform_indices = #map}, {transform_indices = #map}, {transform_indices = #map1}, {transform_indices = #map1}, {transform_indices = #map1}, {transform_indices = #map1}]} {
    %mul3A = arith.constant 2 : i32
    %mul3A_0 = arith.muli %arg1, %mul3A : i32
    %add3A = arith.addi %mul3A_0, %arg0 : i32
    %mul3A_1 = arith.constant 640 : i32
    %mul3A_2 = arith.muli %arg1, %mul3A_1 : i32
    "tpu.region"() ({
      %run_scoped3A = tpu.sem_alloc : memref<!tpu.dma_semaphore, #tpu.memory_space<semaphore_mem>>
      tpu.enqueue_dma source(%arg5 : memref<128x128xf32, #tpu.memory_space<hbm>>) target(%arg11 : memref<128x128xf32, #tpu.memory_space<vmem>>) target_semaphore(%run_scoped3A : memref<!tpu.dma_semaphore, #tpu.memory_space<semaphore_mem>>)
      tpu.wait_dma2 semaphore(%run_scoped3A : memref<!tpu.dma_semaphore, #tpu.memory_space<semaphore_mem>>) src(%arg5 : memref<128x128xf32, #tpu.memory_space<hbm>>) dst(%arg11 : memref<128x128xf32, #tpu.memory_space<vmem>>)
      tpu.yield
    }) : () -> ()
    %add3A_3 = arith.constant 0 : i32
    %add3A_4 = arith.addi %mul3A_2, %add3A_3 : i32
    "tpu.region"() ({
      %run_scoped3A = tpu.sem_alloc : memref<!tpu.dma_semaphore, #tpu.memory_space<semaphore_mem>>
      %dma_start3A = arith.constant 0 : i32
      %dma_start3A_83 = tpu.memref_slice %arg8[%add3A_4, %dma_start3A] : memref<10240x128xf32, #tpu.memory_space<vmem_shared>> -> memref<128x128xf32, #tpu.memory_space<vmem_shared>>
      %dma_start3A_84 = arith.constant 0 : i32
      %dma_start3A_85 = tpu.memref_slice %arg8[%add3A_4, %dma_start3A_84] : memref<10240x128xf32, #tpu.memory_space<vmem_shared>> -> memref<128x128xf32, #tpu.memory_space<vmem_shared>>
      tpu.enqueue_dma source(%arg11 : memref<128x128xf32, #tpu.memory_space<vmem>>) target(%dma_start3A_85 : memref<128x128xf32, #tpu.memory_space<vmem_shared>>) target_semaphore(%run_scoped3A : memref<!tpu.dma_semaphore, #tpu.memory_space<semaphore_mem>>)
      %dma_wait3A = arith.constant 0 : i32
      %dma_wait3A_86 = tpu.memref_slice %arg8[%add3A_4, %dma_wait3A] : memref<10240x128xf32, #tpu.memory_space<vmem_shared>> -> memref<128x128xf32, #tpu.memory_space<vmem_shared>>
      %dma_wait3A_87 = arith.constant 0 : i32
      %dma_wait3A_88 = tpu.memref_slice %arg8[%add3A_4, %dma_wait3A_87] : memref<10240x128xf32, #tpu.memory_space<vmem_shared>> -> memref<128x128xf32, #tpu.memory_space<vmem_shared>>
      tpu.wait_dma2 semaphore(%run_scoped3A : memref<!tpu.dma_semaphore, #tpu.memory_space<semaphore_mem>>) src(%arg11 : memref<128x128xf32, #tpu.memory_space<vmem>>) dst(%dma_wait3A_88 : memref<128x128xf32, #tpu.memory_space<vmem_shared>>)
      tpu.yield
    }) : () -> ()
    %add3A_5 = arith.constant 128 : i32
    %add3A_6 = arith.addi %mul3A_2, %add3A_5 : i32
    "tpu.region"() ({
      %run_scoped3A = tpu.sem_alloc : memref<!tpu.dma_semaphore, #tpu.memory_space<semaphore_mem>>
      %dma_start3A = arith.constant 0 : i32
      %dma_start3A_83 = tpu.memref_slice %arg8[%add3A_6, %dma_start3A] : memref<10240x128xf32, #tpu.memory_space<vmem_shared>> -> memref<128x128xf32, #tpu.memory_space<vmem_shared>>
      %dma_start3A_84 = arith.constant 0 : i32
      %dma_start3A_85 = tpu.memref_slice %arg8[%add3A_6, %dma_start3A_84] : memref<10240x128xf32, #tpu.memory_space<vmem_shared>> -> memref<128x128xf32, #tpu.memory_space<vmem_shared>>
      tpu.enqueue_dma source(%arg11 : memref<128x128xf32, #tpu.memory_space<vmem>>) target(%dma_start3A_85 : memref<128x128xf32, #tpu.memory_space<vmem_shared>>) target_semaphore(%run_scoped3A : memref<!tpu.dma_semaphore, #tpu.memory_space<semaphore_mem>>)
      %dma_wait3A = arith.constant 0 : i32
      %dma_wait3A_86 = tpu.memref_slice %arg8[%add3A_6, %dma_wait3A] : memref<10240x128xf32, #tpu.memory_space<vmem_shared>> -> memref<128x128xf32, #tpu.memory_space<vmem_shared>>
      %dma_wait3A_87 = arith.constant 0 : i32
      %dma_wait3A_88 = tpu.memref_slice %arg8[%add3A_6, %dma_wait3A_87] : memref<10240x128xf32, #tpu.memory_space<vmem_shared>> -> memref<128x128xf32, #tpu.memory_space<vmem_shared>>
      tpu.wait_dma2 semaphore(%run_scoped3A : memref<!tpu.dma_semaphore, #tpu.memory_space<semaphore_mem>>) src(%arg11 : memref<128x128xf32, #tpu.memory_space<vmem>>) dst(%dma_wait3A_88 : memref<128x128xf32, #tpu.memory_space<vmem_shared>>)
      tpu.yield
    }) : () -> ()
    %add3A_7 = arith.constant 256 : i32
    %add3A_8 = arith.addi %mul3A_2, %add3A_7 : i32
    "tpu.region"() ({
      %run_scoped3A = tpu.sem_alloc : memref<!tpu.dma_semaphore, #tpu.memory_space<semaphore_mem>>
      %dma_start3A = arith.constant 0 : i32
      %dma_start3A_83 = tpu.memref_slice %arg8[%add3A_8, %dma_start3A] : memref<10240x128xf32, #tpu.memory_space<vmem_shared>> -> memref<128x128xf32, #tpu.memory_space<vmem_shared>>
      %dma_start3A_84 = arith.constant 0 : i32
      %dma_start3A_85 = tpu.memref_slice %arg8[%add3A_8, %dma_start3A_84] : memref<10240x128xf32, #tpu.memory_space<vmem_shared>> -> memref<128x128xf32, #tpu.memory_space<vmem_shared>>
      tpu.enqueue_dma source(%arg11 : memref<128x128xf32, #tpu.memory_space<vmem>>) target(%dma_start3A_85 : memref<128x128xf32, #tpu.memory_space<vmem_shared>>) target_semaphore(%run_scoped3A : memref<!tpu.dma_semaphore, #tpu.memory_space<semaphore_mem>>)
      %dma_wait3A = arith.constant 0 : i32
      %dma_wait3A_86 = tpu.memref_slice %arg8[%add3A_8, %dma_wait3A] : memref<10240x128xf32, #tpu.memory_space<vmem_shared>> -> memref<128x128xf32, #tpu.memory_space<vmem_shared>>
      %dma_wait3A_87 = arith.constant 0 : i32
      %dma_wait3A_88 = tpu.memref_slice %arg8[%add3A_8, %dma_wait3A_87] : memref<10240x128xf32, #tpu.memory_space<vmem_shared>> -> memref<128x128xf32, #tpu.memory_space<vmem_shared>>
      tpu.wait_dma2 semaphore(%run_scoped3A : memref<!tpu.dma_semaphore, #tpu.memory_space<semaphore_mem>>) src(%arg11 : memref<128x128xf32, #tpu.memory_space<vmem>>) dst(%dma_wait3A_88 : memref<128x128xf32, #tpu.memory_space<vmem_shared>>)
      tpu.yield
    }) : () -> ()
    %add3A_9 = arith.constant 384 : i32
    %add3A_10 = arith.addi %mul3A_2, %add3A_9 : i32
    "tpu.region"() ({
      %run_scoped3A = tpu.sem_alloc : memref<!tpu.dma_semaphore, #tpu.memory_space<semaphore_mem>>
      %dma_start3A = arith.constant 0 : i32
      %dma_start3A_83 = tpu.memref_slice %arg8[%add3A_10, %dma_start3A] : memref<10240x128xf32, #tpu.memory_space<vmem_shared>> -> memref<128x128xf32, #tpu.memory_space<vmem_shared>>
      %dma_start3A_84 = arith.constant 0 : i32
      %dma_start3A_85 = tpu.memref_slice %arg8[%add3A_10, %dma_start3A_84] : memref<10240x128xf32, #tpu.memory_space<vmem_shared>> -> memref<128x128xf32, #tpu.memory_space<vmem_shared>>
      tpu.enqueue_dma source(%arg11 : memref<128x128xf32, #tpu.memory_space<vmem>>) target(%dma_start3A_85 : memref<128x128xf32, #tpu.memory_space<vmem_shared>>) target_semaphore(%run_scoped3A : memref<!tpu.dma_semaphore, #tpu.memory_space<semaphore_mem>>)
      %dma_wait3A = arith.constant 0 : i32
      %dma_wait3A_86 = tpu.memref_slice %arg8[%add3A_10, %dma_wait3A] : memref<10240x128xf32, #tpu.memory_space<vmem_shared>> -> memref<128x128xf32, #tpu.memory_space<vmem_shared>>
      %dma_wait3A_87 = arith.constant 0 : i32
      %dma_wait3A_88 = tpu.memref_slice %arg8[%add3A_10, %dma_wait3A_87] : memref<10240x128xf32, #tpu.memory_space<vmem_shared>> -> memref<128x128xf32, #tpu.memory_space<vmem_shared>>
      tpu.wait_dma2 semaphore(%run_scoped3A : memref<!tpu.dma_semaphore, #tpu.memory_space<semaphore_mem>>) src(%arg11 : memref<128x128xf32, #tpu.memory_space<vmem>>) dst(%dma_wait3A_88 : memref<128x128xf32, #tpu.memory_space<vmem_shared>>)
      tpu.yield
    }) : () -> ()
    %add3A_11 = arith.constant 512 : i32
    %add3A_12 = arith.addi %mul3A_2, %add3A_11 : i32
    "tpu.region"() ({
      %run_scoped3A = tpu.sem_alloc : memref<!tpu.dma_semaphore, #tpu.memory_space<semaphore_mem>>
      %dma_start3A = arith.constant 0 : i32
      %dma_start3A_83 = tpu.memref_slice %arg8[%add3A_12, %dma_start3A] : memref<10240x128xf32, #tpu.memory_space<vmem_shared>> -> memref<128x128xf32, #tpu.memory_space<vmem_shared>>
      %dma_start3A_84 = arith.constant 0 : i32
      %dma_start3A_85 = tpu.memref_slice %arg8[%add3A_12, %dma_start3A_84] : memref<10240x128xf32, #tpu.memory_space<vmem_shared>> -> memref<128x128xf32, #tpu.memory_space<vmem_shared>>
      tpu.enqueue_dma source(%arg11 : memref<128x128xf32, #tpu.memory_space<vmem>>) target(%dma_start3A_85 : memref<128x128xf32, #tpu.memory_space<vmem_shared>>) target_semaphore(%run_scoped3A : memref<!tpu.dma_semaphore, #tpu.memory_space<semaphore_mem>>)
      %dma_wait3A = arith.constant 0 : i32
      %dma_wait3A_86 = tpu.memref_slice %arg8[%add3A_12, %dma_wait3A] : memref<10240x128xf32, #tpu.memory_space<vmem_shared>> -> memref<128x128xf32, #tpu.memory_space<vmem_shared>>
      %dma_wait3A_87 = arith.constant 0 : i32
      %dma_wait3A_88 = tpu.memref_slice %arg8[%add3A_12, %dma_wait3A_87] : memref<10240x128xf32, #tpu.memory_space<vmem_shared>> -> memref<128x128xf32, #tpu.memory_space<vmem_shared>>
      tpu.wait_dma2 semaphore(%run_scoped3A : memref<!tpu.dma_semaphore, #tpu.memory_space<semaphore_mem>>) src(%arg11 : memref<128x128xf32, #tpu.memory_space<vmem>>) dst(%dma_wait3A_88 : memref<128x128xf32, #tpu.memory_space<vmem_shared>>)
      tpu.yield
    }) : () -> ()
    "tpu.region"() ({
      %run_scoped3A = tpu.sem_alloc : memref<!tpu.dma_semaphore, #tpu.memory_space<semaphore_mem>>
      %dma_start3A = arith.constant 0 : i32
      %dma_start3A_83 = arith.constant 0 : i32
      %dma_start3A_84 = tpu.memref_slice %arg2[%add3A, %dma_start3A, %dma_start3A_83] : memref<32x97x128xi32, #tpu.memory_space<hbm>> -> memref<1x97x128xi32, #tpu.memory_space<hbm>>
      %dma_start3A_85 = tpu.memref_squeeze %dma_start3A_84 : memref<1x97x128xi32, #tpu.memory_space<hbm>> -> memref<97x128xi32, #tpu.memory_space<hbm>>
      %dma_start3A_86 = arith.constant 0 : i32
      %dma_start3A_87 = arith.constant 0 : i32
      %dma_start3A_88 = tpu.memref_slice %arg2[%add3A, %dma_start3A_86, %dma_start3A_87] : memref<32x97x128xi32, #tpu.memory_space<hbm>> -> memref<1x97x128xi32, #tpu.memory_space<hbm>>
      %dma_start3A_89 = tpu.memref_squeeze %dma_start3A_88 : memref<1x97x128xi32, #tpu.memory_space<hbm>> -> memref<97x128xi32, #tpu.memory_space<hbm>>
      tpu.enqueue_dma source(%dma_start3A_89 : memref<97x128xi32, #tpu.memory_space<hbm>>) target(%arg9 : memref<97x128xi32, #tpu.memory_space<vmem>>) target_semaphore(%run_scoped3A : memref<!tpu.dma_semaphore, #tpu.memory_space<semaphore_mem>>)
      %dma_wait3A = arith.constant 0 : i32
      %dma_wait3A_90 = arith.constant 0 : i32
      %dma_wait3A_91 = tpu.memref_slice %arg2[%add3A, %dma_wait3A, %dma_wait3A_90] : memref<32x97x128xi32, #tpu.memory_space<hbm>> -> memref<1x97x128xi32, #tpu.memory_space<hbm>>
      %dma_wait3A_92 = tpu.memref_squeeze %dma_wait3A_91 : memref<1x97x128xi32, #tpu.memory_space<hbm>> -> memref<97x128xi32, #tpu.memory_space<hbm>>
      %dma_wait3A_93 = arith.constant 0 : i32
      %dma_wait3A_94 = arith.constant 0 : i32
      %dma_wait3A_95 = tpu.memref_slice %arg2[%add3A, %dma_wait3A_93, %dma_wait3A_94] : memref<32x97x128xi32, #tpu.memory_space<hbm>> -> memref<1x97x128xi32, #tpu.memory_space<hbm>>
      %dma_wait3A_96 = tpu.memref_squeeze %dma_wait3A_95 : memref<1x97x128xi32, #tpu.memory_space<hbm>> -> memref<97x128xi32, #tpu.memory_space<hbm>>
      tpu.wait_dma2 semaphore(%run_scoped3A : memref<!tpu.dma_semaphore, #tpu.memory_space<semaphore_mem>>) src(%dma_wait3A_96 : memref<97x128xi32, #tpu.memory_space<hbm>>) dst(%arg9 : memref<97x128xi32, #tpu.memory_space<vmem>>)
      tpu.yield
    }) : () -> ()
    "tpu.region"() ({
      %run_scoped3A = tpu.sem_alloc : memref<!tpu.dma_semaphore, #tpu.memory_space<semaphore_mem>>
      %dma_start3A = arith.constant 0 : i32
      %dma_start3A_83 = arith.constant 0 : i32
      %dma_start3A_84 = tpu.memref_slice %arg3[%add3A, %dma_start3A, %dma_start3A_83] : memref<32x97x128xi32, #tpu.memory_space<hbm>> -> memref<1x97x128xi32, #tpu.memory_space<hbm>>
      %dma_start3A_85 = tpu.memref_squeeze %dma_start3A_84 : memref<1x97x128xi32, #tpu.memory_space<hbm>> -> memref<97x128xi32, #tpu.memory_space<hbm>>
      %dma_start3A_86 = arith.constant 0 : i32
      %dma_start3A_87 = arith.constant 0 : i32
      %dma_start3A_88 = tpu.memref_slice %arg3[%add3A, %dma_start3A_86, %dma_start3A_87] : memref<32x97x128xi32, #tpu.memory_space<hbm>> -> memref<1x97x128xi32, #tpu.memory_space<hbm>>
      %dma_start3A_89 = tpu.memref_squeeze %dma_start3A_88 : memref<1x97x128xi32, #tpu.memory_space<hbm>> -> memref<97x128xi32, #tpu.memory_space<hbm>>
      tpu.enqueue_dma source(%dma_start3A_89 : memref<97x128xi32, #tpu.memory_space<hbm>>) target(%arg10 : memref<97x128xi32, #tpu.memory_space<vmem>>) target_semaphore(%run_scoped3A : memref<!tpu.dma_semaphore, #tpu.memory_space<semaphore_mem>>)
      %dma_wait3A = arith.constant 0 : i32
      %dma_wait3A_90 = arith.constant 0 : i32
      %dma_wait3A_91 = tpu.memref_slice %arg3[%add3A, %dma_wait3A, %dma_wait3A_90] : memref<32x97x128xi32, #tpu.memory_space<hbm>> -> memref<1x97x128xi32, #tpu.memory_space<hbm>>
      %dma_wait3A_92 = tpu.memref_squeeze %dma_wait3A_91 : memref<1x97x128xi32, #tpu.memory_space<hbm>> -> memref<97x128xi32, #tpu.memory_space<hbm>>
      %dma_wait3A_93 = arith.constant 0 : i32
      %dma_wait3A_94 = arith.constant 0 : i32
      %dma_wait3A_95 = tpu.memref_slice %arg3[%add3A, %dma_wait3A_93, %dma_wait3A_94] : memref<32x97x128xi32, #tpu.memory_space<hbm>> -> memref<1x97x128xi32, #tpu.memory_space<hbm>>
      %dma_wait3A_96 = tpu.memref_squeeze %dma_wait3A_95 : memref<1x97x128xi32, #tpu.memory_space<hbm>> -> memref<97x128xi32, #tpu.memory_space<hbm>>
      tpu.wait_dma2 semaphore(%run_scoped3A : memref<!tpu.dma_semaphore, #tpu.memory_space<semaphore_mem>>) src(%dma_wait3A_96 : memref<97x128xi32, #tpu.memory_space<hbm>>) dst(%arg10 : memref<97x128xi32, #tpu.memory_space<vmem>>)
      tpu.yield
    }) : () -> ()
    %barrier3A = arith.constant 0 : index
    tpu.barrier barrier_id(%barrier3A)
    %eq3A = arith.constant 0 : i32
    %eq3A_13 = arith.cmpi eq, %arg0, %eq3A : i32
    %jit3A = arith.constant 97 : i32
    %jit3A_14 = arith.constant 60 : i32
    %select_n3A = arith.select %eq3A_13, %jit3A, %jit3A_14 : i32
    %while3A = arith.constant 0 : i32
    %while3A_15 = arith.constant 0 : i32
    %while3A_16 = arith.subi %select_n3A, %while3A_15 : i32
    %while3A_17 = arith.addi %while3A_15, %while3A_16 : i32
    %while3A_18 = arith.constant 1 : i32
    %while3A_19 = arith.divsi %while3A_16, %while3A_18 : i32
    %while3A_20 = arith.muli %while3A_19, %while3A_18 : i32
    %while3A_21 = arith.addi %while3A_15, %while3A_20 : i32
    %while3A_22 = arith.constant 1 : i32
    scf.for %while3A_83 = %while3A_15 to %while3A_21 step %while3A_22  : i32 {
      %dma_start3A = arith.constant 0 : i32
      %dma_start3A_84 = tpu.memref_slice %arg9[%while3A_83, %dma_start3A] : memref<97x128xi32, #tpu.memory_space<vmem>> -> memref<1x128xi32, #tpu.memory_space<vmem>>
      %dma_start3A_85 = tpu.memref_squeeze %dma_start3A_84 : memref<1x128xi32, #tpu.memory_space<vmem>> -> memref<128xi32, #tpu.memory_space<vmem>>
      %dma_start3A_86 = arith.constant 0 : i32
      %dma_start3A_87 = arith.constant 0 : i32
      %dma_start3A_88 = tpu.memref_slice %arg4[%dma_start3A_86, %dma_start3A_87] : memref<10000x128xf32, #tpu.memory_space<hbm>> -> memref<10000x128xf32, #tpu.memory_space<hbm>>
      tpu.enqueue_indirect_dma source(%dma_start3A_88 : memref<10000x128xf32, #tpu.memory_space<hbm>>) target(%arg11 : memref<128x128xf32, #tpu.memory_space<vmem>>) offsets(%dma_start3A_85 : memref<128xi32, #tpu.memory_space<vmem>>) semaphore(%arg12 : memref<!tpu.dma_semaphore, #tpu.memory_space<semaphore_mem>>)
      %dma_wait3A = arith.constant 0 : i32
      %dma_wait3A_89 = tpu.memref_slice %arg9[%while3A_83, %dma_wait3A] : memref<97x128xi32, #tpu.memory_space<vmem>> -> memref<1x128xi32, #tpu.memory_space<vmem>>
      %dma_wait3A_90 = tpu.memref_squeeze %dma_wait3A_89 : memref<1x128xi32, #tpu.memory_space<vmem>> -> memref<128xi32, #tpu.memory_space<vmem>>
      %dma_wait3A_91 = arith.constant 0 : i32
      %dma_wait3A_92 = arith.constant 0 : i32
      %dma_wait3A_93 = tpu.memref_slice %arg4[%dma_wait3A_91, %dma_wait3A_92] : memref<10000x128xf32, #tpu.memory_space<hbm>> -> memref<10000x128xf32, #tpu.memory_space<hbm>>
      tpu.wait_indirect_dma semaphore(%arg12 : memref<!tpu.dma_semaphore, #tpu.memory_space<semaphore_mem>>) src(%dma_wait3A_93 : memref<10000x128xf32, #tpu.memory_space<hbm>>) dst(%arg11 : memref<128x128xf32, #tpu.memory_space<vmem>>)
      "tpu.region"() ({
        %run_scoped3A = tpu.sem_alloc : memref<!tpu.dma_semaphore, #tpu.memory_space<semaphore_mem>>
        %dma_start3A_94 = arith.constant 0 : i32
        %dma_start3A_95 = tpu.memref_slice %arg10[%while3A_83, %dma_start3A_94] : memref<97x128xi32, #tpu.memory_space<vmem>> -> memref<1x128xi32, #tpu.memory_space<vmem>>
        %dma_start3A_96 = tpu.memref_squeeze %dma_start3A_95 : memref<1x128xi32, #tpu.memory_space<vmem>> -> memref<128xi32, #tpu.memory_space<vmem>>
        %dma_start3A_97 = arith.constant 0 : i32
        %dma_start3A_98 = arith.constant 0 : i32
        %dma_start3A_99 = tpu.memref_slice %arg8[%dma_start3A_97, %dma_start3A_98] : memref<10240x128xf32, #tpu.memory_space<vmem_shared>> -> memref<10240x128xf32, #tpu.memory_space<vmem_shared>>
        tpu.enqueue_indirect_dma source(%arg11 : memref<128x128xf32, #tpu.memory_space<vmem>>) target(%dma_start3A_99 : memref<10240x128xf32, #tpu.memory_space<vmem_shared>>) offsets(%dma_start3A_96 : memref<128xi32, #tpu.memory_space<vmem>>) semaphore(%run_scoped3A : memref<!tpu.dma_semaphore, #tpu.memory_space<semaphore_mem>>) {add = true}
        %dma_wait3A_100 = arith.constant 0 : i32
        %dma_wait3A_101 = tpu.memref_slice %arg10[%while3A_83, %dma_wait3A_100] : memref<97x128xi32, #tpu.memory_space<vmem>> -> memref<1x128xi32, #tpu.memory_space<vmem>>
        %dma_wait3A_102 = tpu.memref_squeeze %dma_wait3A_101 : memref<1x128xi32, #tpu.memory_space<vmem>> -> memref<128xi32, #tpu.memory_space<vmem>>
        %dma_wait3A_103 = arith.constant 0 : i32
        %dma_wait3A_104 = arith.constant 0 : i32
        %dma_wait3A_105 = tpu.memref_slice %arg8[%dma_wait3A_103, %dma_wait3A_104] : memref<10240x128xf32, #tpu.memory_space<vmem_shared>> -> memref<10240x128xf32, #tpu.memory_space<vmem_shared>>
        tpu.wait_indirect_dma semaphore(%run_scoped3A : memref<!tpu.dma_semaphore, #tpu.memory_space<semaphore_mem>>) src(%arg11 : memref<128x128xf32, #tpu.memory_space<vmem>>) dst(%dma_wait3A_105 : memref<10240x128xf32, #tpu.memory_space<vmem_shared>>)
        tpu.yield
      }) : () -> ()
    }
    %while3A_23 = arith.constant 1 : i32
    scf.for %while3A_83 = %while3A_21 to %while3A_17 step %while3A_23  : i32 {
      %dma_start3A = arith.constant 0 : i32
      %dma_start3A_84 = tpu.memref_slice %arg9[%while3A_83, %dma_start3A] : memref<97x128xi32, #tpu.memory_space<vmem>> -> memref<1x128xi32, #tpu.memory_space<vmem>>
      %dma_start3A_85 = tpu.memref_squeeze %dma_start3A_84 : memref<1x128xi32, #tpu.memory_space<vmem>> -> memref<128xi32, #tpu.memory_space<vmem>>
      %dma_start3A_86 = arith.constant 0 : i32
      %dma_start3A_87 = arith.constant 0 : i32
      %dma_start3A_88 = tpu.memref_slice %arg4[%dma_start3A_86, %dma_start3A_87] : memref<10000x128xf32, #tpu.memory_space<hbm>> -> memref<10000x128xf32, #tpu.memory_space<hbm>>
      tpu.enqueue_indirect_dma source(%dma_start3A_88 : memref<10000x128xf32, #tpu.memory_space<hbm>>) target(%arg11 : memref<128x128xf32, #tpu.memory_space<vmem>>) offsets(%dma_start3A_85 : memref<128xi32, #tpu.memory_space<vmem>>) semaphore(%arg12 : memref<!tpu.dma_semaphore, #tpu.memory_space<semaphore_mem>>)
      %dma_wait3A = arith.constant 0 : i32
      %dma_wait3A_89 = tpu.memref_slice %arg9[%while3A_83, %dma_wait3A] : memref<97x128xi32, #tpu.memory_space<vmem>> -> memref<1x128xi32, #tpu.memory_space<vmem>>
      %dma_wait3A_90 = tpu.memref_squeeze %dma_wait3A_89 : memref<1x128xi32, #tpu.memory_space<vmem>> -> memref<128xi32, #tpu.memory_space<vmem>>
      %dma_wait3A_91 = arith.constant 0 : i32
      %dma_wait3A_92 = arith.constant 0 : i32
      %dma_wait3A_93 = tpu.memref_slice %arg4[%dma_wait3A_91, %dma_wait3A_92] : memref<10000x128xf32, #tpu.memory_space<hbm>> -> memref<10000x128xf32, #tpu.memory_space<hbm>>
      tpu.wait_indirect_dma semaphore(%arg12 : memref<!tpu.dma_semaphore, #tpu.memory_space<semaphore_mem>>) src(%dma_wait3A_93 : memref<10000x128xf32, #tpu.memory_space<hbm>>) dst(%arg11 : memref<128x128xf32, #tpu.memory_space<vmem>>)
      "tpu.region"() ({
        %run_scoped3A = tpu.sem_alloc : memref<!tpu.dma_semaphore, #tpu.memory_space<semaphore_mem>>
        %dma_start3A_94 = arith.constant 0 : i32
        %dma_start3A_95 = tpu.memref_slice %arg10[%while3A_83, %dma_start3A_94] : memref<97x128xi32, #tpu.memory_space<vmem>> -> memref<1x128xi32, #tpu.memory_space<vmem>>
        %dma_start3A_96 = tpu.memref_squeeze %dma_start3A_95 : memref<1x128xi32, #tpu.memory_space<vmem>> -> memref<128xi32, #tpu.memory_space<vmem>>
        %dma_start3A_97 = arith.constant 0 : i32
        %dma_start3A_98 = arith.constant 0 : i32
        %dma_start3A_99 = tpu.memref_slice %arg8[%dma_start3A_97, %dma_start3A_98] : memref<10240x128xf32, #tpu.memory_space<vmem_shared>> -> memref<10240x128xf32, #tpu.memory_space<vmem_shared>>
        tpu.enqueue_indirect_dma source(%arg11 : memref<128x128xf32, #tpu.memory_space<vmem>>) target(%dma_start3A_99 : memref<10240x128xf32, #tpu.memory_space<vmem_shared>>) offsets(%dma_start3A_96 : memref<128xi32, #tpu.memory_space<vmem>>) semaphore(%run_scoped3A : memref<!tpu.dma_semaphore, #tpu.memory_space<semaphore_mem>>) {add = true}
        %dma_wait3A_100 = arith.constant 0 : i32
        %dma_wait3A_101 = tpu.memref_slice %arg10[%while3A_83, %dma_wait3A_100] : memref<97x128xi32, #tpu.memory_space<vmem>> -> memref<1x128xi32, #tpu.memory_space<vmem>>
        %dma_wait3A_102 = tpu.memref_squeeze %dma_wait3A_101 : memref<1x128xi32, #tpu.memory_space<vmem>> -> memref<128xi32, #tpu.memory_space<vmem>>
        %dma_wait3A_103 = arith.constant 0 : i32
        %dma_wait3A_104 = arith.constant 0 : i32
        %dma_wait3A_105 = tpu.memref_slice %arg8[%dma_wait3A_103, %dma_wait3A_104] : memref<10240x128xf32, #tpu.memory_space<vmem_shared>> -> memref<10240x128xf32, #tpu.memory_space<vmem_shared>>
        tpu.wait_indirect_dma semaphore(%run_scoped3A : memref<!tpu.dma_semaphore, #tpu.memory_space<semaphore_mem>>) src(%arg11 : memref<128x128xf32, #tpu.memory_space<vmem>>) dst(%dma_wait3A_105 : memref<10240x128xf32, #tpu.memory_space<vmem_shared>>)
        tpu.yield
      }) : () -> ()
    }
    %barrier3A_24 = arith.constant 0 : index
    tpu.barrier barrier_id(%barrier3A_24)
    %add3A_25 = arith.constant 0 : i32
    %add3A_26 = arith.addi %mul3A_2, %add3A_25 : i32
    "tpu.region"() ({
      %run_scoped3A = tpu.sem_alloc : memref<!tpu.dma_semaphore, #tpu.memory_space<semaphore_mem>>
      %dma_start3A = arith.constant 0 : i32
      %dma_start3A_83 = tpu.memref_slice %arg8[%add3A_26, %dma_start3A] : memref<10240x128xf32, #tpu.memory_space<vmem_shared>> -> memref<128x128xf32, #tpu.memory_space<vmem_shared>>
      %dma_start3A_84 = arith.constant 0 : i32
      %dma_start3A_85 = tpu.memref_slice %arg8[%add3A_26, %dma_start3A_84] : memref<10240x128xf32, #tpu.memory_space<vmem_shared>> -> memref<128x128xf32, #tpu.memory_space<vmem_shared>>
      tpu.enqueue_dma source(%dma_start3A_85 : memref<128x128xf32, #tpu.memory_space<vmem_shared>>) target(%arg11 : memref<128x128xf32, #tpu.memory_space<vmem>>) target_semaphore(%run_scoped3A : memref<!tpu.dma_semaphore, #tpu.memory_space<semaphore_mem>>)
      %dma_wait3A = arith.constant 0 : i32
      %dma_wait3A_86 = tpu.memref_slice %arg8[%add3A_26, %dma_wait3A] : memref<10240x128xf32, #tpu.memory_space<vmem_shared>> -> memref<128x128xf32, #tpu.memory_space<vmem_shared>>
      %dma_wait3A_87 = arith.constant 0 : i32
      %dma_wait3A_88 = tpu.memref_slice %arg8[%add3A_26, %dma_wait3A_87] : memref<10240x128xf32, #tpu.memory_space<vmem_shared>> -> memref<128x128xf32, #tpu.memory_space<vmem_shared>>
      tpu.wait_dma2 semaphore(%run_scoped3A : memref<!tpu.dma_semaphore, #tpu.memory_space<semaphore_mem>>) src(%dma_wait3A_88 : memref<128x128xf32, #tpu.memory_space<vmem_shared>>) dst(%arg11 : memref<128x128xf32, #tpu.memory_space<vmem>>)
      tpu.yield
    }) : () -> ()
    %eq3A_27 = arith.constant 0 : i32
    %eq3A_28 = arith.cmpi eq, %arg0, %eq3A_27 : i32
    %convert_element_type3A = arith.extui %eq3A_28 : i1 to i32
    %cond3A = arith.constant 0 : i32
    %cond3A_29 = arith.cmpi ne, %convert_element_type3A, %cond3A : i32
    scf.if %cond3A_29 {
      "tpu.region"() ({
        %run_scoped3A = tpu.sem_alloc : memref<!tpu.dma_semaphore, #tpu.memory_space<semaphore_mem>>
        %dma_start3A = arith.constant 0 : i32
        %dma_start3A_83 = tpu.memref_slice %arg6[%add3A_26, %dma_start3A] : memref<10240x128xf32, #tpu.memory_space<hbm>> -> memref<128x128xf32, #tpu.memory_space<hbm>>
        %dma_start3A_84 = arith.constant 0 : i32
        %dma_start3A_85 = tpu.memref_slice %arg6[%add3A_26, %dma_start3A_84] : memref<10240x128xf32, #tpu.memory_space<hbm>> -> memref<128x128xf32, #tpu.memory_space<hbm>>
        tpu.enqueue_dma source(%arg11 : memref<128x128xf32, #tpu.memory_space<vmem>>) target(%dma_start3A_85 : memref<128x128xf32, #tpu.memory_space<hbm>>) target_semaphore(%run_scoped3A : memref<!tpu.dma_semaphore, #tpu.memory_space<semaphore_mem>>)
        %dma_wait3A = arith.constant 0 : i32
        %dma_wait3A_86 = tpu.memref_slice %arg6[%add3A_26, %dma_wait3A] : memref<10240x128xf32, #tpu.memory_space<hbm>> -> memref<128x128xf32, #tpu.memory_space<hbm>>
        %dma_wait3A_87 = arith.constant 0 : i32
        %dma_wait3A_88 = tpu.memref_slice %arg6[%add3A_26, %dma_wait3A_87] : memref<10240x128xf32, #tpu.memory_space<hbm>> -> memref<128x128xf32, #tpu.memory_space<hbm>>
        tpu.wait_dma2 semaphore(%run_scoped3A : memref<!tpu.dma_semaphore, #tpu.memory_space<semaphore_mem>>) src(%arg11 : memref<128x128xf32, #tpu.memory_space<vmem>>) dst(%dma_wait3A_88 : memref<128x128xf32, #tpu.memory_space<hbm>>)
        tpu.yield
      }) : () -> ()
    } else {
    }
    %eq3A_30 = arith.constant 1 : i32
    %eq3A_31 = arith.cmpi eq, %arg0, %eq3A_30 : i32
    %convert_element_type3A_32 = arith.extui %eq3A_31 : i1 to i32
    %cond3A_33 = arith.constant 0 : i32
    %cond3A_34 = arith.cmpi ne, %convert_element_type3A_32, %cond3A_33 : i32
    scf.if %cond3A_34 {
      "tpu.region"() ({
        %run_scoped3A = tpu.sem_alloc : memref<!tpu.dma_semaphore, #tpu.memory_space<semaphore_mem>>
        %dma_start3A = arith.constant 0 : i32
        %dma_start3A_83 = tpu.memref_slice %arg7[%add3A_26, %dma_start3A] : memref<10240x128xf32, #tpu.memory_space<hbm>> -> memref<128x128xf32, #tpu.memory_space<hbm>>
        %dma_start3A_84 = arith.constant 0 : i32
        %dma_start3A_85 = tpu.memref_slice %arg7[%add3A_26, %dma_start3A_84] : memref<10240x128xf32, #tpu.memory_space<hbm>> -> memref<128x128xf32, #tpu.memory_space<hbm>>
        tpu.enqueue_dma source(%arg11 : memref<128x128xf32, #tpu.memory_space<vmem>>) target(%dma_start3A_85 : memref<128x128xf32, #tpu.memory_space<hbm>>) target_semaphore(%run_scoped3A : memref<!tpu.dma_semaphore, #tpu.memory_space<semaphore_mem>>)
        %dma_wait3A = arith.constant 0 : i32
        %dma_wait3A_86 = tpu.memref_slice %arg7[%add3A_26, %dma_wait3A] : memref<10240x128xf32, #tpu.memory_space<hbm>> -> memref<128x128xf32, #tpu.memory_space<hbm>>
        %dma_wait3A_87 = arith.constant 0 : i32
        %dma_wait3A_88 = tpu.memref_slice %arg7[%add3A_26, %dma_wait3A_87] : memref<10240x128xf32, #tpu.memory_space<hbm>> -> memref<128x128xf32, #tpu.memory_space<hbm>>
        tpu.wait_dma2 semaphore(%run_scoped3A : memref<!tpu.dma_semaphore, #tpu.memory_space<semaphore_mem>>) src(%arg11 : memref<128x128xf32, #tpu.memory_space<vmem>>) dst(%dma_wait3A_88 : memref<128x128xf32, #tpu.memory_space<hbm>>)
        tpu.yield
      }) : () -> ()
    } else {
    }
    %add3A_35 = arith.constant 128 : i32
    %add3A_36 = arith.addi %mul3A_2, %add3A_35 : i32
    "tpu.region"() ({
      %run_scoped3A = tpu.sem_alloc : memref<!tpu.dma_semaphore, #tpu.memory_space<semaphore_mem>>
      %dma_start3A = arith.constant 0 : i32
      %dma_start3A_83 = tpu.memref_slice %arg8[%add3A_36, %dma_start3A] : memref<10240x128xf32, #tpu.memory_space<vmem_shared>> -> memref<128x128xf32, #tpu.memory_space<vmem_shared>>
      %dma_start3A_84 = arith.constant 0 : i32
      %dma_start3A_85 = tpu.memref_slice %arg8[%add3A_36, %dma_start3A_84] : memref<10240x128xf32, #tpu.memory_space<vmem_shared>> -> memref<128x128xf32, #tpu.memory_space<vmem_shared>>
      tpu.enqueue_dma source(%dma_start3A_85 : memref<128x128xf32, #tpu.memory_space<vmem_shared>>) target(%arg11 : memref<128x128xf32, #tpu.memory_space<vmem>>) target_semaphore(%run_scoped3A : memref<!tpu.dma_semaphore, #tpu.memory_space<semaphore_mem>>)
      %dma_wait3A = arith.constant 0 : i32
      %dma_wait3A_86 = tpu.memref_slice %arg8[%add3A_36, %dma_wait3A] : memref<10240x128xf32, #tpu.memory_space<vmem_shared>> -> memref<128x128xf32, #tpu.memory_space<vmem_shared>>
      %dma_wait3A_87 = arith.constant 0 : i32
      %dma_wait3A_88 = tpu.memref_slice %arg8[%add3A_36, %dma_wait3A_87] : memref<10240x128xf32, #tpu.memory_space<vmem_shared>> -> memref<128x128xf32, #tpu.memory_space<vmem_shared>>
      tpu.wait_dma2 semaphore(%run_scoped3A : memref<!tpu.dma_semaphore, #tpu.memory_space<semaphore_mem>>) src(%dma_wait3A_88 : memref<128x128xf32, #tpu.memory_space<vmem_shared>>) dst(%arg11 : memref<128x128xf32, #tpu.memory_space<vmem>>)
      tpu.yield
    }) : () -> ()
    %eq3A_37 = arith.constant 0 : i32
    %eq3A_38 = arith.cmpi eq, %arg0, %eq3A_37 : i32
    %convert_element_type3A_39 = arith.extui %eq3A_38 : i1 to i32
    %cond3A_40 = arith.constant 0 : i32
    %cond3A_41 = arith.cmpi ne, %convert_element_type3A_39, %cond3A_40 : i32
    scf.if %cond3A_41 {
      "tpu.region"() ({
        %run_scoped3A = tpu.sem_alloc : memref<!tpu.dma_semaphore, #tpu.memory_space<semaphore_mem>>
        %dma_start3A = arith.constant 0 : i32
        %dma_start3A_83 = tpu.memref_slice %arg6[%add3A_36, %dma_start3A] : memref<10240x128xf32, #tpu.memory_space<hbm>> -> memref<128x128xf32, #tpu.memory_space<hbm>>
        %dma_start3A_84 = arith.constant 0 : i32
        %dma_start3A_85 = tpu.memref_slice %arg6[%add3A_36, %dma_start3A_84] : memref<10240x128xf32, #tpu.memory_space<hbm>> -> memref<128x128xf32, #tpu.memory_space<hbm>>
        tpu.enqueue_dma source(%arg11 : memref<128x128xf32, #tpu.memory_space<vmem>>) target(%dma_start3A_85 : memref<128x128xf32, #tpu.memory_space<hbm>>) target_semaphore(%run_scoped3A : memref<!tpu.dma_semaphore, #tpu.memory_space<semaphore_mem>>)
        %dma_wait3A = arith.constant 0 : i32
        %dma_wait3A_86 = tpu.memref_slice %arg6[%add3A_36, %dma_wait3A] : memref<10240x128xf32, #tpu.memory_space<hbm>> -> memref<128x128xf32, #tpu.memory_space<hbm>>
        %dma_wait3A_87 = arith.constant 0 : i32
        %dma_wait3A_88 = tpu.memref_slice %arg6[%add3A_36, %dma_wait3A_87] : memref<10240x128xf32, #tpu.memory_space<hbm>> -> memref<128x128xf32, #tpu.memory_space<hbm>>
        tpu.wait_dma2 semaphore(%run_scoped3A : memref<!tpu.dma_semaphore, #tpu.memory_space<semaphore_mem>>) src(%arg11 : memref<128x128xf32, #tpu.memory_space<vmem>>) dst(%dma_wait3A_88 : memref<128x128xf32, #tpu.memory_space<hbm>>)
        tpu.yield
      }) : () -> ()
    } else {
    }
    %eq3A_42 = arith.constant 1 : i32
    %eq3A_43 = arith.cmpi eq, %arg0, %eq3A_42 : i32
    %convert_element_type3A_44 = arith.extui %eq3A_43 : i1 to i32
    %cond3A_45 = arith.constant 0 : i32
    %cond3A_46 = arith.cmpi ne, %convert_element_type3A_44, %cond3A_45 : i32
    scf.if %cond3A_46 {
      "tpu.region"() ({
        %run_scoped3A = tpu.sem_alloc : memref<!tpu.dma_semaphore, #tpu.memory_space<semaphore_mem>>
        %dma_start3A = arith.constant 0 : i32
        %dma_start3A_83 = tpu.memref_slice %arg7[%add3A_36, %dma_start3A] : memref<10240x128xf32, #tpu.memory_space<hbm>> -> memref<128x128xf32, #tpu.memory_space<hbm>>
        %dma_start3A_84 = arith.constant 0 : i32
        %dma_start3A_85 = tpu.memref_slice %arg7[%add3A_36, %dma_start3A_84] : memref<10240x128xf32, #tpu.memory_space<hbm>> -> memref<128x128xf32, #tpu.memory_space<hbm>>
        tpu.enqueue_dma source(%arg11 : memref<128x128xf32, #tpu.memory_space<vmem>>) target(%dma_start3A_85 : memref<128x128xf32, #tpu.memory_space<hbm>>) target_semaphore(%run_scoped3A : memref<!tpu.dma_semaphore, #tpu.memory_space<semaphore_mem>>)
        %dma_wait3A = arith.constant 0 : i32
        %dma_wait3A_86 = tpu.memref_slice %arg7[%add3A_36, %dma_wait3A] : memref<10240x128xf32, #tpu.memory_space<hbm>> -> memref<128x128xf32, #tpu.memory_space<hbm>>
        %dma_wait3A_87 = arith.constant 0 : i32
        %dma_wait3A_88 = tpu.memref_slice %arg7[%add3A_36, %dma_wait3A_87] : memref<10240x128xf32, #tpu.memory_space<hbm>> -> memref<128x128xf32, #tpu.memory_space<hbm>>
        tpu.wait_dma2 semaphore(%run_scoped3A : memref<!tpu.dma_semaphore, #tpu.memory_space<semaphore_mem>>) src(%arg11 : memref<128x128xf32, #tpu.memory_space<vmem>>) dst(%dma_wait3A_88 : memref<128x128xf32, #tpu.memory_space<hbm>>)
        tpu.yield
      }) : () -> ()
    } else {
    }
    %add3A_47 = arith.constant 256 : i32
    %add3A_48 = arith.addi %mul3A_2, %add3A_47 : i32
    "tpu.region"() ({
      %run_scoped3A = tpu.sem_alloc : memref<!tpu.dma_semaphore, #tpu.memory_space<semaphore_mem>>
      %dma_start3A = arith.constant 0 : i32
      %dma_start3A_83 = tpu.memref_slice %arg8[%add3A_48, %dma_start3A] : memref<10240x128xf32, #tpu.memory_space<vmem_shared>> -> memref<128x128xf32, #tpu.memory_space<vmem_shared>>
      %dma_start3A_84 = arith.constant 0 : i32
      %dma_start3A_85 = tpu.memref_slice %arg8[%add3A_48, %dma_start3A_84] : memref<10240x128xf32, #tpu.memory_space<vmem_shared>> -> memref<128x128xf32, #tpu.memory_space<vmem_shared>>
      tpu.enqueue_dma source(%dma_start3A_85 : memref<128x128xf32, #tpu.memory_space<vmem_shared>>) target(%arg11 : memref<128x128xf32, #tpu.memory_space<vmem>>) target_semaphore(%run_scoped3A : memref<!tpu.dma_semaphore, #tpu.memory_space<semaphore_mem>>)
      %dma_wait3A = arith.constant 0 : i32
      %dma_wait3A_86 = tpu.memref_slice %arg8[%add3A_48, %dma_wait3A] : memref<10240x128xf32, #tpu.memory_space<vmem_shared>> -> memref<128x128xf32, #tpu.memory_space<vmem_shared>>
      %dma_wait3A_87 = arith.constant 0 : i32
      %dma_wait3A_88 = tpu.memref_slice %arg8[%add3A_48, %dma_wait3A_87] : memref<10240x128xf32, #tpu.memory_space<vmem_shared>> -> memref<128x128xf32, #tpu.memory_space<vmem_shared>>
      tpu.wait_dma2 semaphore(%run_scoped3A : memref<!tpu.dma_semaphore, #tpu.memory_space<semaphore_mem>>) src(%dma_wait3A_88 : memref<128x128xf32, #tpu.memory_space<vmem_shared>>) dst(%arg11 : memref<128x128xf32, #tpu.memory_space<vmem>>)
      tpu.yield
    }) : () -> ()
    %eq3A_49 = arith.constant 0 : i32
    %eq3A_50 = arith.cmpi eq, %arg0, %eq3A_49 : i32
    %convert_element_type3A_51 = arith.extui %eq3A_50 : i1 to i32
    %cond3A_52 = arith.constant 0 : i32
    %cond3A_53 = arith.cmpi ne, %convert_element_type3A_51, %cond3A_52 : i32
    scf.if %cond3A_53 {
      "tpu.region"() ({
        %run_scoped3A = tpu.sem_alloc : memref<!tpu.dma_semaphore, #tpu.memory_space<semaphore_mem>>
        %dma_start3A = arith.constant 0 : i32
        %dma_start3A_83 = tpu.memref_slice %arg6[%add3A_48, %dma_start3A] : memref<10240x128xf32, #tpu.memory_space<hbm>> -> memref<128x128xf32, #tpu.memory_space<hbm>>
        %dma_start3A_84 = arith.constant 0 : i32
        %dma_start3A_85 = tpu.memref_slice %arg6[%add3A_48, %dma_start3A_84] : memref<10240x128xf32, #tpu.memory_space<hbm>> -> memref<128x128xf32, #tpu.memory_space<hbm>>
        tpu.enqueue_dma source(%arg11 : memref<128x128xf32, #tpu.memory_space<vmem>>) target(%dma_start3A_85 : memref<128x128xf32, #tpu.memory_space<hbm>>) target_semaphore(%run_scoped3A : memref<!tpu.dma_semaphore, #tpu.memory_space<semaphore_mem>>)
        %dma_wait3A = arith.constant 0 : i32
        %dma_wait3A_86 = tpu.memref_slice %arg6[%add3A_48, %dma_wait3A] : memref<10240x128xf32, #tpu.memory_space<hbm>> -> memref<128x128xf32, #tpu.memory_space<hbm>>
        %dma_wait3A_87 = arith.constant 0 : i32
        %dma_wait3A_88 = tpu.memref_slice %arg6[%add3A_48, %dma_wait3A_87] : memref<10240x128xf32, #tpu.memory_space<hbm>> -> memref<128x128xf32, #tpu.memory_space<hbm>>
        tpu.wait_dma2 semaphore(%run_scoped3A : memref<!tpu.dma_semaphore, #tpu.memory_space<semaphore_mem>>) src(%arg11 : memref<128x128xf32, #tpu.memory_space<vmem>>) dst(%dma_wait3A_88 : memref<128x128xf32, #tpu.memory_space<hbm>>)
        tpu.yield
      }) : () -> ()
    } else {
    }
    %eq3A_54 = arith.constant 1 : i32
    %eq3A_55 = arith.cmpi eq, %arg0, %eq3A_54 : i32
    %convert_element_type3A_56 = arith.extui %eq3A_55 : i1 to i32
    %cond3A_57 = arith.constant 0 : i32
    %cond3A_58 = arith.cmpi ne, %convert_element_type3A_56, %cond3A_57 : i32
    scf.if %cond3A_58 {
      "tpu.region"() ({
        %run_scoped3A = tpu.sem_alloc : memref<!tpu.dma_semaphore, #tpu.memory_space<semaphore_mem>>
        %dma_start3A = arith.constant 0 : i32
        %dma_start3A_83 = tpu.memref_slice %arg7[%add3A_48, %dma_start3A] : memref<10240x128xf32, #tpu.memory_space<hbm>> -> memref<128x128xf32, #tpu.memory_space<hbm>>
        %dma_start3A_84 = arith.constant 0 : i32
        %dma_start3A_85 = tpu.memref_slice %arg7[%add3A_48, %dma_start3A_84] : memref<10240x128xf32, #tpu.memory_space<hbm>> -> memref<128x128xf32, #tpu.memory_space<hbm>>
        tpu.enqueue_dma source(%arg11 : memref<128x128xf32, #tpu.memory_space<vmem>>) target(%dma_start3A_85 : memref<128x128xf32, #tpu.memory_space<hbm>>) target_semaphore(%run_scoped3A : memref<!tpu.dma_semaphore, #tpu.memory_space<semaphore_mem>>)
        %dma_wait3A = arith.constant 0 : i32
        %dma_wait3A_86 = tpu.memref_slice %arg7[%add3A_48, %dma_wait3A] : memref<10240x128xf32, #tpu.memory_space<hbm>> -> memref<128x128xf32, #tpu.memory_space<hbm>>
        %dma_wait3A_87 = arith.constant 0 : i32
        %dma_wait3A_88 = tpu.memref_slice %arg7[%add3A_48, %dma_wait3A_87] : memref<10240x128xf32, #tpu.memory_space<hbm>> -> memref<128x128xf32, #tpu.memory_space<hbm>>
        tpu.wait_dma2 semaphore(%run_scoped3A : memref<!tpu.dma_semaphore, #tpu.memory_space<semaphore_mem>>) src(%arg11 : memref<128x128xf32, #tpu.memory_space<vmem>>) dst(%dma_wait3A_88 : memref<128x128xf32, #tpu.memory_space<hbm>>)
        tpu.yield
      }) : () -> ()
    } else {
    }
    %add3A_59 = arith.constant 384 : i32
    %add3A_60 = arith.addi %mul3A_2, %add3A_59 : i32
    "tpu.region"() ({
      %run_scoped3A = tpu.sem_alloc : memref<!tpu.dma_semaphore, #tpu.memory_space<semaphore_mem>>
      %dma_start3A = arith.constant 0 : i32
      %dma_start3A_83 = tpu.memref_slice %arg8[%add3A_60, %dma_start3A] : memref<10240x128xf32, #tpu.memory_space<vmem_shared>> -> memref<128x128xf32, #tpu.memory_space<vmem_shared>>
      %dma_start3A_84 = arith.constant 0 : i32
      %dma_start3A_85 = tpu.memref_slice %arg8[%add3A_60, %dma_start3A_84] : memref<10240x128xf32, #tpu.memory_space<vmem_shared>> -> memref<128x128xf32, #tpu.memory_space<vmem_shared>>
      tpu.enqueue_dma source(%dma_start3A_85 : memref<128x128xf32, #tpu.memory_space<vmem_shared>>) target(%arg11 : memref<128x128xf32, #tpu.memory_space<vmem>>) target_semaphore(%run_scoped3A : memref<!tpu.dma_semaphore, #tpu.memory_space<semaphore_mem>>)
      %dma_wait3A = arith.constant 0 : i32
      %dma_wait3A_86 = tpu.memref_slice %arg8[%add3A_60, %dma_wait3A] : memref<10240x128xf32, #tpu.memory_space<vmem_shared>> -> memref<128x128xf32, #tpu.memory_space<vmem_shared>>
      %dma_wait3A_87 = arith.constant 0 : i32
      %dma_wait3A_88 = tpu.memref_slice %arg8[%add3A_60, %dma_wait3A_87] : memref<10240x128xf32, #tpu.memory_space<vmem_shared>> -> memref<128x128xf32, #tpu.memory_space<vmem_shared>>
      tpu.wait_dma2 semaphore(%run_scoped3A : memref<!tpu.dma_semaphore, #tpu.memory_space<semaphore_mem>>) src(%dma_wait3A_88 : memref<128x128xf32, #tpu.memory_space<vmem_shared>>) dst(%arg11 : memref<128x128xf32, #tpu.memory_space<vmem>>)
      tpu.yield
    }) : () -> ()
    %eq3A_61 = arith.constant 0 : i32
    %eq3A_62 = arith.cmpi eq, %arg0, %eq3A_61 : i32
    %convert_element_type3A_63 = arith.extui %eq3A_62 : i1 to i32
    %cond3A_64 = arith.constant 0 : i32
    %cond3A_65 = arith.cmpi ne, %convert_element_type3A_63, %cond3A_64 : i32
    scf.if %cond3A_65 {
      "tpu.region"() ({
        %run_scoped3A = tpu.sem_alloc : memref<!tpu.dma_semaphore, #tpu.memory_space<semaphore_mem>>
        %dma_start3A = arith.constant 0 : i32
        %dma_start3A_83 = tpu.memref_slice %arg6[%add3A_60, %dma_start3A] : memref<10240x128xf32, #tpu.memory_space<hbm>> -> memref<128x128xf32, #tpu.memory_space<hbm>>
        %dma_start3A_84 = arith.constant 0 : i32
        %dma_start3A_85 = tpu.memref_slice %arg6[%add3A_60, %dma_start3A_84] : memref<10240x128xf32, #tpu.memory_space<hbm>> -> memref<128x128xf32, #tpu.memory_space<hbm>>
        tpu.enqueue_dma source(%arg11 : memref<128x128xf32, #tpu.memory_space<vmem>>) target(%dma_start3A_85 : memref<128x128xf32, #tpu.memory_space<hbm>>) target_semaphore(%run_scoped3A : memref<!tpu.dma_semaphore, #tpu.memory_space<semaphore_mem>>)
        %dma_wait3A = arith.constant 0 : i32
        %dma_wait3A_86 = tpu.memref_slice %arg6[%add3A_60, %dma_wait3A] : memref<10240x128xf32, #tpu.memory_space<hbm>> -> memref<128x128xf32, #tpu.memory_space<hbm>>
        %dma_wait3A_87 = arith.constant 0 : i32
        %dma_wait3A_88 = tpu.memref_slice %arg6[%add3A_60, %dma_wait3A_87] : memref<10240x128xf32, #tpu.memory_space<hbm>> -> memref<128x128xf32, #tpu.memory_space<hbm>>
        tpu.wait_dma2 semaphore(%run_scoped3A : memref<!tpu.dma_semaphore, #tpu.memory_space<semaphore_mem>>) src(%arg11 : memref<128x128xf32, #tpu.memory_space<vmem>>) dst(%dma_wait3A_88 : memref<128x128xf32, #tpu.memory_space<hbm>>)
        tpu.yield
      }) : () -> ()
    } else {
    }
    %eq3A_66 = arith.constant 1 : i32
    %eq3A_67 = arith.cmpi eq, %arg0, %eq3A_66 : i32
    %convert_element_type3A_68 = arith.extui %eq3A_67 : i1 to i32
    %cond3A_69 = arith.constant 0 : i32
    %cond3A_70 = arith.cmpi ne, %convert_element_type3A_68, %cond3A_69 : i32
    scf.if %cond3A_70 {
      "tpu.region"() ({
        %run_scoped3A = tpu.sem_alloc : memref<!tpu.dma_semaphore, #tpu.memory_space<semaphore_mem>>
        %dma_start3A = arith.constant 0 : i32
        %dma_start3A_83 = tpu.memref_slice %arg7[%add3A_60, %dma_start3A] : memref<10240x128xf32, #tpu.memory_space<hbm>> -> memref<128x128xf32, #tpu.memory_space<hbm>>
        %dma_start3A_84 = arith.constant 0 : i32
        %dma_start3A_85 = tpu.memref_slice %arg7[%add3A_60, %dma_start3A_84] : memref<10240x128xf32, #tpu.memory_space<hbm>> -> memref<128x128xf32, #tpu.memory_space<hbm>>
        tpu.enqueue_dma source(%arg11 : memref<128x128xf32, #tpu.memory_space<vmem>>) target(%dma_start3A_85 : memref<128x128xf32, #tpu.memory_space<hbm>>) target_semaphore(%run_scoped3A : memref<!tpu.dma_semaphore, #tpu.memory_space<semaphore_mem>>)
        %dma_wait3A = arith.constant 0 : i32
        %dma_wait3A_86 = tpu.memref_slice %arg7[%add3A_60, %dma_wait3A] : memref<10240x128xf32, #tpu.memory_space<hbm>> -> memref<128x128xf32, #tpu.memory_space<hbm>>
        %dma_wait3A_87 = arith.constant 0 : i32
        %dma_wait3A_88 = tpu.memref_slice %arg7[%add3A_60, %dma_wait3A_87] : memref<10240x128xf32, #tpu.memory_space<hbm>> -> memref<128x128xf32, #tpu.memory_space<hbm>>
        tpu.wait_dma2 semaphore(%run_scoped3A : memref<!tpu.dma_semaphore, #tpu.memory_space<semaphore_mem>>) src(%arg11 : memref<128x128xf32, #tpu.memory_space<vmem>>) dst(%dma_wait3A_88 : memref<128x128xf32, #tpu.memory_space<hbm>>)
        tpu.yield
      }) : () -> ()
    } else {
    }
    %add3A_71 = arith.constant 512 : i32
    %add3A_72 = arith.addi %mul3A_2, %add3A_71 : i32
    "tpu.region"() ({
      %run_scoped3A = tpu.sem_alloc : memref<!tpu.dma_semaphore, #tpu.memory_space<semaphore_mem>>
      %dma_start3A = arith.constant 0 : i32
      %dma_start3A_83 = tpu.memref_slice %arg8[%add3A_72, %dma_start3A] : memref<10240x128xf32, #tpu.memory_space<vmem_shared>> -> memref<128x128xf32, #tpu.memory_space<vmem_shared>>
      %dma_start3A_84 = arith.constant 0 : i32
      %dma_start3A_85 = tpu.memref_slice %arg8[%add3A_72, %dma_start3A_84] : memref<10240x128xf32, #tpu.memory_space<vmem_shared>> -> memref<128x128xf32, #tpu.memory_space<vmem_shared>>
      tpu.enqueue_dma source(%dma_start3A_85 : memref<128x128xf32, #tpu.memory_space<vmem_shared>>) target(%arg11 : memref<128x128xf32, #tpu.memory_space<vmem>>) target_semaphore(%run_scoped3A : memref<!tpu.dma_semaphore, #tpu.memory_space<semaphore_mem>>)
      %dma_wait3A = arith.constant 0 : i32
      %dma_wait3A_86 = tpu.memref_slice %arg8[%add3A_72, %dma_wait3A] : memref<10240x128xf32, #tpu.memory_space<vmem_shared>> -> memref<128x128xf32, #tpu.memory_space<vmem_shared>>
      %dma_wait3A_87 = arith.constant 0 : i32
      %dma_wait3A_88 = tpu.memref_slice %arg8[%add3A_72, %dma_wait3A_87] : memref<10240x128xf32, #tpu.memory_space<vmem_shared>> -> memref<128x128xf32, #tpu.memory_space<vmem_shared>>
      tpu.wait_dma2 semaphore(%run_scoped3A : memref<!tpu.dma_semaphore, #tpu.memory_space<semaphore_mem>>) src(%dma_wait3A_88 : memref<128x128xf32, #tpu.memory_space<vmem_shared>>) dst(%arg11 : memref<128x128xf32, #tpu.memory_space<vmem>>)
      tpu.yield
    }) : () -> ()
    %eq3A_73 = arith.constant 0 : i32
    %eq3A_74 = arith.cmpi eq, %arg0, %eq3A_73 : i32
    %convert_element_type3A_75 = arith.extui %eq3A_74 : i1 to i32
    %cond3A_76 = arith.constant 0 : i32
    %cond3A_77 = arith.cmpi ne, %convert_element_type3A_75, %cond3A_76 : i32
    scf.if %cond3A_77 {
      "tpu.region"() ({
        %run_scoped3A = tpu.sem_alloc : memref<!tpu.dma_semaphore, #tpu.memory_space<semaphore_mem>>
        %dma_start3A = arith.constant 0 : i32
        %dma_start3A_83 = tpu.memref_slice %arg6[%add3A_72, %dma_start3A] : memref<10240x128xf32, #tpu.memory_space<hbm>> -> memref<128x128xf32, #tpu.memory_space<hbm>>
        %dma_start3A_84 = arith.constant 0 : i32
        %dma_start3A_85 = tpu.memref_slice %arg6[%add3A_72, %dma_start3A_84] : memref<10240x128xf32, #tpu.memory_space<hbm>> -> memref<128x128xf32, #tpu.memory_space<hbm>>
        tpu.enqueue_dma source(%arg11 : memref<128x128xf32, #tpu.memory_space<vmem>>) target(%dma_start3A_85 : memref<128x128xf32, #tpu.memory_space<hbm>>) target_semaphore(%run_scoped3A : memref<!tpu.dma_semaphore, #tpu.memory_space<semaphore_mem>>)
        %dma_wait3A = arith.constant 0 : i32
        %dma_wait3A_86 = tpu.memref_slice %arg6[%add3A_72, %dma_wait3A] : memref<10240x128xf32, #tpu.memory_space<hbm>> -> memref<128x128xf32, #tpu.memory_space<hbm>>
        %dma_wait3A_87 = arith.constant 0 : i32
        %dma_wait3A_88 = tpu.memref_slice %arg6[%add3A_72, %dma_wait3A_87] : memref<10240x128xf32, #tpu.memory_space<hbm>> -> memref<128x128xf32, #tpu.memory_space<hbm>>
        tpu.wait_dma2 semaphore(%run_scoped3A : memref<!tpu.dma_semaphore, #tpu.memory_space<semaphore_mem>>) src(%arg11 : memref<128x128xf32, #tpu.memory_space<vmem>>) dst(%dma_wait3A_88 : memref<128x128xf32, #tpu.memory_space<hbm>>)
        tpu.yield
      }) : () -> ()
    } else {
    }
    %eq3A_78 = arith.constant 1 : i32
    %eq3A_79 = arith.cmpi eq, %arg0, %eq3A_78 : i32
    %convert_element_type3A_80 = arith.extui %eq3A_79 : i1 to i32
    %cond3A_81 = arith.constant 0 : i32
    %cond3A_82 = arith.cmpi ne, %convert_element_type3A_80, %cond3A_81 : i32
    scf.if %cond3A_82 {
      "tpu.region"() ({
        %run_scoped3A = tpu.sem_alloc : memref<!tpu.dma_semaphore, #tpu.memory_space<semaphore_mem>>
        %dma_start3A = arith.constant 0 : i32
        %dma_start3A_83 = tpu.memref_slice %arg7[%add3A_72, %dma_start3A] : memref<10240x128xf32, #tpu.memory_space<hbm>> -> memref<128x128xf32, #tpu.memory_space<hbm>>
        %dma_start3A_84 = arith.constant 0 : i32
        %dma_start3A_85 = tpu.memref_slice %arg7[%add3A_72, %dma_start3A_84] : memref<10240x128xf32, #tpu.memory_space<hbm>> -> memref<128x128xf32, #tpu.memory_space<hbm>>
        tpu.enqueue_dma source(%arg11 : memref<128x128xf32, #tpu.memory_space<vmem>>) target(%dma_start3A_85 : memref<128x128xf32, #tpu.memory_space<hbm>>) target_semaphore(%run_scoped3A : memref<!tpu.dma_semaphore, #tpu.memory_space<semaphore_mem>>)
        %dma_wait3A = arith.constant 0 : i32
        %dma_wait3A_86 = tpu.memref_slice %arg7[%add3A_72, %dma_wait3A] : memref<10240x128xf32, #tpu.memory_space<hbm>> -> memref<128x128xf32, #tpu.memory_space<hbm>>
        %dma_wait3A_87 = arith.constant 0 : i32
        %dma_wait3A_88 = tpu.memref_slice %arg7[%add3A_72, %dma_wait3A_87] : memref<10240x128xf32, #tpu.memory_space<hbm>> -> memref<128x128xf32, #tpu.memory_space<hbm>>
        tpu.wait_dma2 semaphore(%run_scoped3A : memref<!tpu.dma_semaphore, #tpu.memory_space<semaphore_mem>>) src(%arg11 : memref<128x128xf32, #tpu.memory_space<vmem>>) dst(%dma_wait3A_88 : memref<128x128xf32, #tpu.memory_space<hbm>>)
        tpu.yield
      }) : () -> ()
    } else {
    }
    return
  }
}

#map = affine_map<(d0, d1) -> (0, 0, 0)>
#map1 = affine_map<(d0, d1) -> (0, 0)>
module attributes {stable_mosaic.version = 14 : i64} {
  func.func @body(%arg0: i32, %arg1: i32, %arg2: memref<32x97x128xi32, #tpu.memory_space<hbm>>, %arg3: memref<32x97x128xi32, #tpu.memory_space<hbm>>, %arg4: memref<10000x128xf32, #tpu.memory_space<hbm>>, %arg5: memref<128x128xf32, #tpu.memory_space<hbm>>, %arg6: memref<10240x128xf32, #tpu.memory_space<hbm>>, %arg7: memref<10240x128xf32, #tpu.memory_space<hbm>>, %arg8: memref<10240x128xf32, #tpu.memory_space<vmem_shared>>, %arg9: memref<97x128xi32, #tpu.memory_space<vmem>>, %arg10: memref<97x128xi32, #tpu.memory_space<vmem>>, %arg11: memref<128x128xf32, #tpu.memory_space<vmem>>, %arg12: memref<!tpu.dma_semaphore, #tpu.memory_space<semaphore_mem>>) attributes {dimension_semantics = [#tpu.dimension_semantics<core_parallel>, #tpu.dimension_semantics<subcore_parallel>], iteration_bounds = array<i64: 2, 16>, scalar_prefetch = 0 : i64, scratch_operands = 5 : i64, tpu.core_type = #tpu.core_type<sc_vector_subcore>, window_params = [{transform_indices = #map}, {transform_indices = #map}, {transform_indices = #map1}, {transform_indices = #map1}, {transform_indices = #map1}, {transform_indices = #map1}]} {
    %mul3A = arith.constant 2 : i32
    %mul3A_0 = arith.muli %arg1, %mul3A : i32
    %add3A = arith.addi %mul3A_0, %arg0 : i32
    %mul3A_1 = arith.constant 640 : i32
    %mul3A_2 = arith.muli %arg1, %mul3A_1 : i32
    "tpu.region"() ({
      %run_scoped3A = tpu.sem_alloc : memref<!tpu.dma_semaphore, #tpu.memory_space<semaphore_mem>>
      tpu.enqueue_dma source(%arg5 : memref<128x128xf32, #tpu.memory_space<hbm>>) target(%arg11 : memref<128x128xf32, #tpu.memory_space<vmem>>) target_semaphore(%run_scoped3A : memref<!tpu.dma_semaphore, #tpu.memory_space<semaphore_mem>>)
      tpu.wait_dma2 semaphore(%run_scoped3A : memref<!tpu.dma_semaphore, #tpu.memory_space<semaphore_mem>>) src(%arg5 : memref<128x128xf32, #tpu.memory_space<hbm>>) dst(%arg11 : memref<128x128xf32, #tpu.memory_space<vmem>>)
      tpu.yield
    }) : () -> ()
    %add3A_3 = arith.constant 0 : i32
    %add3A_4 = arith.addi %mul3A_2, %add3A_3 : i32
    "tpu.region"() ({
      %run_scoped3A = tpu.sem_alloc : memref<!tpu.dma_semaphore, #tpu.memory_space<semaphore_mem>>
      %dma_start3A = arith.constant 0 : i32
      %dma_start3A_83 = tpu.memref_slice %arg8[%add3A_4, %dma_start3A] : memref<10240x128xf32, #tpu.memory_space<vmem_shared>> -> memref<128x128xf32, #tpu.memory_space<vmem_shared>>
      %dma_start3A_84 = arith.constant 0 : i32
      %dma_start3A_85 = tpu.memref_slice %arg8[%add3A_4, %dma_start3A_84] : memref<10240x128xf32, #tpu.memory_space<vmem_shared>> -> memref<128x128xf32, #tpu.memory_space<vmem_shared>>
      tpu.enqueue_dma source(%arg11 : memref<128x128xf32, #tpu.memory_space<vmem>>) target(%dma_start3A_85 : memref<128x128xf32, #tpu.memory_space<vmem_shared>>) target_semaphore(%run_scoped3A : memref<!tpu.dma_semaphore, #tpu.memory_space<semaphore_mem>>)
      %dma_wait3A = arith.constant 0 : i32
      %dma_wait3A_86 = tpu.memref_slice %arg8[%add3A_4, %dma_wait3A] : memref<10240x128xf32, #tpu.memory_space<vmem_shared>> -> memref<128x128xf32, #tpu.memory_space<vmem_shared>>
      %dma_wait3A_87 = arith.constant 0 : i32
      %dma_wait3A_88 = tpu.memref_slice %arg8[%add3A_4, %dma_wait3A_87] : memref<10240x128xf32, #tpu.memory_space<vmem_shared>> -> memref<128x128xf32, #tpu.memory_space<vmem_shared>>
      tpu.wait_dma2 semaphore(%run_scoped3A : memref<!tpu.dma_semaphore, #tpu.memory_space<semaphore_mem>>) src(%arg11 : memref<128x128xf32, #tpu.memory_space<vmem>>) dst(%dma_wait3A_88 : memref<128x128xf32, #tpu.memory_space<vmem_shared>>)
      tpu.yield
    }) : () -> ()
    %add3A_5 = arith.constant 128 : i32
    %add3A_6 = arith.addi %mul3A_2, %add3A_5 : i32
    "tpu.region"() ({
      %run_scoped3A = tpu.sem_alloc : memref<!tpu.dma_semaphore, #tpu.memory_space<semaphore_mem>>
      %dma_start3A = arith.constant 0 : i32
      %dma_start3A_83 = tpu.memref_slice %arg8[%add3A_6, %dma_start3A] : memref<10240x128xf32, #tpu.memory_space<vmem_shared>> -> memref<128x128xf32, #tpu.memory_space<vmem_shared>>
      %dma_start3A_84 = arith.constant 0 : i32
      %dma_start3A_85 = tpu.memref_slice %arg8[%add3A_6, %dma_start3A_84] : memref<10240x128xf32, #tpu.memory_space<vmem_shared>> -> memref<128x128xf32, #tpu.memory_space<vmem_shared>>
      tpu.enqueue_dma source(%arg11 : memref<128x128xf32, #tpu.memory_space<vmem>>) target(%dma_start3A_85 : memref<128x128xf32, #tpu.memory_space<vmem_shared>>) target_semaphore(%run_scoped3A : memref<!tpu.dma_semaphore, #tpu.memory_space<semaphore_mem>>)
      %dma_wait3A = arith.constant 0 : i32
      %dma_wait3A_86 = tpu.memref_slice %arg8[%add3A_6, %dma_wait3A] : memref<10240x128xf32, #tpu.memory_space<vmem_shared>> -> memref<128x128xf32, #tpu.memory_space<vmem_shared>>
      %dma_wait3A_87 = arith.constant 0 : i32
      %dma_wait3A_88 = tpu.memref_slice %arg8[%add3A_6, %dma_wait3A_87] : memref<10240x128xf32, #tpu.memory_space<vmem_shared>> -> memref<128x128xf32, #tpu.memory_space<vmem_shared>>
      tpu.wait_dma2 semaphore(%run_scoped3A : memref<!tpu.dma_semaphore, #tpu.memory_space<semaphore_mem>>) src(%arg11 : memref<128x128xf32, #tpu.memory_space<vmem>>) dst(%dma_wait3A_88 : memref<128x128xf32, #tpu.memory_space<vmem_shared>>)
      tpu.yield
    }) : () -> ()
    %add3A_7 = arith.constant 256 : i32
    %add3A_8 = arith.addi %mul3A_2, %add3A_7 : i32
    "tpu.region"() ({
      %run_scoped3A = tpu.sem_alloc : memref<!tpu.dma_semaphore, #tpu.memory_space<semaphore_mem>>
      %dma_start3A = arith.constant 0 : i32
      %dma_start3A_83 = tpu.memref_slice %arg8[%add3A_8, %dma_start3A] : memref<10240x128xf32, #tpu.memory_space<vmem_shared>> -> memref<128x128xf32, #tpu.memory_space<vmem_shared>>
      %dma_start3A_84 = arith.constant 0 : i32
      %dma_start3A_85 = tpu.memref_slice %arg8[%add3A_8, %dma_start3A_84] : memref<10240x128xf32, #tpu.memory_space<vmem_shared>> -> memref<128x128xf32, #tpu.memory_space<vmem_shared>>
      tpu.enqueue_dma source(%arg11 : memref<128x128xf32, #tpu.memory_space<vmem>>) target(%dma_start3A_85 : memref<128x128xf32, #tpu.memory_space<vmem_shared>>) target_semaphore(%run_scoped3A : memref<!tpu.dma_semaphore, #tpu.memory_space<semaphore_mem>>)
      %dma_wait3A = arith.constant 0 : i32
      %dma_wait3A_86 = tpu.memref_slice %arg8[%add3A_8, %dma_wait3A] : memref<10240x128xf32, #tpu.memory_space<vmem_shared>> -> memref<128x128xf32, #tpu.memory_space<vmem_shared>>
      %dma_wait3A_87 = arith.constant 0 : i32
      %dma_wait3A_88 = tpu.memref_slice %arg8[%add3A_8, %dma_wait3A_87] : memref<10240x128xf32, #tpu.memory_space<vmem_shared>> -> memref<128x128xf32, #tpu.memory_space<vmem_shared>>
      tpu.wait_dma2 semaphore(%run_scoped3A : memref<!tpu.dma_semaphore, #tpu.memory_space<semaphore_mem>>) src(%arg11 : memref<128x128xf32, #tpu.memory_space<vmem>>) dst(%dma_wait3A_88 : memref<128x128xf32, #tpu.memory_space<vmem_shared>>)
      tpu.yield
    }) : () -> ()
    %add3A_9 = arith.constant 384 : i32
    %add3A_10 = arith.addi %mul3A_2, %add3A_9 : i32
    "tpu.region"() ({
      %run_scoped3A = tpu.sem_alloc : memref<!tpu.dma_semaphore, #tpu.memory_space<semaphore_mem>>
      %dma_start3A = arith.constant 0 : i32
      %dma_start3A_83 = tpu.memref_slice %arg8[%add3A_10, %dma_start3A] : memref<10240x128xf32, #tpu.memory_space<vmem_shared>> -> memref<128x128xf32, #tpu.memory_space<vmem_shared>>
      %dma_start3A_84 = arith.constant 0 : i32
      %dma_start3A_85 = tpu.memref_slice %arg8[%add3A_10, %dma_start3A_84] : memref<10240x128xf32, #tpu.memory_space<vmem_shared>> -> memref<128x128xf32, #tpu.memory_space<vmem_shared>>
      tpu.enqueue_dma source(%arg11 : memref<128x128xf32, #tpu.memory_space<vmem>>) target(%dma_start3A_85 : memref<128x128xf32, #tpu.memory_space<vmem_shared>>) target_semaphore(%run_scoped3A : memref<!tpu.dma_semaphore, #tpu.memory_space<semaphore_mem>>)
      %dma_wait3A = arith.constant 0 : i32
      %dma_wait3A_86 = tpu.memref_slice %arg8[%add3A_10, %dma_wait3A] : memref<10240x128xf32, #tpu.memory_space<vmem_shared>> -> memref<128x128xf32, #tpu.memory_space<vmem_shared>>
      %dma_wait3A_87 = arith.constant 0 : i32
      %dma_wait3A_88 = tpu.memref_slice %arg8[%add3A_10, %dma_wait3A_87] : memref<10240x128xf32, #tpu.memory_space<vmem_shared>> -> memref<128x128xf32, #tpu.memory_space<vmem_shared>>
      tpu.wait_dma2 semaphore(%run_scoped3A : memref<!tpu.dma_semaphore, #tpu.memory_space<semaphore_mem>>) src(%arg11 : memref<128x128xf32, #tpu.memory_space<vmem>>) dst(%dma_wait3A_88 : memref<128x128xf32, #tpu.memory_space<vmem_shared>>)
      tpu.yield
    }) : () -> ()
    %add3A_11 = arith.constant 512 : i32
    %add3A_12 = arith.addi %mul3A_2, %add3A_11 : i32
    "tpu.region"() ({
      %run_scoped3A = tpu.sem_alloc : memref<!tpu.dma_semaphore, #tpu.memory_space<semaphore_mem>>
      %dma_start3A = arith.constant 0 : i32
      %dma_start3A_83 = tpu.memref_slice %arg8[%add3A_12, %dma_start3A] : memref<10240x128xf32, #tpu.memory_space<vmem_shared>> -> memref<128x128xf32, #tpu.memory_space<vmem_shared>>
      %dma_start3A_84 = arith.constant 0 : i32
      %dma_start3A_85 = tpu.memref_slice %arg8[%add3A_12, %dma_start3A_84] : memref<10240x128xf32, #tpu.memory_space<vmem_shared>> -> memref<128x128xf32, #tpu.memory_space<vmem_shared>>
      tpu.enqueue_dma source(%arg11 : memref<128x128xf32, #tpu.memory_space<vmem>>) target(%dma_start3A_85 : memref<128x128xf32, #tpu.memory_space<vmem_shared>>) target_semaphore(%run_scoped3A : memref<!tpu.dma_semaphore, #tpu.memory_space<semaphore_mem>>)
      %dma_wait3A = arith.constant 0 : i32
      %dma_wait3A_86 = tpu.memref_slice %arg8[%add3A_12, %dma_wait3A] : memref<10240x128xf32, #tpu.memory_space<vmem_shared>> -> memref<128x128xf32, #tpu.memory_space<vmem_shared>>
      %dma_wait3A_87 = arith.constant 0 : i32
      %dma_wait3A_88 = tpu.memref_slice %arg8[%add3A_12, %dma_wait3A_87] : memref<10240x128xf32, #tpu.memory_space<vmem_shared>> -> memref<128x128xf32, #tpu.memory_space<vmem_shared>>
      tpu.wait_dma2 semaphore(%run_scoped3A : memref<!tpu.dma_semaphore, #tpu.memory_space<semaphore_mem>>) src(%arg11 : memref<128x128xf32, #tpu.memory_space<vmem>>) dst(%dma_wait3A_88 : memref<128x128xf32, #tpu.memory_space<vmem_shared>>)
      tpu.yield
    }) : () -> ()
    "tpu.region"() ({
      %run_scoped3A = tpu.sem_alloc : memref<!tpu.dma_semaphore, #tpu.memory_space<semaphore_mem>>
      %dma_start3A = arith.constant 0 : i32
      %dma_start3A_83 = arith.constant 0 : i32
      %dma_start3A_84 = tpu.memref_slice %arg2[%add3A, %dma_start3A, %dma_start3A_83] : memref<32x97x128xi32, #tpu.memory_space<hbm>> -> memref<1x97x128xi32, #tpu.memory_space<hbm>>
      %dma_start3A_85 = tpu.memref_squeeze %dma_start3A_84 : memref<1x97x128xi32, #tpu.memory_space<hbm>> -> memref<97x128xi32, #tpu.memory_space<hbm>>
      %dma_start3A_86 = arith.constant 0 : i32
      %dma_start3A_87 = arith.constant 0 : i32
      %dma_start3A_88 = tpu.memref_slice %arg2[%add3A, %dma_start3A_86, %dma_start3A_87] : memref<32x97x128xi32, #tpu.memory_space<hbm>> -> memref<1x97x128xi32, #tpu.memory_space<hbm>>
      %dma_start3A_89 = tpu.memref_squeeze %dma_start3A_88 : memref<1x97x128xi32, #tpu.memory_space<hbm>> -> memref<97x128xi32, #tpu.memory_space<hbm>>
      tpu.enqueue_dma source(%dma_start3A_89 : memref<97x128xi32, #tpu.memory_space<hbm>>) target(%arg9 : memref<97x128xi32, #tpu.memory_space<vmem>>) target_semaphore(%run_scoped3A : memref<!tpu.dma_semaphore, #tpu.memory_space<semaphore_mem>>)
      %dma_wait3A = arith.constant 0 : i32
      %dma_wait3A_90 = arith.constant 0 : i32
      %dma_wait3A_91 = tpu.memref_slice %arg2[%add3A, %dma_wait3A, %dma_wait3A_90] : memref<32x97x128xi32, #tpu.memory_space<hbm>> -> memref<1x97x128xi32, #tpu.memory_space<hbm>>
      %dma_wait3A_92 = tpu.memref_squeeze %dma_wait3A_91 : memref<1x97x128xi32, #tpu.memory_space<hbm>> -> memref<97x128xi32, #tpu.memory_space<hbm>>
      %dma_wait3A_93 = arith.constant 0 : i32
      %dma_wait3A_94 = arith.constant 0 : i32
      %dma_wait3A_95 = tpu.memref_slice %arg2[%add3A, %dma_wait3A_93, %dma_wait3A_94] : memref<32x97x128xi32, #tpu.memory_space<hbm>> -> memref<1x97x128xi32, #tpu.memory_space<hbm>>
      %dma_wait3A_96 = tpu.memref_squeeze %dma_wait3A_95 : memref<1x97x128xi32, #tpu.memory_space<hbm>> -> memref<97x128xi32, #tpu.memory_space<hbm>>
      tpu.wait_dma2 semaphore(%run_scoped3A : memref<!tpu.dma_semaphore, #tpu.memory_space<semaphore_mem>>) src(%dma_wait3A_96 : memref<97x128xi32, #tpu.memory_space<hbm>>) dst(%arg9 : memref<97x128xi32, #tpu.memory_space<vmem>>)
      tpu.yield
    }) : () -> ()
    "tpu.region"() ({
      %run_scoped3A = tpu.sem_alloc : memref<!tpu.dma_semaphore, #tpu.memory_space<semaphore_mem>>
      %dma_start3A = arith.constant 0 : i32
      %dma_start3A_83 = arith.constant 0 : i32
      %dma_start3A_84 = tpu.memref_slice %arg3[%add3A, %dma_start3A, %dma_start3A_83] : memref<32x97x128xi32, #tpu.memory_space<hbm>> -> memref<1x97x128xi32, #tpu.memory_space<hbm>>
      %dma_start3A_85 = tpu.memref_squeeze %dma_start3A_84 : memref<1x97x128xi32, #tpu.memory_space<hbm>> -> memref<97x128xi32, #tpu.memory_space<hbm>>
      %dma_start3A_86 = arith.constant 0 : i32
      %dma_start3A_87 = arith.constant 0 : i32
      %dma_start3A_88 = tpu.memref_slice %arg3[%add3A, %dma_start3A_86, %dma_start3A_87] : memref<32x97x128xi32, #tpu.memory_space<hbm>> -> memref<1x97x128xi32, #tpu.memory_space<hbm>>
      %dma_start3A_89 = tpu.memref_squeeze %dma_start3A_88 : memref<1x97x128xi32, #tpu.memory_space<hbm>> -> memref<97x128xi32, #tpu.memory_space<hbm>>
      tpu.enqueue_dma source(%dma_start3A_89 : memref<97x128xi32, #tpu.memory_space<hbm>>) target(%arg10 : memref<97x128xi32, #tpu.memory_space<vmem>>) target_semaphore(%run_scoped3A : memref<!tpu.dma_semaphore, #tpu.memory_space<semaphore_mem>>)
      %dma_wait3A = arith.constant 0 : i32
      %dma_wait3A_90 = arith.constant 0 : i32
      %dma_wait3A_91 = tpu.memref_slice %arg3[%add3A, %dma_wait3A, %dma_wait3A_90] : memref<32x97x128xi32, #tpu.memory_space<hbm>> -> memref<1x97x128xi32, #tpu.memory_space<hbm>>
      %dma_wait3A_92 = tpu.memref_squeeze %dma_wait3A_91 : memref<1x97x128xi32, #tpu.memory_space<hbm>> -> memref<97x128xi32, #tpu.memory_space<hbm>>
      %dma_wait3A_93 = arith.constant 0 : i32
      %dma_wait3A_94 = arith.constant 0 : i32
      %dma_wait3A_95 = tpu.memref_slice %arg3[%add3A, %dma_wait3A_93, %dma_wait3A_94] : memref<32x97x128xi32, #tpu.memory_space<hbm>> -> memref<1x97x128xi32, #tpu.memory_space<hbm>>
      %dma_wait3A_96 = tpu.memref_squeeze %dma_wait3A_95 : memref<1x97x128xi32, #tpu.memory_space<hbm>> -> memref<97x128xi32, #tpu.memory_space<hbm>>
      tpu.wait_dma2 semaphore(%run_scoped3A : memref<!tpu.dma_semaphore, #tpu.memory_space<semaphore_mem>>) src(%dma_wait3A_96 : memref<97x128xi32, #tpu.memory_space<hbm>>) dst(%arg10 : memref<97x128xi32, #tpu.memory_space<vmem>>)
      tpu.yield
    }) : () -> ()
    %barrier3A = arith.constant 0 : index
    tpu.barrier barrier_id(%barrier3A)
    %eq3A = arith.constant 0 : i32
    %eq3A_13 = arith.cmpi eq, %arg0, %eq3A : i32
    %jit3A = arith.constant 97 : i32
    %jit3A_14 = arith.constant 60 : i32
    %select_n3A = arith.select %eq3A_13, %jit3A, %jit3A_14 : i32
    %while3A = arith.constant 0 : i32
    %while3A_15 = arith.constant 0 : i32
    %while3A_16 = arith.subi %select_n3A, %while3A_15 : i32
    %while3A_17 = arith.addi %while3A_15, %while3A_16 : i32
    %while3A_18 = arith.constant 1 : i32
    %while3A_19 = arith.divsi %while3A_16, %while3A_18 : i32
    %while3A_20 = arith.muli %while3A_19, %while3A_18 : i32
    %while3A_21 = arith.addi %while3A_15, %while3A_20 : i32
    %while3A_22 = arith.constant 1 : i32
    scf.for %while3A_83 = %while3A_15 to %while3A_21 step %while3A_22  : i32 {
      %dma_start3A = arith.constant 0 : i32
      %dma_start3A_84 = tpu.memref_slice %arg9[%while3A_83, %dma_start3A] : memref<97x128xi32, #tpu.memory_space<vmem>> -> memref<1x128xi32, #tpu.memory_space<vmem>>
      %dma_start3A_85 = tpu.memref_squeeze %dma_start3A_84 : memref<1x128xi32, #tpu.memory_space<vmem>> -> memref<128xi32, #tpu.memory_space<vmem>>
      %dma_start3A_86 = arith.constant 0 : i32
      %dma_start3A_87 = arith.constant 0 : i32
      %dma_start3A_88 = tpu.memref_slice %arg4[%dma_start3A_86, %dma_start3A_87] : memref<10000x128xf32, #tpu.memory_space<hbm>> -> memref<10000x128xf32, #tpu.memory_space<hbm>>
      tpu.enqueue_indirect_dma source(%dma_start3A_88 : memref<10000x128xf32, #tpu.memory_space<hbm>>) target(%arg11 : memref<128x128xf32, #tpu.memory_space<vmem>>) offsets(%dma_start3A_85 : memref<128xi32, #tpu.memory_space<vmem>>) semaphore(%arg12 : memref<!tpu.dma_semaphore, #tpu.memory_space<semaphore_mem>>)
      %dma_wait3A = arith.constant 0 : i32
      %dma_wait3A_89 = tpu.memref_slice %arg9[%while3A_83, %dma_wait3A] : memref<97x128xi32, #tpu.memory_space<vmem>> -> memref<1x128xi32, #tpu.memory_space<vmem>>
      %dma_wait3A_90 = tpu.memref_squeeze %dma_wait3A_89 : memref<1x128xi32, #tpu.memory_space<vmem>> -> memref<128xi32, #tpu.memory_space<vmem>>
      %dma_wait3A_91 = arith.constant 0 : i32
      %dma_wait3A_92 = arith.constant 0 : i32
      %dma_wait3A_93 = tpu.memref_slice %arg4[%dma_wait3A_91, %dma_wait3A_92] : memref<10000x128xf32, #tpu.memory_space<hbm>> -> memref<10000x128xf32, #tpu.memory_space<hbm>>
      tpu.wait_indirect_dma semaphore(%arg12 : memref<!tpu.dma_semaphore, #tpu.memory_space<semaphore_mem>>) src(%dma_wait3A_93 : memref<10000x128xf32, #tpu.memory_space<hbm>>) dst(%arg11 : memref<128x128xf32, #tpu.memory_space<vmem>>)
      "tpu.region"() ({
        %run_scoped3A = tpu.sem_alloc : memref<!tpu.dma_semaphore, #tpu.memory_space<semaphore_mem>>
        %dma_start3A_94 = arith.constant 0 : i32
        %dma_start3A_95 = tpu.memref_slice %arg10[%while3A_83, %dma_start3A_94] : memref<97x128xi32, #tpu.memory_space<vmem>> -> memref<1x128xi32, #tpu.memory_space<vmem>>
        %dma_start3A_96 = tpu.memref_squeeze %dma_start3A_95 : memref<1x128xi32, #tpu.memory_space<vmem>> -> memref<128xi32, #tpu.memory_space<vmem>>
        %dma_start3A_97 = arith.constant 0 : i32
        %dma_start3A_98 = arith.constant 0 : i32
        %dma_start3A_99 = tpu.memref_slice %arg8[%dma_start3A_97, %dma_start3A_98] : memref<10240x128xf32, #tpu.memory_space<vmem_shared>> -> memref<10240x128xf32, #tpu.memory_space<vmem_shared>>
        tpu.enqueue_indirect_dma source(%arg11 : memref<128x128xf32, #tpu.memory_space<vmem>>) target(%dma_start3A_99 : memref<10240x128xf32, #tpu.memory_space<vmem_shared>>) offsets(%dma_start3A_96 : memref<128xi32, #tpu.memory_space<vmem>>) semaphore(%run_scoped3A : memref<!tpu.dma_semaphore, #tpu.memory_space<semaphore_mem>>) {add = true}
        %dma_wait3A_100 = arith.constant 0 : i32
        %dma_wait3A_101 = tpu.memref_slice %arg10[%while3A_83, %dma_wait3A_100] : memref<97x128xi32, #tpu.memory_space<vmem>> -> memref<1x128xi32, #tpu.memory_space<vmem>>
        %dma_wait3A_102 = tpu.memref_squeeze %dma_wait3A_101 : memref<1x128xi32, #tpu.memory_space<vmem>> -> memref<128xi32, #tpu.memory_space<vmem>>
        %dma_wait3A_103 = arith.constant 0 : i32
        %dma_wait3A_104 = arith.constant 0 : i32
        %dma_wait3A_105 = tpu.memref_slice %arg8[%dma_wait3A_103, %dma_wait3A_104] : memref<10240x128xf32, #tpu.memory_space<vmem_shared>> -> memref<10240x128xf32, #tpu.memory_space<vmem_shared>>
        tpu.wait_indirect_dma semaphore(%run_scoped3A : memref<!tpu.dma_semaphore, #tpu.memory_space<semaphore_mem>>) src(%arg11 : memref<128x128xf32, #tpu.memory_space<vmem>>) dst(%dma_wait3A_105 : memref<10240x128xf32, #tpu.memory_space<vmem_shared>>)
        tpu.yield
      }) : () -> ()
    }
    %while3A_23 = arith.constant 1 : i32
    scf.for %while3A_83 = %while3A_21 to %while3A_17 step %while3A_23  : i32 {
      %dma_start3A = arith.constant 0 : i32
      %dma_start3A_84 = tpu.memref_slice %arg9[%while3A_83, %dma_start3A] : memref<97x128xi32, #tpu.memory_space<vmem>> -> memref<1x128xi32, #tpu.memory_space<vmem>>
      %dma_start3A_85 = tpu.memref_squeeze %dma_start3A_84 : memref<1x128xi32, #tpu.memory_space<vmem>> -> memref<128xi32, #tpu.memory_space<vmem>>
      %dma_start3A_86 = arith.constant 0 : i32
      %dma_start3A_87 = arith.constant 0 : i32
      %dma_start3A_88 = tpu.memref_slice %arg4[%dma_start3A_86, %dma_start3A_87] : memref<10000x128xf32, #tpu.memory_space<hbm>> -> memref<10000x128xf32, #tpu.memory_space<hbm>>
      tpu.enqueue_indirect_dma source(%dma_start3A_88 : memref<10000x128xf32, #tpu.memory_space<hbm>>) target(%arg11 : memref<128x128xf32, #tpu.memory_space<vmem>>) offsets(%dma_start3A_85 : memref<128xi32, #tpu.memory_space<vmem>>) semaphore(%arg12 : memref<!tpu.dma_semaphore, #tpu.memory_space<semaphore_mem>>)
      %dma_wait3A = arith.constant 0 : i32
      %dma_wait3A_89 = tpu.memref_slice %arg9[%while3A_83, %dma_wait3A] : memref<97x128xi32, #tpu.memory_space<vmem>> -> memref<1x128xi32, #tpu.memory_space<vmem>>
      %dma_wait3A_90 = tpu.memref_squeeze %dma_wait3A_89 : memref<1x128xi32, #tpu.memory_space<vmem>> -> memref<128xi32, #tpu.memory_space<vmem>>
      %dma_wait3A_91 = arith.constant 0 : i32
      %dma_wait3A_92 = arith.constant 0 : i32
      %dma_wait3A_93 = tpu.memref_slice %arg4[%dma_wait3A_91, %dma_wait3A_92] : memref<10000x128xf32, #tpu.memory_space<hbm>> -> memref<10000x128xf32, #tpu.memory_space<hbm>>
      tpu.wait_indirect_dma semaphore(%arg12 : memref<!tpu.dma_semaphore, #tpu.memory_space<semaphore_mem>>) src(%dma_wait3A_93 : memref<10000x128xf32, #tpu.memory_space<hbm>>) dst(%arg11 : memref<128x128xf32, #tpu.memory_space<vmem>>)
      "tpu.region"() ({
        %run_scoped3A = tpu.sem_alloc : memref<!tpu.dma_semaphore, #tpu.memory_space<semaphore_mem>>
        %dma_start3A_94 = arith.constant 0 : i32
        %dma_start3A_95 = tpu.memref_slice %arg10[%while3A_83, %dma_start3A_94] : memref<97x128xi32, #tpu.memory_space<vmem>> -> memref<1x128xi32, #tpu.memory_space<vmem>>
        %dma_start3A_96 = tpu.memref_squeeze %dma_start3A_95 : memref<1x128xi32, #tpu.memory_space<vmem>> -> memref<128xi32, #tpu.memory_space<vmem>>
        %dma_start3A_97 = arith.constant 0 : i32
        %dma_start3A_98 = arith.constant 0 : i32
        %dma_start3A_99 = tpu.memref_slice %arg8[%dma_start3A_97, %dma_start3A_98] : memref<10240x128xf32, #tpu.memory_space<vmem_shared>> -> memref<10240x128xf32, #tpu.memory_space<vmem_shared>>
        tpu.enqueue_indirect_dma source(%arg11 : memref<128x128xf32, #tpu.memory_space<vmem>>) target(%dma_start3A_99 : memref<10240x128xf32, #tpu.memory_space<vmem_shared>>) offsets(%dma_start3A_96 : memref<128xi32, #tpu.memory_space<vmem>>) semaphore(%run_scoped3A : memref<!tpu.dma_semaphore, #tpu.memory_space<semaphore_mem>>) {add = true}
        %dma_wait3A_100 = arith.constant 0 : i32
        %dma_wait3A_101 = tpu.memref_slice %arg10[%while3A_83, %dma_wait3A_100] : memref<97x128xi32, #tpu.memory_space<vmem>> -> memref<1x128xi32, #tpu.memory_space<vmem>>
        %dma_wait3A_102 = tpu.memref_squeeze %dma_wait3A_101 : memref<1x128xi32, #tpu.memory_space<vmem>> -> memref<128xi32, #tpu.memory_space<vmem>>
        %dma_wait3A_103 = arith.constant 0 : i32
        %dma_wait3A_104 = arith.constant 0 : i32
        %dma_wait3A_105 = tpu.memref_slice %arg8[%dma_wait3A_103, %dma_wait3A_104] : memref<10240x128xf32, #tpu.memory_space<vmem_shared>> -> memref<10240x128xf32, #tpu.memory_space<vmem_shared>>
        tpu.wait_indirect_dma semaphore(%run_scoped3A : memref<!tpu.dma_semaphore, #tpu.memory_space<semaphore_mem>>) src(%arg11 : memref<128x128xf32, #tpu.memory_space<vmem>>) dst(%dma_wait3A_105 : memref<10240x128xf32, #tpu.memory_space<vmem_shared>>)
        tpu.yield
      }) : () -> ()
    }
    %barrier3A_24 = arith.constant 0 : index
    tpu.barrier barrier_id(%barrier3A_24)
    %add3A_25 = arith.constant 0 : i32
    %add3A_26 = arith.addi %mul3A_2, %add3A_25 : i32
    "tpu.region"() ({
      %run_scoped3A = tpu.sem_alloc : memref<!tpu.dma_semaphore, #tpu.memory_space<semaphore_mem>>
      %dma_start3A = arith.constant 0 : i32
      %dma_start3A_83 = tpu.memref_slice %arg8[%add3A_26, %dma_start3A] : memref<10240x128xf32, #tpu.memory_space<vmem_shared>> -> memref<128x128xf32, #tpu.memory_space<vmem_shared>>
      %dma_start3A_84 = arith.constant 0 : i32
      %dma_start3A_85 = tpu.memref_slice %arg8[%add3A_26, %dma_start3A_84] : memref<10240x128xf32, #tpu.memory_space<vmem_shared>> -> memref<128x128xf32, #tpu.memory_space<vmem_shared>>
      tpu.enqueue_dma source(%dma_start3A_85 : memref<128x128xf32, #tpu.memory_space<vmem_shared>>) target(%arg11 : memref<128x128xf32, #tpu.memory_space<vmem>>) target_semaphore(%run_scoped3A : memref<!tpu.dma_semaphore, #tpu.memory_space<semaphore_mem>>)
      %dma_wait3A = arith.constant 0 : i32
      %dma_wait3A_86 = tpu.memref_slice %arg8[%add3A_26, %dma_wait3A] : memref<10240x128xf32, #tpu.memory_space<vmem_shared>> -> memref<128x128xf32, #tpu.memory_space<vmem_shared>>
      %dma_wait3A_87 = arith.constant 0 : i32
      %dma_wait3A_88 = tpu.memref_slice %arg8[%add3A_26, %dma_wait3A_87] : memref<10240x128xf32, #tpu.memory_space<vmem_shared>> -> memref<128x128xf32, #tpu.memory_space<vmem_shared>>
      tpu.wait_dma2 semaphore(%run_scoped3A : memref<!tpu.dma_semaphore, #tpu.memory_space<semaphore_mem>>) src(%dma_wait3A_88 : memref<128x128xf32, #tpu.memory_space<vmem_shared>>) dst(%arg11 : memref<128x128xf32, #tpu.memory_space<vmem>>)
      tpu.yield
    }) : () -> ()
    %eq3A_27 = arith.constant 0 : i32
    %eq3A_28 = arith.cmpi eq, %arg0, %eq3A_27 : i32
    %convert_element_type3A = arith.extui %eq3A_28 : i1 to i32
    %cond3A = arith.constant 0 : i32
    %cond3A_29 = arith.cmpi ne, %convert_element_type3A, %cond3A : i32
    scf.if %cond3A_29 {
      "tpu.region"() ({
        %run_scoped3A = tpu.sem_alloc : memref<!tpu.dma_semaphore, #tpu.memory_space<semaphore_mem>>
        %dma_start3A = arith.constant 0 : i32
        %dma_start3A_83 = tpu.memref_slice %arg6[%add3A_26, %dma_start3A] : memref<10240x128xf32, #tpu.memory_space<hbm>> -> memref<128x128xf32, #tpu.memory_space<hbm>>
        %dma_start3A_84 = arith.constant 0 : i32
        %dma_start3A_85 = tpu.memref_slice %arg6[%add3A_26, %dma_start3A_84] : memref<10240x128xf32, #tpu.memory_space<hbm>> -> memref<128x128xf32, #tpu.memory_space<hbm>>
        tpu.enqueue_dma source(%arg11 : memref<128x128xf32, #tpu.memory_space<vmem>>) target(%dma_start3A_85 : memref<128x128xf32, #tpu.memory_space<hbm>>) target_semaphore(%run_scoped3A : memref<!tpu.dma_semaphore, #tpu.memory_space<semaphore_mem>>)
        %dma_wait3A = arith.constant 0 : i32
        %dma_wait3A_86 = tpu.memref_slice %arg6[%add3A_26, %dma_wait3A] : memref<10240x128xf32, #tpu.memory_space<hbm>> -> memref<128x128xf32, #tpu.memory_space<hbm>>
        %dma_wait3A_87 = arith.constant 0 : i32
        %dma_wait3A_88 = tpu.memref_slice %arg6[%add3A_26, %dma_wait3A_87] : memref<10240x128xf32, #tpu.memory_space<hbm>> -> memref<128x128xf32, #tpu.memory_space<hbm>>
        tpu.wait_dma2 semaphore(%run_scoped3A : memref<!tpu.dma_semaphore, #tpu.memory_space<semaphore_mem>>) src(%arg11 : memref<128x128xf32, #tpu.memory_space<vmem>>) dst(%dma_wait3A_88 : memref<128x128xf32, #tpu.memory_space<hbm>>)
        tpu.yield
      }) : () -> ()
    } else {
    }
    %eq3A_30 = arith.constant 1 : i32
    %eq3A_31 = arith.cmpi eq, %arg0, %eq3A_30 : i32
    %convert_element_type3A_32 = arith.extui %eq3A_31 : i1 to i32
    %cond3A_33 = arith.constant 0 : i32
    %cond3A_34 = arith.cmpi ne, %convert_element_type3A_32, %cond3A_33 : i32
    scf.if %cond3A_34 {
      "tpu.region"() ({
        %run_scoped3A = tpu.sem_alloc : memref<!tpu.dma_semaphore, #tpu.memory_space<semaphore_mem>>
        %dma_start3A = arith.constant 0 : i32
        %dma_start3A_83 = tpu.memref_slice %arg7[%add3A_26, %dma_start3A] : memref<10240x128xf32, #tpu.memory_space<hbm>> -> memref<128x128xf32, #tpu.memory_space<hbm>>
        %dma_start3A_84 = arith.constant 0 : i32
        %dma_start3A_85 = tpu.memref_slice %arg7[%add3A_26, %dma_start3A_84] : memref<10240x128xf32, #tpu.memory_space<hbm>> -> memref<128x128xf32, #tpu.memory_space<hbm>>
        tpu.enqueue_dma source(%arg11 : memref<128x128xf32, #tpu.memory_space<vmem>>) target(%dma_start3A_85 : memref<128x128xf32, #tpu.memory_space<hbm>>) target_semaphore(%run_scoped3A : memref<!tpu.dma_semaphore, #tpu.memory_space<semaphore_mem>>)
        %dma_wait3A = arith.constant 0 : i32
        %dma_wait3A_86 = tpu.memref_slice %arg7[%add3A_26, %dma_wait3A] : memref<10240x128xf32, #tpu.memory_space<hbm>> -> memref<128x128xf32, #tpu.memory_space<hbm>>
        %dma_wait3A_87 = arith.constant 0 : i32
        %dma_wait3A_88 = tpu.memref_slice %arg7[%add3A_26, %dma_wait3A_87] : memref<10240x128xf32, #tpu.memory_space<hbm>> -> memref<128x128xf32, #tpu.memory_space<hbm>>
        tpu.wait_dma2 semaphore(%run_scoped3A : memref<!tpu.dma_semaphore, #tpu.memory_space<semaphore_mem>>) src(%arg11 : memref<128x128xf32, #tpu.memory_space<vmem>>) dst(%dma_wait3A_88 : memref<128x128xf32, #tpu.memory_space<hbm>>)
        tpu.yield
      }) : () -> ()
    } else {
    }
    %add3A_35 = arith.constant 128 : i32
    %add3A_36 = arith.addi %mul3A_2, %add3A_35 : i32
    "tpu.region"() ({
      %run_scoped3A = tpu.sem_alloc : memref<!tpu.dma_semaphore, #tpu.memory_space<semaphore_mem>>
      %dma_start3A = arith.constant 0 : i32
      %dma_start3A_83 = tpu.memref_slice %arg8[%add3A_36, %dma_start3A] : memref<10240x128xf32, #tpu.memory_space<vmem_shared>> -> memref<128x128xf32, #tpu.memory_space<vmem_shared>>
      %dma_start3A_84 = arith.constant 0 : i32
      %dma_start3A_85 = tpu.memref_slice %arg8[%add3A_36, %dma_start3A_84] : memref<10240x128xf32, #tpu.memory_space<vmem_shared>> -> memref<128x128xf32, #tpu.memory_space<vmem_shared>>
      tpu.enqueue_dma source(%dma_start3A_85 : memref<128x128xf32, #tpu.memory_space<vmem_shared>>) target(%arg11 : memref<128x128xf32, #tpu.memory_space<vmem>>) target_semaphore(%run_scoped3A : memref<!tpu.dma_semaphore, #tpu.memory_space<semaphore_mem>>)
      %dma_wait3A = arith.constant 0 : i32
      %dma_wait3A_86 = tpu.memref_slice %arg8[%add3A_36, %dma_wait3A] : memref<10240x128xf32, #tpu.memory_space<vmem_shared>> -> memref<128x128xf32, #tpu.memory_space<vmem_shared>>
      %dma_wait3A_87 = arith.constant 0 : i32
      %dma_wait3A_88 = tpu.memref_slice %arg8[%add3A_36, %dma_wait3A_87] : memref<10240x128xf32, #tpu.memory_space<vmem_shared>> -> memref<128x128xf32, #tpu.memory_space<vmem_shared>>
      tpu.wait_dma2 semaphore(%run_scoped3A : memref<!tpu.dma_semaphore, #tpu.memory_space<semaphore_mem>>) src(%dma_wait3A_88 : memref<128x128xf32, #tpu.memory_space<vmem_shared>>) dst(%arg11 : memref<128x128xf32, #tpu.memory_space<vmem>>)
      tpu.yield
    }) : () -> ()
    %eq3A_37 = arith.constant 0 : i32
    %eq3A_38 = arith.cmpi eq, %arg0, %eq3A_37 : i32
    %convert_element_type3A_39 = arith.extui %eq3A_38 : i1 to i32
    %cond3A_40 = arith.constant 0 : i32
    %cond3A_41 = arith.cmpi ne, %convert_element_type3A_39, %cond3A_40 : i32
    scf.if %cond3A_41 {
      "tpu.region"() ({
        %run_scoped3A = tpu.sem_alloc : memref<!tpu.dma_semaphore, #tpu.memory_space<semaphore_mem>>
        %dma_start3A = arith.constant 0 : i32
        %dma_start3A_83 = tpu.memref_slice %arg6[%add3A_36, %dma_start3A] : memref<10240x128xf32, #tpu.memory_space<hbm>> -> memref<128x128xf32, #tpu.memory_space<hbm>>
        %dma_start3A_84 = arith.constant 0 : i32
        %dma_start3A_85 = tpu.memref_slice %arg6[%add3A_36, %dma_start3A_84] : memref<10240x128xf32, #tpu.memory_space<hbm>> -> memref<128x128xf32, #tpu.memory_space<hbm>>
        tpu.enqueue_dma source(%arg11 : memref<128x128xf32, #tpu.memory_space<vmem>>) target(%dma_start3A_85 : memref<128x128xf32, #tpu.memory_space<hbm>>) target_semaphore(%run_scoped3A : memref<!tpu.dma_semaphore, #tpu.memory_space<semaphore_mem>>)
        %dma_wait3A = arith.constant 0 : i32
        %dma_wait3A_86 = tpu.memref_slice %arg6[%add3A_36, %dma_wait3A] : memref<10240x128xf32, #tpu.memory_space<hbm>> -> memref<128x128xf32, #tpu.memory_space<hbm>>
        %dma_wait3A_87 = arith.constant 0 : i32
        %dma_wait3A_88 = tpu.memref_slice %arg6[%add3A_36, %dma_wait3A_87] : memref<10240x128xf32, #tpu.memory_space<hbm>> -> memref<128x128xf32, #tpu.memory_space<hbm>>
        tpu.wait_dma2 semaphore(%run_scoped3A : memref<!tpu.dma_semaphore, #tpu.memory_space<semaphore_mem>>) src(%arg11 : memref<128x128xf32, #tpu.memory_space<vmem>>) dst(%dma_wait3A_88 : memref<128x128xf32, #tpu.memory_space<hbm>>)
        tpu.yield
      }) : () -> ()
    } else {
    }
    %eq3A_42 = arith.constant 1 : i32
    %eq3A_43 = arith.cmpi eq, %arg0, %eq3A_42 : i32
    %convert_element_type3A_44 = arith.extui %eq3A_43 : i1 to i32
    %cond3A_45 = arith.constant 0 : i32
    %cond3A_46 = arith.cmpi ne, %convert_element_type3A_44, %cond3A_45 : i32
    scf.if %cond3A_46 {
      "tpu.region"() ({
        %run_scoped3A = tpu.sem_alloc : memref<!tpu.dma_semaphore, #tpu.memory_space<semaphore_mem>>
        %dma_start3A = arith.constant 0 : i32
        %dma_start3A_83 = tpu.memref_slice %arg7[%add3A_36, %dma_start3A] : memref<10240x128xf32, #tpu.memory_space<hbm>> -> memref<128x128xf32, #tpu.memory_space<hbm>>
        %dma_start3A_84 = arith.constant 0 : i32
        %dma_start3A_85 = tpu.memref_slice %arg7[%add3A_36, %dma_start3A_84] : memref<10240x128xf32, #tpu.memory_space<hbm>> -> memref<128x128xf32, #tpu.memory_space<hbm>>
        tpu.enqueue_dma source(%arg11 : memref<128x128xf32, #tpu.memory_space<vmem>>) target(%dma_start3A_85 : memref<128x128xf32, #tpu.memory_space<hbm>>) target_semaphore(%run_scoped3A : memref<!tpu.dma_semaphore, #tpu.memory_space<semaphore_mem>>)
        %dma_wait3A = arith.constant 0 : i32
        %dma_wait3A_86 = tpu.memref_slice %arg7[%add3A_36, %dma_wait3A] : memref<10240x128xf32, #tpu.memory_space<hbm>> -> memref<128x128xf32, #tpu.memory_space<hbm>>
        %dma_wait3A_87 = arith.constant 0 : i32
        %dma_wait3A_88 = tpu.memref_slice %arg7[%add3A_36, %dma_wait3A_87] : memref<10240x128xf32, #tpu.memory_space<hbm>> -> memref<128x128xf32, #tpu.memory_space<hbm>>
        tpu.wait_dma2 semaphore(%run_scoped3A : memref<!tpu.dma_semaphore, #tpu.memory_space<semaphore_mem>>) src(%arg11 : memref<128x128xf32, #tpu.memory_space<vmem>>) dst(%dma_wait3A_88 : memref<128x128xf32, #tpu.memory_space<hbm>>)
        tpu.yield
      }) : () -> ()
    } else {
    }
    %add3A_47 = arith.constant 256 : i32
    %add3A_48 = arith.addi %mul3A_2, %add3A_47 : i32
    "tpu.region"() ({
      %run_scoped3A = tpu.sem_alloc : memref<!tpu.dma_semaphore, #tpu.memory_space<semaphore_mem>>
      %dma_start3A = arith.constant 0 : i32
      %dma_start3A_83 = tpu.memref_slice %arg8[%add3A_48, %dma_start3A] : memref<10240x128xf32, #tpu.memory_space<vmem_shared>> -> memref<128x128xf32, #tpu.memory_space<vmem_shared>>
      %dma_start3A_84 = arith.constant 0 : i32
      %dma_start3A_85 = tpu.memref_slice %arg8[%add3A_48, %dma_start3A_84] : memref<10240x128xf32, #tpu.memory_space<vmem_shared>> -> memref<128x128xf32, #tpu.memory_space<vmem_shared>>
      tpu.enqueue_dma source(%dma_start3A_85 : memref<128x128xf32, #tpu.memory_space<vmem_shared>>) target(%arg11 : memref<128x128xf32, #tpu.memory_space<vmem>>) target_semaphore(%run_scoped3A : memref<!tpu.dma_semaphore, #tpu.memory_space<semaphore_mem>>)
      %dma_wait3A = arith.constant 0 : i32
      %dma_wait3A_86 = tpu.memref_slice %arg8[%add3A_48, %dma_wait3A] : memref<10240x128xf32, #tpu.memory_space<vmem_shared>> -> memref<128x128xf32, #tpu.memory_space<vmem_shared>>
      %dma_wait3A_87 = arith.constant 0 : i32
      %dma_wait3A_88 = tpu.memref_slice %arg8[%add3A_48, %dma_wait3A_87] : memref<10240x128xf32, #tpu.memory_space<vmem_shared>> -> memref<128x128xf32, #tpu.memory_space<vmem_shared>>
      tpu.wait_dma2 semaphore(%run_scoped3A : memref<!tpu.dma_semaphore, #tpu.memory_space<semaphore_mem>>) src(%dma_wait3A_88 : memref<128x128xf32, #tpu.memory_space<vmem_shared>>) dst(%arg11 : memref<128x128xf32, #tpu.memory_space<vmem>>)
      tpu.yield
    }) : () -> ()
    %eq3A_49 = arith.constant 0 : i32
    %eq3A_50 = arith.cmpi eq, %arg0, %eq3A_49 : i32
    %convert_element_type3A_51 = arith.extui %eq3A_50 : i1 to i32
    %cond3A_52 = arith.constant 0 : i32
    %cond3A_53 = arith.cmpi ne, %convert_element_type3A_51, %cond3A_52 : i32
    scf.if %cond3A_53 {
      "tpu.region"() ({
        %run_scoped3A = tpu.sem_alloc : memref<!tpu.dma_semaphore, #tpu.memory_space<semaphore_mem>>
        %dma_start3A = arith.constant 0 : i32
        %dma_start3A_83 = tpu.memref_slice %arg6[%add3A_48, %dma_start3A] : memref<10240x128xf32, #tpu.memory_space<hbm>> -> memref<128x128xf32, #tpu.memory_space<hbm>>
        %dma_start3A_84 = arith.constant 0 : i32
        %dma_start3A_85 = tpu.memref_slice %arg6[%add3A_48, %dma_start3A_84] : memref<10240x128xf32, #tpu.memory_space<hbm>> -> memref<128x128xf32, #tpu.memory_space<hbm>>
        tpu.enqueue_dma source(%arg11 : memref<128x128xf32, #tpu.memory_space<vmem>>) target(%dma_start3A_85 : memref<128x128xf32, #tpu.memory_space<hbm>>) target_semaphore(%run_scoped3A : memref<!tpu.dma_semaphore, #tpu.memory_space<semaphore_mem>>)
        %dma_wait3A = arith.constant 0 : i32
        %dma_wait3A_86 = tpu.memref_slice %arg6[%add3A_48, %dma_wait3A] : memref<10240x128xf32, #tpu.memory_space<hbm>> -> memref<128x128xf32, #tpu.memory_space<hbm>>
        %dma_wait3A_87 = arith.constant 0 : i32
        %dma_wait3A_88 = tpu.memref_slice %arg6[%add3A_48, %dma_wait3A_87] : memref<10240x128xf32, #tpu.memory_space<hbm>> -> memref<128x128xf32, #tpu.memory_space<hbm>>
        tpu.wait_dma2 semaphore(%run_scoped3A : memref<!tpu.dma_semaphore, #tpu.memory_space<semaphore_mem>>) src(%arg11 : memref<128x128xf32, #tpu.memory_space<vmem>>) dst(%dma_wait3A_88 : memref<128x128xf32, #tpu.memory_space<hbm>>)
        tpu.yield
      }) : () -> ()
    } else {
    }
    %eq3A_54 = arith.constant 1 : i32
    %eq3A_55 = arith.cmpi eq, %arg0, %eq3A_54 : i32
    %convert_element_type3A_56 = arith.extui %eq3A_55 : i1 to i32
    %cond3A_57 = arith.constant 0 : i32
    %cond3A_58 = arith.cmpi ne, %convert_element_type3A_56, %cond3A_57 : i32
    scf.if %cond3A_58 {
      "tpu.region"() ({
        %run_scoped3A = tpu.sem_alloc : memref<!tpu.dma_semaphore, #tpu.memory_space<semaphore_mem>>
        %dma_start3A = arith.constant 0 : i32
        %dma_start3A_83 = tpu.memref_slice %arg7[%add3A_48, %dma_start3A] : memref<10240x128xf32, #tpu.memory_space<hbm>> -> memref<128x128xf32, #tpu.memory_space<hbm>>
        %dma_start3A_84 = arith.constant 0 : i32
        %dma_start3A_85 = tpu.memref_slice %arg7[%add3A_48, %dma_start3A_84] : memref<10240x128xf32, #tpu.memory_space<hbm>> -> memref<128x128xf32, #tpu.memory_space<hbm>>
        tpu.enqueue_dma source(%arg11 : memref<128x128xf32, #tpu.memory_space<vmem>>) target(%dma_start3A_85 : memref<128x128xf32, #tpu.memory_space<hbm>>) target_semaphore(%run_scoped3A : memref<!tpu.dma_semaphore, #tpu.memory_space<semaphore_mem>>)
        %dma_wait3A = arith.constant 0 : i32
        %dma_wait3A_86 = tpu.memref_slice %arg7[%add3A_48, %dma_wait3A] : memref<10240x128xf32, #tpu.memory_space<hbm>> -> memref<128x128xf32, #tpu.memory_space<hbm>>
        %dma_wait3A_87 = arith.constant 0 : i32
        %dma_wait3A_88 = tpu.memref_slice %arg7[%add3A_48, %dma_wait3A_87] : memref<10240x128xf32, #tpu.memory_space<hbm>> -> memref<128x128xf32, #tpu.memory_space<hbm>>
        tpu.wait_dma2 semaphore(%run_scoped3A : memref<!tpu.dma_semaphore, #tpu.memory_space<semaphore_mem>>) src(%arg11 : memref<128x128xf32, #tpu.memory_space<vmem>>) dst(%dma_wait3A_88 : memref<128x128xf32, #tpu.memory_space<hbm>>)
        tpu.yield
      }) : () -> ()
    } else {
    }
    %add3A_59 = arith.constant 384 : i32
    %add3A_60 = arith.addi %mul3A_2, %add3A_59 : i32
    "tpu.region"() ({
      %run_scoped3A = tpu.sem_alloc : memref<!tpu.dma_semaphore, #tpu.memory_space<semaphore_mem>>
      %dma_start3A = arith.constant 0 : i32
      %dma_start3A_83 = tpu.memref_slice %arg8[%add3A_60, %dma_start3A] : memref<10240x128xf32, #tpu.memory_space<vmem_shared>> -> memref<128x128xf32, #tpu.memory_space<vmem_shared>>
      %dma_start3A_84 = arith.constant 0 : i32
      %dma_start3A_85 = tpu.memref_slice %arg8[%add3A_60, %dma_start3A_84] : memref<10240x128xf32, #tpu.memory_space<vmem_shared>> -> memref<128x128xf32, #tpu.memory_space<vmem_shared>>
      tpu.enqueue_dma source(%dma_start3A_85 : memref<128x128xf32, #tpu.memory_space<vmem_shared>>) target(%arg11 : memref<128x128xf32, #tpu.memory_space<vmem>>) target_semaphore(%run_scoped3A : memref<!tpu.dma_semaphore, #tpu.memory_space<semaphore_mem>>)
      %dma_wait3A = arith.constant 0 : i32
      %dma_wait3A_86 = tpu.memref_slice %arg8[%add3A_60, %dma_wait3A] : memref<10240x128xf32, #tpu.memory_space<vmem_shared>> -> memref<128x128xf32, #tpu.memory_space<vmem_shared>>
      %dma_wait3A_87 = arith.constant 0 : i32
      %dma_wait3A_88 = tpu.memref_slice %arg8[%add3A_60, %dma_wait3A_87] : memref<10240x128xf32, #tpu.memory_space<vmem_shared>> -> memref<128x128xf32, #tpu.memory_space<vmem_shared>>
      tpu.wait_dma2 semaphore(%run_scoped3A : memref<!tpu.dma_semaphore, #tpu.memory_space<semaphore_mem>>) src(%dma_wait3A_88 : memref<128x128xf32, #tpu.memory_space<vmem_shared>>) dst(%arg11 : memref<128x128xf32, #tpu.memory_space<vmem>>)
      tpu.yield
    }) : () -> ()
    %eq3A_61 = arith.constant 0 : i32
    %eq3A_62 = arith.cmpi eq, %arg0, %eq3A_61 : i32
    %convert_element_type3A_63 = arith.extui %eq3A_62 : i1 to i32
    %cond3A_64 = arith.constant 0 : i32
    %cond3A_65 = arith.cmpi ne, %convert_element_type3A_63, %cond3A_64 : i32
    scf.if %cond3A_65 {
      "tpu.region"() ({
        %run_scoped3A = tpu.sem_alloc : memref<!tpu.dma_semaphore, #tpu.memory_space<semaphore_mem>>
        %dma_start3A = arith.constant 0 : i32
        %dma_start3A_83 = tpu.memref_slice %arg6[%add3A_60, %dma_start3A] : memref<10240x128xf32, #tpu.memory_space<hbm>> -> memref<128x128xf32, #tpu.memory_space<hbm>>
        %dma_start3A_84 = arith.constant 0 : i32
        %dma_start3A_85 = tpu.memref_slice %arg6[%add3A_60, %dma_start3A_84] : memref<10240x128xf32, #tpu.memory_space<hbm>> -> memref<128x128xf32, #tpu.memory_space<hbm>>
        tpu.enqueue_dma source(%arg11 : memref<128x128xf32, #tpu.memory_space<vmem>>) target(%dma_start3A_85 : memref<128x128xf32, #tpu.memory_space<hbm>>) target_semaphore(%run_scoped3A : memref<!tpu.dma_semaphore, #tpu.memory_space<semaphore_mem>>)
        %dma_wait3A = arith.constant 0 : i32
        %dma_wait3A_86 = tpu.memref_slice %arg6[%add3A_60, %dma_wait3A] : memref<10240x128xf32, #tpu.memory_space<hbm>> -> memref<128x128xf32, #tpu.memory_space<hbm>>
        %dma_wait3A_87 = arith.constant 0 : i32
        %dma_wait3A_88 = tpu.memref_slice %arg6[%add3A_60, %dma_wait3A_87] : memref<10240x128xf32, #tpu.memory_space<hbm>> -> memref<128x128xf32, #tpu.memory_space<hbm>>
        tpu.wait_dma2 semaphore(%run_scoped3A : memref<!tpu.dma_semaphore, #tpu.memory_space<semaphore_mem>>) src(%arg11 : memref<128x128xf32, #tpu.memory_space<vmem>>) dst(%dma_wait3A_88 : memref<128x128xf32, #tpu.memory_space<hbm>>)
        tpu.yield
      }) : () -> ()
    } else {
    }
    %eq3A_66 = arith.constant 1 : i32
    %eq3A_67 = arith.cmpi eq, %arg0, %eq3A_66 : i32
    %convert_element_type3A_68 = arith.extui %eq3A_67 : i1 to i32
    %cond3A_69 = arith.constant 0 : i32
    %cond3A_70 = arith.cmpi ne, %convert_element_type3A_68, %cond3A_69 : i32
    scf.if %cond3A_70 {
      "tpu.region"() ({
        %run_scoped3A = tpu.sem_alloc : memref<!tpu.dma_semaphore, #tpu.memory_space<semaphore_mem>>
        %dma_start3A = arith.constant 0 : i32
        %dma_start3A_83 = tpu.memref_slice %arg7[%add3A_60, %dma_start3A] : memref<10240x128xf32, #tpu.memory_space<hbm>> -> memref<128x128xf32, #tpu.memory_space<hbm>>
        %dma_start3A_84 = arith.constant 0 : i32
        %dma_start3A_85 = tpu.memref_slice %arg7[%add3A_60, %dma_start3A_84] : memref<10240x128xf32, #tpu.memory_space<hbm>> -> memref<128x128xf32, #tpu.memory_space<hbm>>
        tpu.enqueue_dma source(%arg11 : memref<128x128xf32, #tpu.memory_space<vmem>>) target(%dma_start3A_85 : memref<128x128xf32, #tpu.memory_space<hbm>>) target_semaphore(%run_scoped3A : memref<!tpu.dma_semaphore, #tpu.memory_space<semaphore_mem>>)
        %dma_wait3A = arith.constant 0 : i32
        %dma_wait3A_86 = tpu.memref_slice %arg7[%add3A_60, %dma_wait3A] : memref<10240x128xf32, #tpu.memory_space<hbm>> -> memref<128x128xf32, #tpu.memory_space<hbm>>
        %dma_wait3A_87 = arith.constant 0 : i32
        %dma_wait3A_88 = tpu.memref_slice %arg7[%add3A_60, %dma_wait3A_87] : memref<10240x128xf32, #tpu.memory_space<hbm>> -> memref<128x128xf32, #tpu.memory_space<hbm>>
        tpu.wait_dma2 semaphore(%run_scoped3A : memref<!tpu.dma_semaphore, #tpu.memory_space<semaphore_mem>>) src(%arg11 : memref<128x128xf32, #tpu.memory_space<vmem>>) dst(%dma_wait3A_88 : memref<128x128xf32, #tpu.memory_space<hbm>>)
        tpu.yield
      }) : () -> ()
    } else {
    }
    %add3A_71 = arith.constant 512 : i32
    %add3A_72 = arith.addi %mul3A_2, %add3A_71 : i32
    "tpu.region"() ({
      %run_scoped3A = tpu.sem_alloc : memref<!tpu.dma_semaphore, #tpu.memory_space<semaphore_mem>>
      %dma_start3A = arith.constant 0 : i32
      %dma_start3A_83 = tpu.memref_slice %arg8[%add3A_72, %dma_start3A] : memref<10240x128xf32, #tpu.memory_space<vmem_shared>> -> memref<128x128xf32, #tpu.memory_space<vmem_shared>>
      %dma_start3A_84 = arith.constant 0 : i32
      %dma_start3A_85 = tpu.memref_slice %arg8[%add3A_72, %dma_start3A_84] : memref<10240x128xf32, #tpu.memory_space<vmem_shared>> -> memref<128x128xf32, #tpu.memory_space<vmem_shared>>
      tpu.enqueue_dma source(%dma_start3A_85 : memref<128x128xf32, #tpu.memory_space<vmem_shared>>) target(%arg11 : memref<128x128xf32, #tpu.memory_space<vmem>>) target_semaphore(%run_scoped3A : memref<!tpu.dma_semaphore, #tpu.memory_space<semaphore_mem>>)
      %dma_wait3A = arith.constant 0 : i32
      %dma_wait3A_86 = tpu.memref_slice %arg8[%add3A_72, %dma_wait3A] : memref<10240x128xf32, #tpu.memory_space<vmem_shared>> -> memref<128x128xf32, #tpu.memory_space<vmem_shared>>
      %dma_wait3A_87 = arith.constant 0 : i32
      %dma_wait3A_88 = tpu.memref_slice %arg8[%add3A_72, %dma_wait3A_87] : memref<10240x128xf32, #tpu.memory_space<vmem_shared>> -> memref<128x128xf32, #tpu.memory_space<vmem_shared>>
      tpu.wait_dma2 semaphore(%run_scoped3A : memref<!tpu.dma_semaphore, #tpu.memory_space<semaphore_mem>>) src(%dma_wait3A_88 : memref<128x128xf32, #tpu.memory_space<vmem_shared>>) dst(%arg11 : memref<128x128xf32, #tpu.memory_space<vmem>>)
      tpu.yield
    }) : () -> ()
    %eq3A_73 = arith.constant 0 : i32
    %eq3A_74 = arith.cmpi eq, %arg0, %eq3A_73 : i32
    %convert_element_type3A_75 = arith.extui %eq3A_74 : i1 to i32
    %cond3A_76 = arith.constant 0 : i32
    %cond3A_77 = arith.cmpi ne, %convert_element_type3A_75, %cond3A_76 : i32
    scf.if %cond3A_77 {
      "tpu.region"() ({
        %run_scoped3A = tpu.sem_alloc : memref<!tpu.dma_semaphore, #tpu.memory_space<semaphore_mem>>
        %dma_start3A = arith.constant 0 : i32
        %dma_start3A_83 = tpu.memref_slice %arg6[%add3A_72, %dma_start3A] : memref<10240x128xf32, #tpu.memory_space<hbm>> -> memref<128x128xf32, #tpu.memory_space<hbm>>
        %dma_start3A_84 = arith.constant 0 : i32
        %dma_start3A_85 = tpu.memref_slice %arg6[%add3A_72, %dma_start3A_84] : memref<10240x128xf32, #tpu.memory_space<hbm>> -> memref<128x128xf32, #tpu.memory_space<hbm>>
        tpu.enqueue_dma source(%arg11 : memref<128x128xf32, #tpu.memory_space<vmem>>) target(%dma_start3A_85 : memref<128x128xf32, #tpu.memory_space<hbm>>) target_semaphore(%run_scoped3A : memref<!tpu.dma_semaphore, #tpu.memory_space<semaphore_mem>>)
        %dma_wait3A = arith.constant 0 : i32
        %dma_wait3A_86 = tpu.memref_slice %arg6[%add3A_72, %dma_wait3A] : memref<10240x128xf32, #tpu.memory_space<hbm>> -> memref<128x128xf32, #tpu.memory_space<hbm>>
        %dma_wait3A_87 = arith.constant 0 : i32
        %dma_wait3A_88 = tpu.memref_slice %arg6[%add3A_72, %dma_wait3A_87] : memref<10240x128xf32, #tpu.memory_space<hbm>> -> memref<128x128xf32, #tpu.memory_space<hbm>>
        tpu.wait_dma2 semaphore(%run_scoped3A : memref<!tpu.dma_semaphore, #tpu.memory_space<semaphore_mem>>) src(%arg11 : memref<128x128xf32, #tpu.memory_space<vmem>>) dst(%dma_wait3A_88 : memref<128x128xf32, #tpu.memory_space<hbm>>)
        tpu.yield
      }) : () -> ()
    } else {
    }
    %eq3A_78 = arith.constant 1 : i32
    %eq3A_79 = arith.cmpi eq, %arg0, %eq3A_78 : i32
    %convert_element_type3A_80 = arith.extui %eq3A_79 : i1 to i32
    %cond3A_81 = arith.constant 0 : i32
    %cond3A_82 = arith.cmpi ne, %convert_element_type3A_80, %cond3A_81 : i32
    scf.if %cond3A_82 {
      "tpu.region"() ({
        %run_scoped3A = tpu.sem_alloc : memref<!tpu.dma_semaphore, #tpu.memory_space<semaphore_mem>>
        %dma_start3A = arith.constant 0 : i32
        %dma_start3A_83 = tpu.memref_slice %arg7[%add3A_72, %dma_start3A] : memref<10240x128xf32, #tpu.memory_space<hbm>> -> memref<128x128xf32, #tpu.memory_space<hbm>>
        %dma_start3A_84 = arith.constant 0 : i32
        %dma_start3A_85 = tpu.memref_slice %arg7[%add3A_72, %dma_start3A_84] : memref<10240x128xf32, #tpu.memory_space<hbm>> -> memref<128x128xf32, #tpu.memory_space<hbm>>
        tpu.enqueue_dma source(%arg11 : memref<128x128xf32, #tpu.memory_space<vmem>>) target(%dma_start3A_85 : memref<128x128xf32, #tpu.memory_space<hbm>>) target_semaphore(%run_scoped3A : memref<!tpu.dma_semaphore, #tpu.memory_space<semaphore_mem>>)
        %dma_wait3A = arith.constant 0 : i32
        %dma_wait3A_86 = tpu.memref_slice %arg7[%add3A_72, %dma_wait3A] : memref<10240x128xf32, #tpu.memory_space<hbm>> -> memref<128x128xf32, #tpu.memory_space<hbm>>
        %dma_wait3A_87 = arith.constant 0 : i32
        %dma_wait3A_88 = tpu.memref_slice %arg7[%add3A_72, %dma_wait3A_87] : memref<10240x128xf32, #tpu.memory_space<hbm>> -> memref<128x128xf32, #tpu.memory_space<hbm>>
        tpu.wait_dma2 semaphore(%run_scoped3A : memref<!tpu.dma_semaphore, #tpu.memory_space<semaphore_mem>>) src(%arg11 : memref<128x128xf32, #tpu.memory_space<vmem>>) dst(%dma_wait3A_88 : memref<128x128xf32, #tpu.memory_space<hbm>>)
        tpu.yield
      }) : () -> ()
    } else {
    }
    return
  }
}

#map = affine_map<(d0, d1) -> (0, 0, 0)>
#map1 = affine_map<(d0, d1) -> (0, 0)>
module attributes {stable_mosaic.version = 14 : i64} {
  func.func @body(%arg0: i32, %arg1: i32, %arg2: memref<32x97x128xi32, #tpu.memory_space<hbm>>, %arg3: memref<32x97x128xi32, #tpu.memory_space<hbm>>, %arg4: memref<10000x128xf32, #tpu.memory_space<hbm>>, %arg5: memref<128x128xf32, #tpu.memory_space<hbm>>, %arg6: memref<10240x128xf32, #tpu.memory_space<hbm>>, %arg7: memref<10240x128xf32, #tpu.memory_space<hbm>>, %arg8: memref<10240x128xf32, #tpu.memory_space<vmem_shared>>, %arg9: memref<97x128xi32, #tpu.memory_space<vmem>>, %arg10: memref<97x128xi32, #tpu.memory_space<vmem>>, %arg11: memref<128x128xf32, #tpu.memory_space<vmem>>, %arg12: memref<!tpu.dma_semaphore, #tpu.memory_space<semaphore_mem>>) attributes {dimension_semantics = [#tpu.dimension_semantics<core_parallel>, #tpu.dimension_semantics<subcore_parallel>], iteration_bounds = array<i64: 2, 16>, scalar_prefetch = 0 : i64, scratch_operands = 5 : i64, tpu.core_type = #tpu.core_type<sc_vector_subcore>, window_params = [{transform_indices = #map}, {transform_indices = #map}, {transform_indices = #map1}, {transform_indices = #map1}, {transform_indices = #map1}, {transform_indices = #map1}]} {
    %mul3A = arith.constant 2 : i32
    %mul3A_0 = arith.muli %arg1, %mul3A : i32
    %add3A = arith.addi %mul3A_0, %arg0 : i32
    %mul3A_1 = arith.constant 640 : i32
    %mul3A_2 = arith.muli %arg1, %mul3A_1 : i32
    "tpu.region"() ({
      %run_scoped3A = tpu.sem_alloc : memref<!tpu.dma_semaphore, #tpu.memory_space<semaphore_mem>>
      tpu.enqueue_dma source(%arg5 : memref<128x128xf32, #tpu.memory_space<hbm>>) target(%arg11 : memref<128x128xf32, #tpu.memory_space<vmem>>) target_semaphore(%run_scoped3A : memref<!tpu.dma_semaphore, #tpu.memory_space<semaphore_mem>>)
      tpu.wait_dma2 semaphore(%run_scoped3A : memref<!tpu.dma_semaphore, #tpu.memory_space<semaphore_mem>>) src(%arg5 : memref<128x128xf32, #tpu.memory_space<hbm>>) dst(%arg11 : memref<128x128xf32, #tpu.memory_space<vmem>>)
      tpu.yield
    }) : () -> ()
    %add3A_3 = arith.constant 0 : i32
    %add3A_4 = arith.addi %mul3A_2, %add3A_3 : i32
    "tpu.region"() ({
      %run_scoped3A = tpu.sem_alloc : memref<!tpu.dma_semaphore, #tpu.memory_space<semaphore_mem>>
      %dma_start3A = arith.constant 0 : i32
      %dma_start3A_83 = tpu.memref_slice %arg8[%add3A_4, %dma_start3A] : memref<10240x128xf32, #tpu.memory_space<vmem_shared>> -> memref<128x128xf32, #tpu.memory_space<vmem_shared>>
      %dma_start3A_84 = arith.constant 0 : i32
      %dma_start3A_85 = tpu.memref_slice %arg8[%add3A_4, %dma_start3A_84] : memref<10240x128xf32, #tpu.memory_space<vmem_shared>> -> memref<128x128xf32, #tpu.memory_space<vmem_shared>>
      tpu.enqueue_dma source(%arg11 : memref<128x128xf32, #tpu.memory_space<vmem>>) target(%dma_start3A_85 : memref<128x128xf32, #tpu.memory_space<vmem_shared>>) target_semaphore(%run_scoped3A : memref<!tpu.dma_semaphore, #tpu.memory_space<semaphore_mem>>)
      %dma_wait3A = arith.constant 0 : i32
      %dma_wait3A_86 = tpu.memref_slice %arg8[%add3A_4, %dma_wait3A] : memref<10240x128xf32, #tpu.memory_space<vmem_shared>> -> memref<128x128xf32, #tpu.memory_space<vmem_shared>>
      %dma_wait3A_87 = arith.constant 0 : i32
      %dma_wait3A_88 = tpu.memref_slice %arg8[%add3A_4, %dma_wait3A_87] : memref<10240x128xf32, #tpu.memory_space<vmem_shared>> -> memref<128x128xf32, #tpu.memory_space<vmem_shared>>
      tpu.wait_dma2 semaphore(%run_scoped3A : memref<!tpu.dma_semaphore, #tpu.memory_space<semaphore_mem>>) src(%arg11 : memref<128x128xf32, #tpu.memory_space<vmem>>) dst(%dma_wait3A_88 : memref<128x128xf32, #tpu.memory_space<vmem_shared>>)
      tpu.yield
    }) : () -> ()
    %add3A_5 = arith.constant 128 : i32
    %add3A_6 = arith.addi %mul3A_2, %add3A_5 : i32
    "tpu.region"() ({
      %run_scoped3A = tpu.sem_alloc : memref<!tpu.dma_semaphore, #tpu.memory_space<semaphore_mem>>
      %dma_start3A = arith.constant 0 : i32
      %dma_start3A_83 = tpu.memref_slice %arg8[%add3A_6, %dma_start3A] : memref<10240x128xf32, #tpu.memory_space<vmem_shared>> -> memref<128x128xf32, #tpu.memory_space<vmem_shared>>
      %dma_start3A_84 = arith.constant 0 : i32
      %dma_start3A_85 = tpu.memref_slice %arg8[%add3A_6, %dma_start3A_84] : memref<10240x128xf32, #tpu.memory_space<vmem_shared>> -> memref<128x128xf32, #tpu.memory_space<vmem_shared>>
      tpu.enqueue_dma source(%arg11 : memref<128x128xf32, #tpu.memory_space<vmem>>) target(%dma_start3A_85 : memref<128x128xf32, #tpu.memory_space<vmem_shared>>) target_semaphore(%run_scoped3A : memref<!tpu.dma_semaphore, #tpu.memory_space<semaphore_mem>>)
      %dma_wait3A = arith.constant 0 : i32
      %dma_wait3A_86 = tpu.memref_slice %arg8[%add3A_6, %dma_wait3A] : memref<10240x128xf32, #tpu.memory_space<vmem_shared>> -> memref<128x128xf32, #tpu.memory_space<vmem_shared>>
      %dma_wait3A_87 = arith.constant 0 : i32
      %dma_wait3A_88 = tpu.memref_slice %arg8[%add3A_6, %dma_wait3A_87] : memref<10240x128xf32, #tpu.memory_space<vmem_shared>> -> memref<128x128xf32, #tpu.memory_space<vmem_shared>>
      tpu.wait_dma2 semaphore(%run_scoped3A : memref<!tpu.dma_semaphore, #tpu.memory_space<semaphore_mem>>) src(%arg11 : memref<128x128xf32, #tpu.memory_space<vmem>>) dst(%dma_wait3A_88 : memref<128x128xf32, #tpu.memory_space<vmem_shared>>)
      tpu.yield
    }) : () -> ()
    %add3A_7 = arith.constant 256 : i32
    %add3A_8 = arith.addi %mul3A_2, %add3A_7 : i32
    "tpu.region"() ({
      %run_scoped3A = tpu.sem_alloc : memref<!tpu.dma_semaphore, #tpu.memory_space<semaphore_mem>>
      %dma_start3A = arith.constant 0 : i32
      %dma_start3A_83 = tpu.memref_slice %arg8[%add3A_8, %dma_start3A] : memref<10240x128xf32, #tpu.memory_space<vmem_shared>> -> memref<128x128xf32, #tpu.memory_space<vmem_shared>>
      %dma_start3A_84 = arith.constant 0 : i32
      %dma_start3A_85 = tpu.memref_slice %arg8[%add3A_8, %dma_start3A_84] : memref<10240x128xf32, #tpu.memory_space<vmem_shared>> -> memref<128x128xf32, #tpu.memory_space<vmem_shared>>
      tpu.enqueue_dma source(%arg11 : memref<128x128xf32, #tpu.memory_space<vmem>>) target(%dma_start3A_85 : memref<128x128xf32, #tpu.memory_space<vmem_shared>>) target_semaphore(%run_scoped3A : memref<!tpu.dma_semaphore, #tpu.memory_space<semaphore_mem>>)
      %dma_wait3A = arith.constant 0 : i32
      %dma_wait3A_86 = tpu.memref_slice %arg8[%add3A_8, %dma_wait3A] : memref<10240x128xf32, #tpu.memory_space<vmem_shared>> -> memref<128x128xf32, #tpu.memory_space<vmem_shared>>
      %dma_wait3A_87 = arith.constant 0 : i32
      %dma_wait3A_88 = tpu.memref_slice %arg8[%add3A_8, %dma_wait3A_87] : memref<10240x128xf32, #tpu.memory_space<vmem_shared>> -> memref<128x128xf32, #tpu.memory_space<vmem_shared>>
      tpu.wait_dma2 semaphore(%run_scoped3A : memref<!tpu.dma_semaphore, #tpu.memory_space<semaphore_mem>>) src(%arg11 : memref<128x128xf32, #tpu.memory_space<vmem>>) dst(%dma_wait3A_88 : memref<128x128xf32, #tpu.memory_space<vmem_shared>>)
      tpu.yield
    }) : () -> ()
    %add3A_9 = arith.constant 384 : i32
    %add3A_10 = arith.addi %mul3A_2, %add3A_9 : i32
    "tpu.region"() ({
      %run_scoped3A = tpu.sem_alloc : memref<!tpu.dma_semaphore, #tpu.memory_space<semaphore_mem>>
      %dma_start3A = arith.constant 0 : i32
      %dma_start3A_83 = tpu.memref_slice %arg8[%add3A_10, %dma_start3A] : memref<10240x128xf32, #tpu.memory_space<vmem_shared>> -> memref<128x128xf32, #tpu.memory_space<vmem_shared>>
      %dma_start3A_84 = arith.constant 0 : i32
      %dma_start3A_85 = tpu.memref_slice %arg8[%add3A_10, %dma_start3A_84] : memref<10240x128xf32, #tpu.memory_space<vmem_shared>> -> memref<128x128xf32, #tpu.memory_space<vmem_shared>>
      tpu.enqueue_dma source(%arg11 : memref<128x128xf32, #tpu.memory_space<vmem>>) target(%dma_start3A_85 : memref<128x128xf32, #tpu.memory_space<vmem_shared>>) target_semaphore(%run_scoped3A : memref<!tpu.dma_semaphore, #tpu.memory_space<semaphore_mem>>)
      %dma_wait3A = arith.constant 0 : i32
      %dma_wait3A_86 = tpu.memref_slice %arg8[%add3A_10, %dma_wait3A] : memref<10240x128xf32, #tpu.memory_space<vmem_shared>> -> memref<128x128xf32, #tpu.memory_space<vmem_shared>>
      %dma_wait3A_87 = arith.constant 0 : i32
      %dma_wait3A_88 = tpu.memref_slice %arg8[%add3A_10, %dma_wait3A_87] : memref<10240x128xf32, #tpu.memory_space<vmem_shared>> -> memref<128x128xf32, #tpu.memory_space<vmem_shared>>
      tpu.wait_dma2 semaphore(%run_scoped3A : memref<!tpu.dma_semaphore, #tpu.memory_space<semaphore_mem>>) src(%arg11 : memref<128x128xf32, #tpu.memory_space<vmem>>) dst(%dma_wait3A_88 : memref<128x128xf32, #tpu.memory_space<vmem_shared>>)
      tpu.yield
    }) : () -> ()
    %add3A_11 = arith.constant 512 : i32
    %add3A_12 = arith.addi %mul3A_2, %add3A_11 : i32
    "tpu.region"() ({
      %run_scoped3A = tpu.sem_alloc : memref<!tpu.dma_semaphore, #tpu.memory_space<semaphore_mem>>
      %dma_start3A = arith.constant 0 : i32
      %dma_start3A_83 = tpu.memref_slice %arg8[%add3A_12, %dma_start3A] : memref<10240x128xf32, #tpu.memory_space<vmem_shared>> -> memref<128x128xf32, #tpu.memory_space<vmem_shared>>
      %dma_start3A_84 = arith.constant 0 : i32
      %dma_start3A_85 = tpu.memref_slice %arg8[%add3A_12, %dma_start3A_84] : memref<10240x128xf32, #tpu.memory_space<vmem_shared>> -> memref<128x128xf32, #tpu.memory_space<vmem_shared>>
      tpu.enqueue_dma source(%arg11 : memref<128x128xf32, #tpu.memory_space<vmem>>) target(%dma_start3A_85 : memref<128x128xf32, #tpu.memory_space<vmem_shared>>) target_semaphore(%run_scoped3A : memref<!tpu.dma_semaphore, #tpu.memory_space<semaphore_mem>>)
      %dma_wait3A = arith.constant 0 : i32
      %dma_wait3A_86 = tpu.memref_slice %arg8[%add3A_12, %dma_wait3A] : memref<10240x128xf32, #tpu.memory_space<vmem_shared>> -> memref<128x128xf32, #tpu.memory_space<vmem_shared>>
      %dma_wait3A_87 = arith.constant 0 : i32
      %dma_wait3A_88 = tpu.memref_slice %arg8[%add3A_12, %dma_wait3A_87] : memref<10240x128xf32, #tpu.memory_space<vmem_shared>> -> memref<128x128xf32, #tpu.memory_space<vmem_shared>>
      tpu.wait_dma2 semaphore(%run_scoped3A : memref<!tpu.dma_semaphore, #tpu.memory_space<semaphore_mem>>) src(%arg11 : memref<128x128xf32, #tpu.memory_space<vmem>>) dst(%dma_wait3A_88 : memref<128x128xf32, #tpu.memory_space<vmem_shared>>)
      tpu.yield
    }) : () -> ()
    "tpu.region"() ({
      %run_scoped3A = tpu.sem_alloc : memref<!tpu.dma_semaphore, #tpu.memory_space<semaphore_mem>>
      %dma_start3A = arith.constant 0 : i32
      %dma_start3A_83 = arith.constant 0 : i32
      %dma_start3A_84 = tpu.memref_slice %arg2[%add3A, %dma_start3A, %dma_start3A_83] : memref<32x97x128xi32, #tpu.memory_space<hbm>> -> memref<1x97x128xi32, #tpu.memory_space<hbm>>
      %dma_start3A_85 = tpu.memref_squeeze %dma_start3A_84 : memref<1x97x128xi32, #tpu.memory_space<hbm>> -> memref<97x128xi32, #tpu.memory_space<hbm>>
      %dma_start3A_86 = arith.constant 0 : i32
      %dma_start3A_87 = arith.constant 0 : i32
      %dma_start3A_88 = tpu.memref_slice %arg2[%add3A, %dma_start3A_86, %dma_start3A_87] : memref<32x97x128xi32, #tpu.memory_space<hbm>> -> memref<1x97x128xi32, #tpu.memory_space<hbm>>
      %dma_start3A_89 = tpu.memref_squeeze %dma_start3A_88 : memref<1x97x128xi32, #tpu.memory_space<hbm>> -> memref<97x128xi32, #tpu.memory_space<hbm>>
      tpu.enqueue_dma source(%dma_start3A_89 : memref<97x128xi32, #tpu.memory_space<hbm>>) target(%arg9 : memref<97x128xi32, #tpu.memory_space<vmem>>) target_semaphore(%run_scoped3A : memref<!tpu.dma_semaphore, #tpu.memory_space<semaphore_mem>>)
      %dma_wait3A = arith.constant 0 : i32
      %dma_wait3A_90 = arith.constant 0 : i32
      %dma_wait3A_91 = tpu.memref_slice %arg2[%add3A, %dma_wait3A, %dma_wait3A_90] : memref<32x97x128xi32, #tpu.memory_space<hbm>> -> memref<1x97x128xi32, #tpu.memory_space<hbm>>
      %dma_wait3A_92 = tpu.memref_squeeze %dma_wait3A_91 : memref<1x97x128xi32, #tpu.memory_space<hbm>> -> memref<97x128xi32, #tpu.memory_space<hbm>>
      %dma_wait3A_93 = arith.constant 0 : i32
      %dma_wait3A_94 = arith.constant 0 : i32
      %dma_wait3A_95 = tpu.memref_slice %arg2[%add3A, %dma_wait3A_93, %dma_wait3A_94] : memref<32x97x128xi32, #tpu.memory_space<hbm>> -> memref<1x97x128xi32, #tpu.memory_space<hbm>>
      %dma_wait3A_96 = tpu.memref_squeeze %dma_wait3A_95 : memref<1x97x128xi32, #tpu.memory_space<hbm>> -> memref<97x128xi32, #tpu.memory_space<hbm>>
      tpu.wait_dma2 semaphore(%run_scoped3A : memref<!tpu.dma_semaphore, #tpu.memory_space<semaphore_mem>>) src(%dma_wait3A_96 : memref<97x128xi32, #tpu.memory_space<hbm>>) dst(%arg9 : memref<97x128xi32, #tpu.memory_space<vmem>>)
      tpu.yield
    }) : () -> ()
    "tpu.region"() ({
      %run_scoped3A = tpu.sem_alloc : memref<!tpu.dma_semaphore, #tpu.memory_space<semaphore_mem>>
      %dma_start3A = arith.constant 0 : i32
      %dma_start3A_83 = arith.constant 0 : i32
      %dma_start3A_84 = tpu.memref_slice %arg3[%add3A, %dma_start3A, %dma_start3A_83] : memref<32x97x128xi32, #tpu.memory_space<hbm>> -> memref<1x97x128xi32, #tpu.memory_space<hbm>>
      %dma_start3A_85 = tpu.memref_squeeze %dma_start3A_84 : memref<1x97x128xi32, #tpu.memory_space<hbm>> -> memref<97x128xi32, #tpu.memory_space<hbm>>
      %dma_start3A_86 = arith.constant 0 : i32
      %dma_start3A_87 = arith.constant 0 : i32
      %dma_start3A_88 = tpu.memref_slice %arg3[%add3A, %dma_start3A_86, %dma_start3A_87] : memref<32x97x128xi32, #tpu.memory_space<hbm>> -> memref<1x97x128xi32, #tpu.memory_space<hbm>>
      %dma_start3A_89 = tpu.memref_squeeze %dma_start3A_88 : memref<1x97x128xi32, #tpu.memory_space<hbm>> -> memref<97x128xi32, #tpu.memory_space<hbm>>
      tpu.enqueue_dma source(%dma_start3A_89 : memref<97x128xi32, #tpu.memory_space<hbm>>) target(%arg10 : memref<97x128xi32, #tpu.memory_space<vmem>>) target_semaphore(%run_scoped3A : memref<!tpu.dma_semaphore, #tpu.memory_space<semaphore_mem>>)
      %dma_wait3A = arith.constant 0 : i32
      %dma_wait3A_90 = arith.constant 0 : i32
      %dma_wait3A_91 = tpu.memref_slice %arg3[%add3A, %dma_wait3A, %dma_wait3A_90] : memref<32x97x128xi32, #tpu.memory_space<hbm>> -> memref<1x97x128xi32, #tpu.memory_space<hbm>>
      %dma_wait3A_92 = tpu.memref_squeeze %dma_wait3A_91 : memref<1x97x128xi32, #tpu.memory_space<hbm>> -> memref<97x128xi32, #tpu.memory_space<hbm>>
      %dma_wait3A_93 = arith.constant 0 : i32
      %dma_wait3A_94 = arith.constant 0 : i32
      %dma_wait3A_95 = tpu.memref_slice %arg3[%add3A, %dma_wait3A_93, %dma_wait3A_94] : memref<32x97x128xi32, #tpu.memory_space<hbm>> -> memref<1x97x128xi32, #tpu.memory_space<hbm>>
      %dma_wait3A_96 = tpu.memref_squeeze %dma_wait3A_95 : memref<1x97x128xi32, #tpu.memory_space<hbm>> -> memref<97x128xi32, #tpu.memory_space<hbm>>
      tpu.wait_dma2 semaphore(%run_scoped3A : memref<!tpu.dma_semaphore, #tpu.memory_space<semaphore_mem>>) src(%dma_wait3A_96 : memref<97x128xi32, #tpu.memory_space<hbm>>) dst(%arg10 : memref<97x128xi32, #tpu.memory_space<vmem>>)
      tpu.yield
    }) : () -> ()
    %barrier3A = arith.constant 0 : index
    tpu.barrier barrier_id(%barrier3A)
    %eq3A = arith.constant 0 : i32
    %eq3A_13 = arith.cmpi eq, %arg0, %eq3A : i32
    %jit3A = arith.constant 97 : i32
    %jit3A_14 = arith.constant 60 : i32
    %select_n3A = arith.select %eq3A_13, %jit3A, %jit3A_14 : i32
    %while3A = arith.constant 0 : i32
    %while3A_15 = arith.constant 0 : i32
    %while3A_16 = arith.subi %select_n3A, %while3A_15 : i32
    %while3A_17 = arith.addi %while3A_15, %while3A_16 : i32
    %while3A_18 = arith.constant 1 : i32
    %while3A_19 = arith.divsi %while3A_16, %while3A_18 : i32
    %while3A_20 = arith.muli %while3A_19, %while3A_18 : i32
    %while3A_21 = arith.addi %while3A_15, %while3A_20 : i32
    %while3A_22 = arith.constant 1 : i32
    scf.for %while3A_83 = %while3A_15 to %while3A_21 step %while3A_22  : i32 {
      %dma_start3A = arith.constant 0 : i32
      %dma_start3A_84 = tpu.memref_slice %arg9[%while3A_83, %dma_start3A] : memref<97x128xi32, #tpu.memory_space<vmem>> -> memref<1x128xi32, #tpu.memory_space<vmem>>
      %dma_start3A_85 = tpu.memref_squeeze %dma_start3A_84 : memref<1x128xi32, #tpu.memory_space<vmem>> -> memref<128xi32, #tpu.memory_space<vmem>>
      %dma_start3A_86 = arith.constant 0 : i32
      %dma_start3A_87 = arith.constant 0 : i32
      %dma_start3A_88 = tpu.memref_slice %arg4[%dma_start3A_86, %dma_start3A_87] : memref<10000x128xf32, #tpu.memory_space<hbm>> -> memref<10000x128xf32, #tpu.memory_space<hbm>>
      tpu.enqueue_indirect_dma source(%dma_start3A_88 : memref<10000x128xf32, #tpu.memory_space<hbm>>) target(%arg11 : memref<128x128xf32, #tpu.memory_space<vmem>>) offsets(%dma_start3A_85 : memref<128xi32, #tpu.memory_space<vmem>>) semaphore(%arg12 : memref<!tpu.dma_semaphore, #tpu.memory_space<semaphore_mem>>)
      %dma_wait3A = arith.constant 0 : i32
      %dma_wait3A_89 = tpu.memref_slice %arg9[%while3A_83, %dma_wait3A] : memref<97x128xi32, #tpu.memory_space<vmem>> -> memref<1x128xi32, #tpu.memory_space<vmem>>
      %dma_wait3A_90 = tpu.memref_squeeze %dma_wait3A_89 : memref<1x128xi32, #tpu.memory_space<vmem>> -> memref<128xi32, #tpu.memory_space<vmem>>
      %dma_wait3A_91 = arith.constant 0 : i32
      %dma_wait3A_92 = arith.constant 0 : i32
      %dma_wait3A_93 = tpu.memref_slice %arg4[%dma_wait3A_91, %dma_wait3A_92] : memref<10000x128xf32, #tpu.memory_space<hbm>> -> memref<10000x128xf32, #tpu.memory_space<hbm>>
      tpu.wait_indirect_dma semaphore(%arg12 : memref<!tpu.dma_semaphore, #tpu.memory_space<semaphore_mem>>) src(%dma_wait3A_93 : memref<10000x128xf32, #tpu.memory_space<hbm>>) dst(%arg11 : memref<128x128xf32, #tpu.memory_space<vmem>>)
      "tpu.region"() ({
        %run_scoped3A = tpu.sem_alloc : memref<!tpu.dma_semaphore, #tpu.memory_space<semaphore_mem>>
        %dma_start3A_94 = arith.constant 0 : i32
        %dma_start3A_95 = tpu.memref_slice %arg10[%while3A_83, %dma_start3A_94] : memref<97x128xi32, #tpu.memory_space<vmem>> -> memref<1x128xi32, #tpu.memory_space<vmem>>
        %dma_start3A_96 = tpu.memref_squeeze %dma_start3A_95 : memref<1x128xi32, #tpu.memory_space<vmem>> -> memref<128xi32, #tpu.memory_space<vmem>>
        %dma_start3A_97 = arith.constant 0 : i32
        %dma_start3A_98 = arith.constant 0 : i32
        %dma_start3A_99 = tpu.memref_slice %arg8[%dma_start3A_97, %dma_start3A_98] : memref<10240x128xf32, #tpu.memory_space<vmem_shared>> -> memref<10240x128xf32, #tpu.memory_space<vmem_shared>>
        tpu.enqueue_indirect_dma source(%arg11 : memref<128x128xf32, #tpu.memory_space<vmem>>) target(%dma_start3A_99 : memref<10240x128xf32, #tpu.memory_space<vmem_shared>>) offsets(%dma_start3A_96 : memref<128xi32, #tpu.memory_space<vmem>>) semaphore(%run_scoped3A : memref<!tpu.dma_semaphore, #tpu.memory_space<semaphore_mem>>) {add = true}
        %dma_wait3A_100 = arith.constant 0 : i32
        %dma_wait3A_101 = tpu.memref_slice %arg10[%while3A_83, %dma_wait3A_100] : memref<97x128xi32, #tpu.memory_space<vmem>> -> memref<1x128xi32, #tpu.memory_space<vmem>>
        %dma_wait3A_102 = tpu.memref_squeeze %dma_wait3A_101 : memref<1x128xi32, #tpu.memory_space<vmem>> -> memref<128xi32, #tpu.memory_space<vmem>>
        %dma_wait3A_103 = arith.constant 0 : i32
        %dma_wait3A_104 = arith.constant 0 : i32
        %dma_wait3A_105 = tpu.memref_slice %arg8[%dma_wait3A_103, %dma_wait3A_104] : memref<10240x128xf32, #tpu.memory_space<vmem_shared>> -> memref<10240x128xf32, #tpu.memory_space<vmem_shared>>
        tpu.wait_indirect_dma semaphore(%run_scoped3A : memref<!tpu.dma_semaphore, #tpu.memory_space<semaphore_mem>>) src(%arg11 : memref<128x128xf32, #tpu.memory_space<vmem>>) dst(%dma_wait3A_105 : memref<10240x128xf32, #tpu.memory_space<vmem_shared>>)
        tpu.yield
      }) : () -> ()
    }
    %while3A_23 = arith.constant 1 : i32
    scf.for %while3A_83 = %while3A_21 to %while3A_17 step %while3A_23  : i32 {
      %dma_start3A = arith.constant 0 : i32
      %dma_start3A_84 = tpu.memref_slice %arg9[%while3A_83, %dma_start3A] : memref<97x128xi32, #tpu.memory_space<vmem>> -> memref<1x128xi32, #tpu.memory_space<vmem>>
      %dma_start3A_85 = tpu.memref_squeeze %dma_start3A_84 : memref<1x128xi32, #tpu.memory_space<vmem>> -> memref<128xi32, #tpu.memory_space<vmem>>
      %dma_start3A_86 = arith.constant 0 : i32
      %dma_start3A_87 = arith.constant 0 : i32
      %dma_start3A_88 = tpu.memref_slice %arg4[%dma_start3A_86, %dma_start3A_87] : memref<10000x128xf32, #tpu.memory_space<hbm>> -> memref<10000x128xf32, #tpu.memory_space<hbm>>
      tpu.enqueue_indirect_dma source(%dma_start3A_88 : memref<10000x128xf32, #tpu.memory_space<hbm>>) target(%arg11 : memref<128x128xf32, #tpu.memory_space<vmem>>) offsets(%dma_start3A_85 : memref<128xi32, #tpu.memory_space<vmem>>) semaphore(%arg12 : memref<!tpu.dma_semaphore, #tpu.memory_space<semaphore_mem>>)
      %dma_wait3A = arith.constant 0 : i32
      %dma_wait3A_89 = tpu.memref_slice %arg9[%while3A_83, %dma_wait3A] : memref<97x128xi32, #tpu.memory_space<vmem>> -> memref<1x128xi32, #tpu.memory_space<vmem>>
      %dma_wait3A_90 = tpu.memref_squeeze %dma_wait3A_89 : memref<1x128xi32, #tpu.memory_space<vmem>> -> memref<128xi32, #tpu.memory_space<vmem>>
      %dma_wait3A_91 = arith.constant 0 : i32
      %dma_wait3A_92 = arith.constant 0 : i32
      %dma_wait3A_93 = tpu.memref_slice %arg4[%dma_wait3A_91, %dma_wait3A_92] : memref<10000x128xf32, #tpu.memory_space<hbm>> -> memref<10000x128xf32, #tpu.memory_space<hbm>>
      tpu.wait_indirect_dma semaphore(%arg12 : memref<!tpu.dma_semaphore, #tpu.memory_space<semaphore_mem>>) src(%dma_wait3A_93 : memref<10000x128xf32, #tpu.memory_space<hbm>>) dst(%arg11 : memref<128x128xf32, #tpu.memory_space<vmem>>)
      "tpu.region"() ({
        %run_scoped3A = tpu.sem_alloc : memref<!tpu.dma_semaphore, #tpu.memory_space<semaphore_mem>>
        %dma_start3A_94 = arith.constant 0 : i32
        %dma_start3A_95 = tpu.memref_slice %arg10[%while3A_83, %dma_start3A_94] : memref<97x128xi32, #tpu.memory_space<vmem>> -> memref<1x128xi32, #tpu.memory_space<vmem>>
        %dma_start3A_96 = tpu.memref_squeeze %dma_start3A_95 : memref<1x128xi32, #tpu.memory_space<vmem>> -> memref<128xi32, #tpu.memory_space<vmem>>
        %dma_start3A_97 = arith.constant 0 : i32
        %dma_start3A_98 = arith.constant 0 : i32
        %dma_start3A_99 = tpu.memref_slice %arg8[%dma_start3A_97, %dma_start3A_98] : memref<10240x128xf32, #tpu.memory_space<vmem_shared>> -> memref<10240x128xf32, #tpu.memory_space<vmem_shared>>
        tpu.enqueue_indirect_dma source(%arg11 : memref<128x128xf32, #tpu.memory_space<vmem>>) target(%dma_start3A_99 : memref<10240x128xf32, #tpu.memory_space<vmem_shared>>) offsets(%dma_start3A_96 : memref<128xi32, #tpu.memory_space<vmem>>) semaphore(%run_scoped3A : memref<!tpu.dma_semaphore, #tpu.memory_space<semaphore_mem>>) {add = true}
        %dma_wait3A_100 = arith.constant 0 : i32
        %dma_wait3A_101 = tpu.memref_slice %arg10[%while3A_83, %dma_wait3A_100] : memref<97x128xi32, #tpu.memory_space<vmem>> -> memref<1x128xi32, #tpu.memory_space<vmem>>
        %dma_wait3A_102 = tpu.memref_squeeze %dma_wait3A_101 : memref<1x128xi32, #tpu.memory_space<vmem>> -> memref<128xi32, #tpu.memory_space<vmem>>
        %dma_wait3A_103 = arith.constant 0 : i32
        %dma_wait3A_104 = arith.constant 0 : i32
        %dma_wait3A_105 = tpu.memref_slice %arg8[%dma_wait3A_103, %dma_wait3A_104] : memref<10240x128xf32, #tpu.memory_space<vmem_shared>> -> memref<10240x128xf32, #tpu.memory_space<vmem_shared>>
        tpu.wait_indirect_dma semaphore(%run_scoped3A : memref<!tpu.dma_semaphore, #tpu.memory_space<semaphore_mem>>) src(%arg11 : memref<128x128xf32, #tpu.memory_space<vmem>>) dst(%dma_wait3A_105 : memref<10240x128xf32, #tpu.memory_space<vmem_shared>>)
        tpu.yield
      }) : () -> ()
    }
    %barrier3A_24 = arith.constant 0 : index
    tpu.barrier barrier_id(%barrier3A_24)
    %add3A_25 = arith.constant 0 : i32
    %add3A_26 = arith.addi %mul3A_2, %add3A_25 : i32
    "tpu.region"() ({
      %run_scoped3A = tpu.sem_alloc : memref<!tpu.dma_semaphore, #tpu.memory_space<semaphore_mem>>
      %dma_start3A = arith.constant 0 : i32
      %dma_start3A_83 = tpu.memref_slice %arg8[%add3A_26, %dma_start3A] : memref<10240x128xf32, #tpu.memory_space<vmem_shared>> -> memref<128x128xf32, #tpu.memory_space<vmem_shared>>
      %dma_start3A_84 = arith.constant 0 : i32
      %dma_start3A_85 = tpu.memref_slice %arg8[%add3A_26, %dma_start3A_84] : memref<10240x128xf32, #tpu.memory_space<vmem_shared>> -> memref<128x128xf32, #tpu.memory_space<vmem_shared>>
      tpu.enqueue_dma source(%dma_start3A_85 : memref<128x128xf32, #tpu.memory_space<vmem_shared>>) target(%arg11 : memref<128x128xf32, #tpu.memory_space<vmem>>) target_semaphore(%run_scoped3A : memref<!tpu.dma_semaphore, #tpu.memory_space<semaphore_mem>>)
      %dma_wait3A = arith.constant 0 : i32
      %dma_wait3A_86 = tpu.memref_slice %arg8[%add3A_26, %dma_wait3A] : memref<10240x128xf32, #tpu.memory_space<vmem_shared>> -> memref<128x128xf32, #tpu.memory_space<vmem_shared>>
      %dma_wait3A_87 = arith.constant 0 : i32
      %dma_wait3A_88 = tpu.memref_slice %arg8[%add3A_26, %dma_wait3A_87] : memref<10240x128xf32, #tpu.memory_space<vmem_shared>> -> memref<128x128xf32, #tpu.memory_space<vmem_shared>>
      tpu.wait_dma2 semaphore(%run_scoped3A : memref<!tpu.dma_semaphore, #tpu.memory_space<semaphore_mem>>) src(%dma_wait3A_88 : memref<128x128xf32, #tpu.memory_space<vmem_shared>>) dst(%arg11 : memref<128x128xf32, #tpu.memory_space<vmem>>)
      tpu.yield
    }) : () -> ()
    %eq3A_27 = arith.constant 0 : i32
    %eq3A_28 = arith.cmpi eq, %arg0, %eq3A_27 : i32
    %convert_element_type3A = arith.extui %eq3A_28 : i1 to i32
    %cond3A = arith.constant 0 : i32
    %cond3A_29 = arith.cmpi ne, %convert_element_type3A, %cond3A : i32
    scf.if %cond3A_29 {
      "tpu.region"() ({
        %run_scoped3A = tpu.sem_alloc : memref<!tpu.dma_semaphore, #tpu.memory_space<semaphore_mem>>
        %dma_start3A = arith.constant 0 : i32
        %dma_start3A_83 = tpu.memref_slice %arg6[%add3A_26, %dma_start3A] : memref<10240x128xf32, #tpu.memory_space<hbm>> -> memref<128x128xf32, #tpu.memory_space<hbm>>
        %dma_start3A_84 = arith.constant 0 : i32
        %dma_start3A_85 = tpu.memref_slice %arg6[%add3A_26, %dma_start3A_84] : memref<10240x128xf32, #tpu.memory_space<hbm>> -> memref<128x128xf32, #tpu.memory_space<hbm>>
        tpu.enqueue_dma source(%arg11 : memref<128x128xf32, #tpu.memory_space<vmem>>) target(%dma_start3A_85 : memref<128x128xf32, #tpu.memory_space<hbm>>) target_semaphore(%run_scoped3A : memref<!tpu.dma_semaphore, #tpu.memory_space<semaphore_mem>>)
        %dma_wait3A = arith.constant 0 : i32
        %dma_wait3A_86 = tpu.memref_slice %arg6[%add3A_26, %dma_wait3A] : memref<10240x128xf32, #tpu.memory_space<hbm>> -> memref<128x128xf32, #tpu.memory_space<hbm>>
        %dma_wait3A_87 = arith.constant 0 : i32
        %dma_wait3A_88 = tpu.memref_slice %arg6[%add3A_26, %dma_wait3A_87] : memref<10240x128xf32, #tpu.memory_space<hbm>> -> memref<128x128xf32, #tpu.memory_space<hbm>>
        tpu.wait_dma2 semaphore(%run_scoped3A : memref<!tpu.dma_semaphore, #tpu.memory_space<semaphore_mem>>) src(%arg11 : memref<128x128xf32, #tpu.memory_space<vmem>>) dst(%dma_wait3A_88 : memref<128x128xf32, #tpu.memory_space<hbm>>)
        tpu.yield
      }) : () -> ()
    } else {
    }
    %eq3A_30 = arith.constant 1 : i32
    %eq3A_31 = arith.cmpi eq, %arg0, %eq3A_30 : i32
    %convert_element_type3A_32 = arith.extui %eq3A_31 : i1 to i32
    %cond3A_33 = arith.constant 0 : i32
    %cond3A_34 = arith.cmpi ne, %convert_element_type3A_32, %cond3A_33 : i32
    scf.if %cond3A_34 {
      "tpu.region"() ({
        %run_scoped3A = tpu.sem_alloc : memref<!tpu.dma_semaphore, #tpu.memory_space<semaphore_mem>>
        %dma_start3A = arith.constant 0 : i32
        %dma_start3A_83 = tpu.memref_slice %arg7[%add3A_26, %dma_start3A] : memref<10240x128xf32, #tpu.memory_space<hbm>> -> memref<128x128xf32, #tpu.memory_space<hbm>>
        %dma_start3A_84 = arith.constant 0 : i32
        %dma_start3A_85 = tpu.memref_slice %arg7[%add3A_26, %dma_start3A_84] : memref<10240x128xf32, #tpu.memory_space<hbm>> -> memref<128x128xf32, #tpu.memory_space<hbm>>
        tpu.enqueue_dma source(%arg11 : memref<128x128xf32, #tpu.memory_space<vmem>>) target(%dma_start3A_85 : memref<128x128xf32, #tpu.memory_space<hbm>>) target_semaphore(%run_scoped3A : memref<!tpu.dma_semaphore, #tpu.memory_space<semaphore_mem>>)
        %dma_wait3A = arith.constant 0 : i32
        %dma_wait3A_86 = tpu.memref_slice %arg7[%add3A_26, %dma_wait3A] : memref<10240x128xf32, #tpu.memory_space<hbm>> -> memref<128x128xf32, #tpu.memory_space<hbm>>
        %dma_wait3A_87 = arith.constant 0 : i32
        %dma_wait3A_88 = tpu.memref_slice %arg7[%add3A_26, %dma_wait3A_87] : memref<10240x128xf32, #tpu.memory_space<hbm>> -> memref<128x128xf32, #tpu.memory_space<hbm>>
        tpu.wait_dma2 semaphore(%run_scoped3A : memref<!tpu.dma_semaphore, #tpu.memory_space<semaphore_mem>>) src(%arg11 : memref<128x128xf32, #tpu.memory_space<vmem>>) dst(%dma_wait3A_88 : memref<128x128xf32, #tpu.memory_space<hbm>>)
        tpu.yield
      }) : () -> ()
    } else {
    }
    %add3A_35 = arith.constant 128 : i32
    %add3A_36 = arith.addi %mul3A_2, %add3A_35 : i32
    "tpu.region"() ({
      %run_scoped3A = tpu.sem_alloc : memref<!tpu.dma_semaphore, #tpu.memory_space<semaphore_mem>>
      %dma_start3A = arith.constant 0 : i32
      %dma_start3A_83 = tpu.memref_slice %arg8[%add3A_36, %dma_start3A] : memref<10240x128xf32, #tpu.memory_space<vmem_shared>> -> memref<128x128xf32, #tpu.memory_space<vmem_shared>>
      %dma_start3A_84 = arith.constant 0 : i32
      %dma_start3A_85 = tpu.memref_slice %arg8[%add3A_36, %dma_start3A_84] : memref<10240x128xf32, #tpu.memory_space<vmem_shared>> -> memref<128x128xf32, #tpu.memory_space<vmem_shared>>
      tpu.enqueue_dma source(%dma_start3A_85 : memref<128x128xf32, #tpu.memory_space<vmem_shared>>) target(%arg11 : memref<128x128xf32, #tpu.memory_space<vmem>>) target_semaphore(%run_scoped3A : memref<!tpu.dma_semaphore, #tpu.memory_space<semaphore_mem>>)
      %dma_wait3A = arith.constant 0 : i32
      %dma_wait3A_86 = tpu.memref_slice %arg8[%add3A_36, %dma_wait3A] : memref<10240x128xf32, #tpu.memory_space<vmem_shared>> -> memref<128x128xf32, #tpu.memory_space<vmem_shared>>
      %dma_wait3A_87 = arith.constant 0 : i32
      %dma_wait3A_88 = tpu.memref_slice %arg8[%add3A_36, %dma_wait3A_87] : memref<10240x128xf32, #tpu.memory_space<vmem_shared>> -> memref<128x128xf32, #tpu.memory_space<vmem_shared>>
      tpu.wait_dma2 semaphore(%run_scoped3A : memref<!tpu.dma_semaphore, #tpu.memory_space<semaphore_mem>>) src(%dma_wait3A_88 : memref<128x128xf32, #tpu.memory_space<vmem_shared>>) dst(%arg11 : memref<128x128xf32, #tpu.memory_space<vmem>>)
      tpu.yield
    }) : () -> ()
    %eq3A_37 = arith.constant 0 : i32
    %eq3A_38 = arith.cmpi eq, %arg0, %eq3A_37 : i32
    %convert_element_type3A_39 = arith.extui %eq3A_38 : i1 to i32
    %cond3A_40 = arith.constant 0 : i32
    %cond3A_41 = arith.cmpi ne, %convert_element_type3A_39, %cond3A_40 : i32
    scf.if %cond3A_41 {
      "tpu.region"() ({
        %run_scoped3A = tpu.sem_alloc : memref<!tpu.dma_semaphore, #tpu.memory_space<semaphore_mem>>
        %dma_start3A = arith.constant 0 : i32
        %dma_start3A_83 = tpu.memref_slice %arg6[%add3A_36, %dma_start3A] : memref<10240x128xf32, #tpu.memory_space<hbm>> -> memref<128x128xf32, #tpu.memory_space<hbm>>
        %dma_start3A_84 = arith.constant 0 : i32
        %dma_start3A_85 = tpu.memref_slice %arg6[%add3A_36, %dma_start3A_84] : memref<10240x128xf32, #tpu.memory_space<hbm>> -> memref<128x128xf32, #tpu.memory_space<hbm>>
        tpu.enqueue_dma source(%arg11 : memref<128x128xf32, #tpu.memory_space<vmem>>) target(%dma_start3A_85 : memref<128x128xf32, #tpu.memory_space<hbm>>) target_semaphore(%run_scoped3A : memref<!tpu.dma_semaphore, #tpu.memory_space<semaphore_mem>>)
        %dma_wait3A = arith.constant 0 : i32
        %dma_wait3A_86 = tpu.memref_slice %arg6[%add3A_36, %dma_wait3A] : memref<10240x128xf32, #tpu.memory_space<hbm>> -> memref<128x128xf32, #tpu.memory_space<hbm>>
        %dma_wait3A_87 = arith.constant 0 : i32
        %dma_wait3A_88 = tpu.memref_slice %arg6[%add3A_36, %dma_wait3A_87] : memref<10240x128xf32, #tpu.memory_space<hbm>> -> memref<128x128xf32, #tpu.memory_space<hbm>>
        tpu.wait_dma2 semaphore(%run_scoped3A : memref<!tpu.dma_semaphore, #tpu.memory_space<semaphore_mem>>) src(%arg11 : memref<128x128xf32, #tpu.memory_space<vmem>>) dst(%dma_wait3A_88 : memref<128x128xf32, #tpu.memory_space<hbm>>)
        tpu.yield
      }) : () -> ()
    } else {
    }
    %eq3A_42 = arith.constant 1 : i32
    %eq3A_43 = arith.cmpi eq, %arg0, %eq3A_42 : i32
    %convert_element_type3A_44 = arith.extui %eq3A_43 : i1 to i32
    %cond3A_45 = arith.constant 0 : i32
    %cond3A_46 = arith.cmpi ne, %convert_element_type3A_44, %cond3A_45 : i32
    scf.if %cond3A_46 {
      "tpu.region"() ({
        %run_scoped3A = tpu.sem_alloc : memref<!tpu.dma_semaphore, #tpu.memory_space<semaphore_mem>>
        %dma_start3A = arith.constant 0 : i32
        %dma_start3A_83 = tpu.memref_slice %arg7[%add3A_36, %dma_start3A] : memref<10240x128xf32, #tpu.memory_space<hbm>> -> memref<128x128xf32, #tpu.memory_space<hbm>>
        %dma_start3A_84 = arith.constant 0 : i32
        %dma_start3A_85 = tpu.memref_slice %arg7[%add3A_36, %dma_start3A_84] : memref<10240x128xf32, #tpu.memory_space<hbm>> -> memref<128x128xf32, #tpu.memory_space<hbm>>
        tpu.enqueue_dma source(%arg11 : memref<128x128xf32, #tpu.memory_space<vmem>>) target(%dma_start3A_85 : memref<128x128xf32, #tpu.memory_space<hbm>>) target_semaphore(%run_scoped3A : memref<!tpu.dma_semaphore, #tpu.memory_space<semaphore_mem>>)
        %dma_wait3A = arith.constant 0 : i32
        %dma_wait3A_86 = tpu.memref_slice %arg7[%add3A_36, %dma_wait3A] : memref<10240x128xf32, #tpu.memory_space<hbm>> -> memref<128x128xf32, #tpu.memory_space<hbm>>
        %dma_wait3A_87 = arith.constant 0 : i32
        %dma_wait3A_88 = tpu.memref_slice %arg7[%add3A_36, %dma_wait3A_87] : memref<10240x128xf32, #tpu.memory_space<hbm>> -> memref<128x128xf32, #tpu.memory_space<hbm>>
        tpu.wait_dma2 semaphore(%run_scoped3A : memref<!tpu.dma_semaphore, #tpu.memory_space<semaphore_mem>>) src(%arg11 : memref<128x128xf32, #tpu.memory_space<vmem>>) dst(%dma_wait3A_88 : memref<128x128xf32, #tpu.memory_space<hbm>>)
        tpu.yield
      }) : () -> ()
    } else {
    }
    %add3A_47 = arith.constant 256 : i32
    %add3A_48 = arith.addi %mul3A_2, %add3A_47 : i32
    "tpu.region"() ({
      %run_scoped3A = tpu.sem_alloc : memref<!tpu.dma_semaphore, #tpu.memory_space<semaphore_mem>>
      %dma_start3A = arith.constant 0 : i32
      %dma_start3A_83 = tpu.memref_slice %arg8[%add3A_48, %dma_start3A] : memref<10240x128xf32, #tpu.memory_space<vmem_shared>> -> memref<128x128xf32, #tpu.memory_space<vmem_shared>>
      %dma_start3A_84 = arith.constant 0 : i32
      %dma_start3A_85 = tpu.memref_slice %arg8[%add3A_48, %dma_start3A_84] : memref<10240x128xf32, #tpu.memory_space<vmem_shared>> -> memref<128x128xf32, #tpu.memory_space<vmem_shared>>
      tpu.enqueue_dma source(%dma_start3A_85 : memref<128x128xf32, #tpu.memory_space<vmem_shared>>) target(%arg11 : memref<128x128xf32, #tpu.memory_space<vmem>>) target_semaphore(%run_scoped3A : memref<!tpu.dma_semaphore, #tpu.memory_space<semaphore_mem>>)
      %dma_wait3A = arith.constant 0 : i32
      %dma_wait3A_86 = tpu.memref_slice %arg8[%add3A_48, %dma_wait3A] : memref<10240x128xf32, #tpu.memory_space<vmem_shared>> -> memref<128x128xf32, #tpu.memory_space<vmem_shared>>
      %dma_wait3A_87 = arith.constant 0 : i32
      %dma_wait3A_88 = tpu.memref_slice %arg8[%add3A_48, %dma_wait3A_87] : memref<10240x128xf32, #tpu.memory_space<vmem_shared>> -> memref<128x128xf32, #tpu.memory_space<vmem_shared>>
      tpu.wait_dma2 semaphore(%run_scoped3A : memref<!tpu.dma_semaphore, #tpu.memory_space<semaphore_mem>>) src(%dma_wait3A_88 : memref<128x128xf32, #tpu.memory_space<vmem_shared>>) dst(%arg11 : memref<128x128xf32, #tpu.memory_space<vmem>>)
      tpu.yield
    }) : () -> ()
    %eq3A_49 = arith.constant 0 : i32
    %eq3A_50 = arith.cmpi eq, %arg0, %eq3A_49 : i32
    %convert_element_type3A_51 = arith.extui %eq3A_50 : i1 to i32
    %cond3A_52 = arith.constant 0 : i32
    %cond3A_53 = arith.cmpi ne, %convert_element_type3A_51, %cond3A_52 : i32
    scf.if %cond3A_53 {
      "tpu.region"() ({
        %run_scoped3A = tpu.sem_alloc : memref<!tpu.dma_semaphore, #tpu.memory_space<semaphore_mem>>
        %dma_start3A = arith.constant 0 : i32
        %dma_start3A_83 = tpu.memref_slice %arg6[%add3A_48, %dma_start3A] : memref<10240x128xf32, #tpu.memory_space<hbm>> -> memref<128x128xf32, #tpu.memory_space<hbm>>
        %dma_start3A_84 = arith.constant 0 : i32
        %dma_start3A_85 = tpu.memref_slice %arg6[%add3A_48, %dma_start3A_84] : memref<10240x128xf32, #tpu.memory_space<hbm>> -> memref<128x128xf32, #tpu.memory_space<hbm>>
        tpu.enqueue_dma source(%arg11 : memref<128x128xf32, #tpu.memory_space<vmem>>) target(%dma_start3A_85 : memref<128x128xf32, #tpu.memory_space<hbm>>) target_semaphore(%run_scoped3A : memref<!tpu.dma_semaphore, #tpu.memory_space<semaphore_mem>>)
        %dma_wait3A = arith.constant 0 : i32
        %dma_wait3A_86 = tpu.memref_slice %arg6[%add3A_48, %dma_wait3A] : memref<10240x128xf32, #tpu.memory_space<hbm>> -> memref<128x128xf32, #tpu.memory_space<hbm>>
        %dma_wait3A_87 = arith.constant 0 : i32
        %dma_wait3A_88 = tpu.memref_slice %arg6[%add3A_48, %dma_wait3A_87] : memref<10240x128xf32, #tpu.memory_space<hbm>> -> memref<128x128xf32, #tpu.memory_space<hbm>>
        tpu.wait_dma2 semaphore(%run_scoped3A : memref<!tpu.dma_semaphore, #tpu.memory_space<semaphore_mem>>) src(%arg11 : memref<128x128xf32, #tpu.memory_space<vmem>>) dst(%dma_wait3A_88 : memref<128x128xf32, #tpu.memory_space<hbm>>)
        tpu.yield
      }) : () -> ()
    } else {
    }
    %eq3A_54 = arith.constant 1 : i32
    %eq3A_55 = arith.cmpi eq, %arg0, %eq3A_54 : i32
    %convert_element_type3A_56 = arith.extui %eq3A_55 : i1 to i32
    %cond3A_57 = arith.constant 0 : i32
    %cond3A_58 = arith.cmpi ne, %convert_element_type3A_56, %cond3A_57 : i32
    scf.if %cond3A_58 {
      "tpu.region"() ({
        %run_scoped3A = tpu.sem_alloc : memref<!tpu.dma_semaphore, #tpu.memory_space<semaphore_mem>>
        %dma_start3A = arith.constant 0 : i32
        %dma_start3A_83 = tpu.memref_slice %arg7[%add3A_48, %dma_start3A] : memref<10240x128xf32, #tpu.memory_space<hbm>> -> memref<128x128xf32, #tpu.memory_space<hbm>>
        %dma_start3A_84 = arith.constant 0 : i32
        %dma_start3A_85 = tpu.memref_slice %arg7[%add3A_48, %dma_start3A_84] : memref<10240x128xf32, #tpu.memory_space<hbm>> -> memref<128x128xf32, #tpu.memory_space<hbm>>
        tpu.enqueue_dma source(%arg11 : memref<128x128xf32, #tpu.memory_space<vmem>>) target(%dma_start3A_85 : memref<128x128xf32, #tpu.memory_space<hbm>>) target_semaphore(%run_scoped3A : memref<!tpu.dma_semaphore, #tpu.memory_space<semaphore_mem>>)
        %dma_wait3A = arith.constant 0 : i32
        %dma_wait3A_86 = tpu.memref_slice %arg7[%add3A_48, %dma_wait3A] : memref<10240x128xf32, #tpu.memory_space<hbm>> -> memref<128x128xf32, #tpu.memory_space<hbm>>
        %dma_wait3A_87 = arith.constant 0 : i32
        %dma_wait3A_88 = tpu.memref_slice %arg7[%add3A_48, %dma_wait3A_87] : memref<10240x128xf32, #tpu.memory_space<hbm>> -> memref<128x128xf32, #tpu.memory_space<hbm>>
        tpu.wait_dma2 semaphore(%run_scoped3A : memref<!tpu.dma_semaphore, #tpu.memory_space<semaphore_mem>>) src(%arg11 : memref<128x128xf32, #tpu.memory_space<vmem>>) dst(%dma_wait3A_88 : memref<128x128xf32, #tpu.memory_space<hbm>>)
        tpu.yield
      }) : () -> ()
    } else {
    }
    %add3A_59 = arith.constant 384 : i32
    %add3A_60 = arith.addi %mul3A_2, %add3A_59 : i32
    "tpu.region"() ({
      %run_scoped3A = tpu.sem_alloc : memref<!tpu.dma_semaphore, #tpu.memory_space<semaphore_mem>>
      %dma_start3A = arith.constant 0 : i32
      %dma_start3A_83 = tpu.memref_slice %arg8[%add3A_60, %dma_start3A] : memref<10240x128xf32, #tpu.memory_space<vmem_shared>> -> memref<128x128xf32, #tpu.memory_space<vmem_shared>>
      %dma_start3A_84 = arith.constant 0 : i32
      %dma_start3A_85 = tpu.memref_slice %arg8[%add3A_60, %dma_start3A_84] : memref<10240x128xf32, #tpu.memory_space<vmem_shared>> -> memref<128x128xf32, #tpu.memory_space<vmem_shared>>
      tpu.enqueue_dma source(%dma_start3A_85 : memref<128x128xf32, #tpu.memory_space<vmem_shared>>) target(%arg11 : memref<128x128xf32, #tpu.memory_space<vmem>>) target_semaphore(%run_scoped3A : memref<!tpu.dma_semaphore, #tpu.memory_space<semaphore_mem>>)
      %dma_wait3A = arith.constant 0 : i32
      %dma_wait3A_86 = tpu.memref_slice %arg8[%add3A_60, %dma_wait3A] : memref<10240x128xf32, #tpu.memory_space<vmem_shared>> -> memref<128x128xf32, #tpu.memory_space<vmem_shared>>
      %dma_wait3A_87 = arith.constant 0 : i32
      %dma_wait3A_88 = tpu.memref_slice %arg8[%add3A_60, %dma_wait3A_87] : memref<10240x128xf32, #tpu.memory_space<vmem_shared>> -> memref<128x128xf32, #tpu.memory_space<vmem_shared>>
      tpu.wait_dma2 semaphore(%run_scoped3A : memref<!tpu.dma_semaphore, #tpu.memory_space<semaphore_mem>>) src(%dma_wait3A_88 : memref<128x128xf32, #tpu.memory_space<vmem_shared>>) dst(%arg11 : memref<128x128xf32, #tpu.memory_space<vmem>>)
      tpu.yield
    }) : () -> ()
    %eq3A_61 = arith.constant 0 : i32
    %eq3A_62 = arith.cmpi eq, %arg0, %eq3A_61 : i32
    %convert_element_type3A_63 = arith.extui %eq3A_62 : i1 to i32
    %cond3A_64 = arith.constant 0 : i32
    %cond3A_65 = arith.cmpi ne, %convert_element_type3A_63, %cond3A_64 : i32
    scf.if %cond3A_65 {
      "tpu.region"() ({
        %run_scoped3A = tpu.sem_alloc : memref<!tpu.dma_semaphore, #tpu.memory_space<semaphore_mem>>
        %dma_start3A = arith.constant 0 : i32
        %dma_start3A_83 = tpu.memref_slice %arg6[%add3A_60, %dma_start3A] : memref<10240x128xf32, #tpu.memory_space<hbm>> -> memref<128x128xf32, #tpu.memory_space<hbm>>
        %dma_start3A_84 = arith.constant 0 : i32
        %dma_start3A_85 = tpu.memref_slice %arg6[%add3A_60, %dma_start3A_84] : memref<10240x128xf32, #tpu.memory_space<hbm>> -> memref<128x128xf32, #tpu.memory_space<hbm>>
        tpu.enqueue_dma source(%arg11 : memref<128x128xf32, #tpu.memory_space<vmem>>) target(%dma_start3A_85 : memref<128x128xf32, #tpu.memory_space<hbm>>) target_semaphore(%run_scoped3A : memref<!tpu.dma_semaphore, #tpu.memory_space<semaphore_mem>>)
        %dma_wait3A = arith.constant 0 : i32
        %dma_wait3A_86 = tpu.memref_slice %arg6[%add3A_60, %dma_wait3A] : memref<10240x128xf32, #tpu.memory_space<hbm>> -> memref<128x128xf32, #tpu.memory_space<hbm>>
        %dma_wait3A_87 = arith.constant 0 : i32
        %dma_wait3A_88 = tpu.memref_slice %arg6[%add3A_60, %dma_wait3A_87] : memref<10240x128xf32, #tpu.memory_space<hbm>> -> memref<128x128xf32, #tpu.memory_space<hbm>>
        tpu.wait_dma2 semaphore(%run_scoped3A : memref<!tpu.dma_semaphore, #tpu.memory_space<semaphore_mem>>) src(%arg11 : memref<128x128xf32, #tpu.memory_space<vmem>>) dst(%dma_wait3A_88 : memref<128x128xf32, #tpu.memory_space<hbm>>)
        tpu.yield
      }) : () -> ()
    } else {
    }
    %eq3A_66 = arith.constant 1 : i32
    %eq3A_67 = arith.cmpi eq, %arg0, %eq3A_66 : i32
    %convert_element_type3A_68 = arith.extui %eq3A_67 : i1 to i32
    %cond3A_69 = arith.constant 0 : i32
    %cond3A_70 = arith.cmpi ne, %convert_element_type3A_68, %cond3A_69 : i32
    scf.if %cond3A_70 {
      "tpu.region"() ({
        %run_scoped3A = tpu.sem_alloc : memref<!tpu.dma_semaphore, #tpu.memory_space<semaphore_mem>>
        %dma_start3A = arith.constant 0 : i32
        %dma_start3A_83 = tpu.memref_slice %arg7[%add3A_60, %dma_start3A] : memref<10240x128xf32, #tpu.memory_space<hbm>> -> memref<128x128xf32, #tpu.memory_space<hbm>>
        %dma_start3A_84 = arith.constant 0 : i32
        %dma_start3A_85 = tpu.memref_slice %arg7[%add3A_60, %dma_start3A_84] : memref<10240x128xf32, #tpu.memory_space<hbm>> -> memref<128x128xf32, #tpu.memory_space<hbm>>
        tpu.enqueue_dma source(%arg11 : memref<128x128xf32, #tpu.memory_space<vmem>>) target(%dma_start3A_85 : memref<128x128xf32, #tpu.memory_space<hbm>>) target_semaphore(%run_scoped3A : memref<!tpu.dma_semaphore, #tpu.memory_space<semaphore_mem>>)
        %dma_wait3A = arith.constant 0 : i32
        %dma_wait3A_86 = tpu.memref_slice %arg7[%add3A_60, %dma_wait3A] : memref<10240x128xf32, #tpu.memory_space<hbm>> -> memref<128x128xf32, #tpu.memory_space<hbm>>
        %dma_wait3A_87 = arith.constant 0 : i32
        %dma_wait3A_88 = tpu.memref_slice %arg7[%add3A_60, %dma_wait3A_87] : memref<10240x128xf32, #tpu.memory_space<hbm>> -> memref<128x128xf32, #tpu.memory_space<hbm>>
        tpu.wait_dma2 semaphore(%run_scoped3A : memref<!tpu.dma_semaphore, #tpu.memory_space<semaphore_mem>>) src(%arg11 : memref<128x128xf32, #tpu.memory_space<vmem>>) dst(%dma_wait3A_88 : memref<128x128xf32, #tpu.memory_space<hbm>>)
        tpu.yield
      }) : () -> ()
    } else {
    }
    %add3A_71 = arith.constant 512 : i32
    %add3A_72 = arith.addi %mul3A_2, %add3A_71 : i32
    "tpu.region"() ({
      %run_scoped3A = tpu.sem_alloc : memref<!tpu.dma_semaphore, #tpu.memory_space<semaphore_mem>>
      %dma_start3A = arith.constant 0 : i32
      %dma_start3A_83 = tpu.memref_slice %arg8[%add3A_72, %dma_start3A] : memref<10240x128xf32, #tpu.memory_space<vmem_shared>> -> memref<128x128xf32, #tpu.memory_space<vmem_shared>>
      %dma_start3A_84 = arith.constant 0 : i32
      %dma_start3A_85 = tpu.memref_slice %arg8[%add3A_72, %dma_start3A_84] : memref<10240x128xf32, #tpu.memory_space<vmem_shared>> -> memref<128x128xf32, #tpu.memory_space<vmem_shared>>
      tpu.enqueue_dma source(%dma_start3A_85 : memref<128x128xf32, #tpu.memory_space<vmem_shared>>) target(%arg11 : memref<128x128xf32, #tpu.memory_space<vmem>>) target_semaphore(%run_scoped3A : memref<!tpu.dma_semaphore, #tpu.memory_space<semaphore_mem>>)
      %dma_wait3A = arith.constant 0 : i32
      %dma_wait3A_86 = tpu.memref_slice %arg8[%add3A_72, %dma_wait3A] : memref<10240x128xf32, #tpu.memory_space<vmem_shared>> -> memref<128x128xf32, #tpu.memory_space<vmem_shared>>
      %dma_wait3A_87 = arith.constant 0 : i32
      %dma_wait3A_88 = tpu.memref_slice %arg8[%add3A_72, %dma_wait3A_87] : memref<10240x128xf32, #tpu.memory_space<vmem_shared>> -> memref<128x128xf32, #tpu.memory_space<vmem_shared>>
      tpu.wait_dma2 semaphore(%run_scoped3A : memref<!tpu.dma_semaphore, #tpu.memory_space<semaphore_mem>>) src(%dma_wait3A_88 : memref<128x128xf32, #tpu.memory_space<vmem_shared>>) dst(%arg11 : memref<128x128xf32, #tpu.memory_space<vmem>>)
      tpu.yield
    }) : () -> ()
    %eq3A_73 = arith.constant 0 : i32
    %eq3A_74 = arith.cmpi eq, %arg0, %eq3A_73 : i32
    %convert_element_type3A_75 = arith.extui %eq3A_74 : i1 to i32
    %cond3A_76 = arith.constant 0 : i32
    %cond3A_77 = arith.cmpi ne, %convert_element_type3A_75, %cond3A_76 : i32
    scf.if %cond3A_77 {
      "tpu.region"() ({
        %run_scoped3A = tpu.sem_alloc : memref<!tpu.dma_semaphore, #tpu.memory_space<semaphore_mem>>
        %dma_start3A = arith.constant 0 : i32
        %dma_start3A_83 = tpu.memref_slice %arg6[%add3A_72, %dma_start3A] : memref<10240x128xf32, #tpu.memory_space<hbm>> -> memref<128x128xf32, #tpu.memory_space<hbm>>
        %dma_start3A_84 = arith.constant 0 : i32
        %dma_start3A_85 = tpu.memref_slice %arg6[%add3A_72, %dma_start3A_84] : memref<10240x128xf32, #tpu.memory_space<hbm>> -> memref<128x128xf32, #tpu.memory_space<hbm>>
        tpu.enqueue_dma source(%arg11 : memref<128x128xf32, #tpu.memory_space<vmem>>) target(%dma_start3A_85 : memref<128x128xf32, #tpu.memory_space<hbm>>) target_semaphore(%run_scoped3A : memref<!tpu.dma_semaphore, #tpu.memory_space<semaphore_mem>>)
        %dma_wait3A = arith.constant 0 : i32
        %dma_wait3A_86 = tpu.memref_slice %arg6[%add3A_72, %dma_wait3A] : memref<10240x128xf32, #tpu.memory_space<hbm>> -> memref<128x128xf32, #tpu.memory_space<hbm>>
        %dma_wait3A_87 = arith.constant 0 : i32
        %dma_wait3A_88 = tpu.memref_slice %arg6[%add3A_72, %dma_wait3A_87] : memref<10240x128xf32, #tpu.memory_space<hbm>> -> memref<128x128xf32, #tpu.memory_space<hbm>>
        tpu.wait_dma2 semaphore(%run_scoped3A : memref<!tpu.dma_semaphore, #tpu.memory_space<semaphore_mem>>) src(%arg11 : memref<128x128xf32, #tpu.memory_space<vmem>>) dst(%dma_wait3A_88 : memref<128x128xf32, #tpu.memory_space<hbm>>)
        tpu.yield
      }) : () -> ()
    } else {
    }
    %eq3A_78 = arith.constant 1 : i32
    %eq3A_79 = arith.cmpi eq, %arg0, %eq3A_78 : i32
    %convert_element_type3A_80 = arith.extui %eq3A_79 : i1 to i32
    %cond3A_81 = arith.constant 0 : i32
    %cond3A_82 = arith.cmpi ne, %convert_element_type3A_80, %cond3A_81 : i32
    scf.if %cond3A_82 {
      "tpu.region"() ({
        %run_scoped3A = tpu.sem_alloc : memref<!tpu.dma_semaphore, #tpu.memory_space<semaphore_mem>>
        %dma_start3A = arith.constant 0 : i32
        %dma_start3A_83 = tpu.memref_slice %arg7[%add3A_72, %dma_start3A] : memref<10240x128xf32, #tpu.memory_space<hbm>> -> memref<128x128xf32, #tpu.memory_space<hbm>>
        %dma_start3A_84 = arith.constant 0 : i32
        %dma_start3A_85 = tpu.memref_slice %arg7[%add3A_72, %dma_start3A_84] : memref<10240x128xf32, #tpu.memory_space<hbm>> -> memref<128x128xf32, #tpu.memory_space<hbm>>
        tpu.enqueue_dma source(%arg11 : memref<128x128xf32, #tpu.memory_space<vmem>>) target(%dma_start3A_85 : memref<128x128xf32, #tpu.memory_space<hbm>>) target_semaphore(%run_scoped3A : memref<!tpu.dma_semaphore, #tpu.memory_space<semaphore_mem>>)
        %dma_wait3A = arith.constant 0 : i32
        %dma_wait3A_86 = tpu.memref_slice %arg7[%add3A_72, %dma_wait3A] : memref<10240x128xf32, #tpu.memory_space<hbm>> -> memref<128x128xf32, #tpu.memory_space<hbm>>
        %dma_wait3A_87 = arith.constant 0 : i32
        %dma_wait3A_88 = tpu.memref_slice %arg7[%add3A_72, %dma_wait3A_87] : memref<10240x128xf32, #tpu.memory_space<hbm>> -> memref<128x128xf32, #tpu.memory_space<hbm>>
        tpu.wait_dma2 semaphore(%run_scoped3A : memref<!tpu.dma_semaphore, #tpu.memory_space<semaphore_mem>>) src(%arg11 : memref<128x128xf32, #tpu.memory_space<vmem>>) dst(%dma_wait3A_88 : memref<128x128xf32, #tpu.memory_space<hbm>>)
        tpu.yield
      }) : () -> ()
    } else {
    }
    return
  }
}

module attributes {stable_mosaic.version = 14 : i64} {
  func.func @_bn_body(%arg0: i32, %arg1: memref<1000x128xf32, #tpu.memory_space<vmem>>, %arg2: memref<1x128xf32, #tpu.memory_space<vmem>>, %arg3: memref<1x128xf32, #tpu.memory_space<vmem>>, %arg4: memref<1x128xf32, #tpu.memory_space<vmem>>, %arg5: memref<1x128xf32, #tpu.memory_space<vmem>>, %arg6: memref<1000x128xf32, #tpu.memory_space<vmem>>) attributes {dimension_semantics = [#tpu.dimension_semantics<arbitrary>], iteration_bounds = array<i64: 10>, scalar_prefetch = 0 : i64, scratch_operands = 0 : i64, tpu.core_type = #tpu.core_type<tc>, window_params = [{transform_indices = @transform_0, window_bounds = array<i64: 1000, 128>}, {pipeline_mode = #tpu.pipeline_mode<synchronous>, transform_indices = @transform_1, window_bounds = array<i64: 1, 128>}, {pipeline_mode = #tpu.pipeline_mode<synchronous>, transform_indices = @transform_2, window_bounds = array<i64: 1, 128>}, {pipeline_mode = #tpu.pipeline_mode<synchronous>, transform_indices = @transform_3, window_bounds = array<i64: 1, 128>}, {pipeline_mode = #tpu.pipeline_mode<synchronous>, transform_indices = @transform_4, window_bounds = array<i64: 1, 128>}, {transform_indices = @transform_5, window_bounds = array<i64: 1000, 128>}]} {
    %get3A = arith.constant 0 : index
    %get3A_0 = arith.constant 0 : index
    %get3A_1 = vector.load %arg2[%get3A, %get3A_0] : memref<1x128xf32, #tpu.memory_space<vmem>>, vector<1x128xf32>
    %get3A_2 = arith.constant 0 : index
    %get3A_3 = arith.constant 0 : index
    %get3A_4 = vector.load %arg3[%get3A_2, %get3A_3] : memref<1x128xf32, #tpu.memory_space<vmem>>, vector<1x128xf32>
    %get3A_5 = arith.constant 0 : index
    %get3A_6 = arith.constant 0 : index
    %get3A_7 = vector.load %arg4[%get3A_5, %get3A_6] : memref<1x128xf32, #tpu.memory_space<vmem>>, vector<1x128xf32>
    %get3A_8 = arith.constant 0 : index
    %get3A_9 = arith.constant 0 : index
    %get3A_10 = vector.load %arg5[%get3A_8, %get3A_9] : memref<1x128xf32, #tpu.memory_space<vmem>>, vector<1x128xf32>
    %mul3A = arith.constant 9.99999974E-5 : f32
    %mul3A_11 = vector.broadcast %mul3A : f32 to vector<1x128xf32>
    %mul3A_12 = arith.mulf %get3A_1, %mul3A_11 : vector<1x128xf32>
    %mul3A_13 = arith.constant 9.99999974E-5 : f32
    %mul3A_14 = vector.broadcast %mul3A_13 : f32 to vector<1x128xf32>
    %mul3A_15 = arith.mulf %get3A_4, %mul3A_14 : vector<1x128xf32>
    %mul3A_16 = arith.mulf %mul3A_12, %mul3A_12 : vector<1x128xf32>
    %sub3A = arith.subf %mul3A_15, %mul3A_16 : vector<1x128xf32>
    %add3A = arith.constant 9.99999974E-6 : f32
    %add3A_17 = vector.broadcast %add3A : f32 to vector<1x128xf32>
    %add3A_18 = arith.addf %sub3A, %add3A_17 : vector<1x128xf32>
    %rsqrt3A = math.rsqrt %add3A_18 : vector<1x128xf32>
    %mul3A_19 = arith.mulf %get3A_7, %rsqrt3A : vector<1x128xf32>
    %mul3A_20 = arith.mulf %mul3A_12, %mul3A_19 : vector<1x128xf32>
    %sub3A_21 = arith.subf %get3A_10, %mul3A_20 : vector<1x128xf32>
    %get3A_22 = arith.constant 0 : index
    %get3A_23 = arith.constant 0 : index
    %get3A_24 = vector.load %arg1[%get3A_22, %get3A_23] : memref<1000x128xf32, #tpu.memory_space<vmem>>, vector<1000x128xf32>
    %mul3A_25 = vector.broadcast %mul3A_19 : vector<1x128xf32> to vector<1000x128xf32>
    %mul3A_26 = arith.mulf %get3A_24, %mul3A_25 : vector<1000x128xf32>
    %add3A_27 = vector.broadcast %sub3A_21 : vector<1x128xf32> to vector<1000x128xf32>
    %add3A_28 = arith.addf %mul3A_26, %add3A_27 : vector<1000x128xf32>
    %max3A = arith.constant 0.000000e+00 : f32
    %max3A_29 = vector.broadcast %max3A : f32 to vector<1000x128xf32>
    %max3A_30 = arith.maximumf %add3A_28, %max3A_29 : vector<1000x128xf32>
    %swap3A = arith.constant 0 : index
    %swap3A_31 = arith.constant 0 : index
    %swap3A_32 = vector.load %arg6[%swap3A, %swap3A_31] : memref<1000x128xf32, #tpu.memory_space<vmem>>, vector<1000x128xf32>
    tpu.vector_store %arg6[%swap3A, %swap3A_31], %max3A_30 {strides = array<i32>} : memref<1000x128xf32, #tpu.memory_space<vmem>>, vector<1000x128xf32>,
    return
  }
  func.func @transform_0(%arg0: i32) -> (i32, i32) {
    %c0_i32 = arith.constant 0 : i32
    %c0_i32_0 = arith.constant 0 : i32
    return %arg0, %c0_i32 : i32, i32
  }
  func.func @transform_1(%arg0: i32) -> (i32, i32) {
    %c0_i32 = arith.constant 0 : i32
    %c0_i32_0 = arith.constant 0 : i32
    %c0_i32_1 = arith.constant 0 : i32
    return %c0_i32, %c0_i32_0 : i32, i32
  }
  func.func @transform_2(%arg0: i32) -> (i32, i32) {
    %c0_i32 = arith.constant 0 : i32
    %c0_i32_0 = arith.constant 0 : i32
    %c0_i32_1 = arith.constant 0 : i32
    return %c0_i32, %c0_i32_0 : i32, i32
  }
  func.func @transform_3(%arg0: i32) -> (i32, i32) {
    %c0_i32 = arith.constant 0 : i32
    %c0_i32_0 = arith.constant 0 : i32
    %c0_i32_1 = arith.constant 0 : i32
    return %c0_i32, %c0_i32_0 : i32, i32
  }
  func.func @transform_4(%arg0: i32) -> (i32, i32) {
    %c0_i32 = arith.constant 0 : i32
    %c0_i32_0 = arith.constant 0 : i32
    %c0_i32_1 = arith.constant 0 : i32
    return %c0_i32, %c0_i32_0 : i32, i32
  }
  func.func @transform_5(%arg0: i32) -> (i32, i32) {
    %c0_i32 = arith.constant 0 : i32
    %c0_i32_0 = arith.constant 0 : i32
    return %arg0, %c0_i32 : i32, i32
  }
}

module attributes {stable_mosaic.version = 14 : i64} {
  func.func @_mlp_body(%arg0: i32, %arg1: memref<1000x128xf32, #tpu.memory_space<vmem>>, %arg2: memref<1000x128xf32, #tpu.memory_space<vmem>>, %arg3: memref<1000x128xf32, #tpu.memory_space<vmem>>, %arg4: memref<128x128xf32, #tpu.memory_space<vmem>>, %arg5: memref<1x128xf32, #tpu.memory_space<vmem>>, %arg6: memref<128x128xf32, #tpu.memory_space<vmem>>, %arg7: memref<1x128xf32, #tpu.memory_space<vmem>>, %arg8: memref<1000x128xf32, #tpu.memory_space<vmem>>, %arg9: memref<1x128xf32, #tpu.memory_space<vmem>>, %arg10: memref<1x128xf32, #tpu.memory_space<vmem>>) attributes {dimension_semantics = [#tpu.dimension_semantics<arbitrary>], iteration_bounds = array<i64: 10>, scalar_prefetch = 0 : i64, scratch_operands = 0 : i64, tpu.core_type = #tpu.core_type<tc>, window_params = [{transform_indices = @transform_0, window_bounds = array<i64: 1000, 128>}, {transform_indices = @transform_1, window_bounds = array<i64: 1000, 128>}, {transform_indices = @transform_2, window_bounds = array<i64: 1000, 128>}, {pipeline_mode = #tpu.pipeline_mode<synchronous>, transform_indices = @transform_3, window_bounds = array<i64: 128, 128>}, {pipeline_mode = #tpu.pipeline_mode<synchronous>, transform_indices = @transform_4, window_bounds = array<i64: 1, 128>}, {pipeline_mode = #tpu.pipeline_mode<synchronous>, transform_indices = @transform_5, window_bounds = array<i64: 128, 128>}, {pipeline_mode = #tpu.pipeline_mode<synchronous>, transform_indices = @transform_6, window_bounds = array<i64: 1, 128>}, {transform_indices = @transform_7, window_bounds = array<i64: 1000, 128>}, {pipeline_mode = #tpu.pipeline_mode<synchronous>, transform_indices = @transform_8, window_bounds = array<i64: 1, 128>}, {pipeline_mode = #tpu.pipeline_mode<synchronous>, transform_indices = @transform_9, window_bounds = array<i64: 1, 128>}]} {
    %get3A = arith.constant 0 : index
    %get3A_0 = arith.constant 0 : index
    %get3A_1 = vector.load %arg1[%get3A, %get3A_0] : memref<1000x128xf32, #tpu.memory_space<vmem>>, vector<1000x128xf32>
    %get3A_2 = arith.constant 0 : index
    %get3A_3 = arith.constant 0 : index
    %get3A_4 = vector.load %arg2[%get3A_2, %get3A_3] : memref<1000x128xf32, #tpu.memory_space<vmem>>, vector<1000x128xf32>
    %add3A = arith.addf %get3A_1, %get3A_4 : vector<1000x128xf32>
    %get3A_5 = arith.constant 0 : index
    %get3A_6 = arith.constant 0 : index
    %get3A_7 = vector.load %arg3[%get3A_5, %get3A_6] : memref<1000x128xf32, #tpu.memory_space<vmem>>, vector<1000x128xf32>
    %add3A_8 = arith.addf %add3A, %get3A_7 : vector<1000x128xf32>
    %get3A_9 = arith.constant 0 : index
    %get3A_10 = arith.constant 0 : index
    %get3A_11 = vector.load %arg4[%get3A_9, %get3A_10] : memref<128x128xf32, #tpu.memory_space<vmem>>, vector<128x128xf32>
    %dot_general3A = arith.constant dense<0.000000e+00> : vector<1000x128xf32>
    %dot_general3A_12 = tpu.matmul %add3A_8, %get3A_11, %dot_general3A {dimension_numbers = #tpu.dot_dimension_numbers<[1], [0], [0], [1], [0, 0, 1, 1], [], []>, transpose_lhs_hint = false} : vector<1000x128xf32>, vector<128x128xf32>, vector<1000x128xf32> -> vector<1000x128xf32>
    %get3A_13 = arith.constant 0 : index
    %get3A_14 = arith.constant 0 : index
    %get3A_15 = vector.load %arg5[%get3A_13, %get3A_14] : memref<1x128xf32, #tpu.memory_space<vmem>>, vector<1x128xf32>
    %add3A_16 = vector.broadcast %get3A_15 : vector<1x128xf32> to vector<1000x128xf32>
    %add3A_17 = arith.addf %dot_general3A_12, %add3A_16 : vector<1000x128xf32>
    %max3A = arith.constant 0.000000e+00 : f32
    %max3A_18 = vector.broadcast %max3A : f32 to vector<1000x128xf32>
    %max3A_19 = arith.maximumf %add3A_17, %max3A_18 : vector<1000x128xf32>
    %get3A_20 = arith.constant 0 : index
    %get3A_21 = arith.constant 0 : index
    %get3A_22 = vector.load %arg6[%get3A_20, %get3A_21] : memref<128x128xf32, #tpu.memory_space<vmem>>, vector<128x128xf32>
    %dot_general3A_23 = arith.constant dense<0.000000e+00> : vector<1000x128xf32>
    %dot_general3A_24 = tpu.matmul %max3A_19, %get3A_22, %dot_general3A_23 {dimension_numbers = #tpu.dot_dimension_numbers<[1], [0], [0], [1], [0, 0, 1, 1], [], []>, transpose_lhs_hint = false} : vector<1000x128xf32>, vector<128x128xf32>, vector<1000x128xf32> -> vector<1000x128xf32>
    %get3A_25 = arith.constant 0 : index
    %get3A_26 = arith.constant 0 : index
    %get3A_27 = vector.load %arg7[%get3A_25, %get3A_26] : memref<1x128xf32, #tpu.memory_space<vmem>>, vector<1x128xf32>
    %add3A_28 = vector.broadcast %get3A_27 : vector<1x128xf32> to vector<1000x128xf32>
    %add3A_29 = arith.addf %dot_general3A_24, %add3A_28 : vector<1000x128xf32>
    %swap3A = arith.constant 0 : index
    %swap3A_30 = arith.constant 0 : index
    %swap3A_31 = vector.load %arg8[%swap3A, %swap3A_30] : memref<1000x128xf32, #tpu.memory_space<vmem>>, vector<1000x128xf32>
    tpu.vector_store %arg8[%swap3A, %swap3A_30], %add3A_29 {strides = array<i32>} : memref<1000x128xf32, #tpu.memory_space<vmem>>, vector<1000x128xf32>,
    %eq3A = arith.constant 0 : i32
    %eq3A_32 = arith.cmpi eq, %arg0, %eq3A : i32
    %convert_element_type3A = arith.extui %eq3A_32 : i1 to i32
    %cond3A = arith.constant 0 : i32
    %cond3A_33 = arith.cmpi ne, %convert_element_type3A, %cond3A : i32
    scf.if %cond3A_33 {
      %broadcast_in_dim3A_52 = arith.constant 0.000000e+00 : f32
      %broadcast_in_dim3A_53 = vector.broadcast %broadcast_in_dim3A_52 : f32 to vector<1x128xf32>
      %swap3A_54 = arith.constant 0 : index
      %swap3A_55 = arith.constant 0 : index
      %swap3A_56 = vector.load %arg9[%swap3A_54, %swap3A_55] : memref<1x128xf32, #tpu.memory_space<vmem>>, vector<1x128xf32>
      tpu.vector_store %arg9[%swap3A_54, %swap3A_55], %broadcast_in_dim3A_53 {strides = array<i32>} : memref<1x128xf32, #tpu.memory_space<vmem>>, vector<1x128xf32>,
      %broadcast_in_dim3A_57 = arith.constant 0.000000e+00 : f32
      %broadcast_in_dim3A_58 = vector.broadcast %broadcast_in_dim3A_57 : f32 to vector<1x128xf32>
      %swap3A_59 = arith.constant 0 : index
      %swap3A_60 = arith.constant 0 : index
      %swap3A_61 = vector.load %arg10[%swap3A_59, %swap3A_60] : memref<1x128xf32, #tpu.memory_space<vmem>>, vector<1x128xf32>
      tpu.vector_store %arg10[%swap3A_59, %swap3A_60], %broadcast_in_dim3A_58 {strides = array<i32>} : memref<1x128xf32, #tpu.memory_space<vmem>>, vector<1x128xf32>,
    } else {
    }
    %get3A_34 = arith.constant 0 : index
    %get3A_35 = arith.constant 0 : index
    %get3A_36 = vector.load %arg9[%get3A_34, %get3A_35] : memref<1x128xf32, #tpu.memory_space<vmem>>, vector<1x128xf32>
    %reduce_sum3A = arith.constant dense<0.000000e+00> : vector<128xf32>
    %reduce_sum3A_37 = vector.multi_reduction <add>, %add3A_29, %reduce_sum3A [0] : vector<1000x128xf32> to vector<128xf32>
    %broadcast_in_dim3A = vector.shape_cast %reduce_sum3A_37 : vector<128xf32> to vector<1x128xf32>
    %add3A_38 = arith.addf %get3A_36, %broadcast_in_dim3A : vector<1x128xf32>
    %swap3A_39 = arith.constant 0 : index
    %swap3A_40 = arith.constant 0 : index
    %swap3A_41 = vector.load %arg9[%swap3A_39, %swap3A_40] : memref<1x128xf32, #tpu.memory_space<vmem>>, vector<1x128xf32>
    tpu.vector_store %arg9[%swap3A_39, %swap3A_40], %add3A_38 {strides = array<i32>} : memref<1x128xf32, #tpu.memory_space<vmem>>, vector<1x128xf32>,
    %get3A_42 = arith.constant 0 : index
    %get3A_43 = arith.constant 0 : index
    %get3A_44 = vector.load %arg10[%get3A_42, %get3A_43] : memref<1x128xf32, #tpu.memory_space<vmem>>, vector<1x128xf32>
    %mul3A = arith.mulf %add3A_29, %add3A_29 : vector<1000x128xf32>
    %reduce_sum3A_45 = arith.constant dense<0.000000e+00> : vector<128xf32>
    %reduce_sum3A_46 = vector.multi_reduction <add>, %mul3A, %reduce_sum3A_45 [0] : vector<1000x128xf32> to vector<128xf32>
    %broadcast_in_dim3A_47 = vector.shape_cast %reduce_sum3A_46 : vector<128xf32> to vector<1x128xf32>
    %add3A_48 = arith.addf %get3A_44, %broadcast_in_dim3A_47 : vector<1x128xf32>
    %swap3A_49 = arith.constant 0 : index
    %swap3A_50 = arith.constant 0 : index
    %swap3A_51 = vector.load %arg10[%swap3A_49, %swap3A_50] : memref<1x128xf32, #tpu.memory_space<vmem>>, vector<1x128xf32>
    tpu.vector_store %arg10[%swap3A_49, %swap3A_50], %add3A_48 {strides = array<i32>} : memref<1x128xf32, #tpu.memory_space<vmem>>, vector<1x128xf32>,
    return
  }
  func.func @transform_0(%arg0: i32) -> (i32, i32) {
    %c0_i32 = arith.constant 0 : i32
    %c0_i32_0 = arith.constant 0 : i32
    return %arg0, %c0_i32 : i32, i32
  }
  func.func @transform_1(%arg0: i32) -> (i32, i32) {
    %c0_i32 = arith.constant 0 : i32
    %c0_i32_0 = arith.constant 0 : i32
    return %arg0, %c0_i32 : i32, i32
  }
  func.func @transform_2(%arg0: i32) -> (i32, i32) {
    %c0_i32 = arith.constant 0 : i32
    %c0_i32_0 = arith.constant 0 : i32
    return %arg0, %c0_i32 : i32, i32
  }
  func.func @transform_3(%arg0: i32) -> (i32, i32) {
    %c0_i32 = arith.constant 0 : i32
    %c0_i32_0 = arith.constant 0 : i32
    %c0_i32_1 = arith.constant 0 : i32
    return %c0_i32, %c0_i32_0 : i32, i32
  }
  func.func @transform_4(%arg0: i32) -> (i32, i32) {
    %c0_i32 = arith.constant 0 : i32
    %c0_i32_0 = arith.constant 0 : i32
    %c0_i32_1 = arith.constant 0 : i32
    return %c0_i32, %c0_i32_0 : i32, i32
  }
  func.func @transform_5(%arg0: i32) -> (i32, i32) {
    %c0_i32 = arith.constant 0 : i32
    %c0_i32_0 = arith.constant 0 : i32
    %c0_i32_1 = arith.constant 0 : i32
    return %c0_i32, %c0_i32_0 : i32, i32
  }
  func.func @transform_6(%arg0: i32) -> (i32, i32) {
    %c0_i32 = arith.constant 0 : i32
    %c0_i32_0 = arith.constant 0 : i32
    %c0_i32_1 = arith.constant 0 : i32
    return %c0_i32, %c0_i32_0 : i32, i32
  }
  func.func @transform_7(%arg0: i32) -> (i32, i32) {
    %c0_i32 = arith.constant 0 : i32
    %c0_i32_0 = arith.constant 0 : i32
    return %arg0, %c0_i32 : i32, i32
  }
  func.func @transform_8(%arg0: i32) -> (i32, i32) {
    %c0_i32 = arith.constant 0 : i32
    %c0_i32_0 = arith.constant 0 : i32
    %c0_i32_1 = arith.constant 0 : i32
    return %c0_i32, %c0_i32_0 : i32, i32
  }
  func.func @transform_9(%arg0: i32) -> (i32, i32) {
    %c0_i32 = arith.constant 0 : i32
    %c0_i32_0 = arith.constant 0 : i32
    %c0_i32_1 = arith.constant 0 : i32
    return %c0_i32, %c0_i32_0 : i32, i32
  }
}

module attributes {stable_mosaic.version = 14 : i64} {
  func.func @_bn_pool_body(%arg0: i32, %arg1: memref<1000x128xf32, #tpu.memory_space<vmem>>, %arg2: memref<1x128xf32, #tpu.memory_space<vmem>>, %arg3: memref<1x128xf32, #tpu.memory_space<vmem>>, %arg4: memref<1x128xf32, #tpu.memory_space<vmem>>, %arg5: memref<1x128xf32, #tpu.memory_space<vmem>>, %arg6: memref<1000x1xi32, #tpu.memory_space<vmem>>, %arg7: memref<1000x128xf32, #tpu.memory_space<vmem>>, %arg8: memref<64x128xf32, #tpu.memory_space<vmem>>, %arg9: memref<64x128xf32, #tpu.memory_space<vmem>>) attributes {dimension_semantics = [#tpu.dimension_semantics<arbitrary>], iteration_bounds = array<i64: 10>, scalar_prefetch = 0 : i64, scratch_operands = 1 : i64, tpu.core_type = #tpu.core_type<tc>, window_params = [{transform_indices = @transform_0, window_bounds = array<i64: 1000, 128>}, {pipeline_mode = #tpu.pipeline_mode<synchronous>, transform_indices = @transform_1, window_bounds = array<i64: 1, 128>}, {pipeline_mode = #tpu.pipeline_mode<synchronous>, transform_indices = @transform_2, window_bounds = array<i64: 1, 128>}, {pipeline_mode = #tpu.pipeline_mode<synchronous>, transform_indices = @transform_3, window_bounds = array<i64: 1, 128>}, {pipeline_mode = #tpu.pipeline_mode<synchronous>, transform_indices = @transform_4, window_bounds = array<i64: 1, 128>}, {transform_indices = @transform_5, window_bounds = array<i64: 1000, 1>}, {transform_indices = @transform_6, window_bounds = array<i64: 1000, 128>}, {pipeline_mode = #tpu.pipeline_mode<synchronous>, transform_indices = @transform_7, window_bounds = array<i64: 64, 128>}]} {
    %get3A = arith.constant 0 : index
    %get3A_0 = arith.constant 0 : index
    %get3A_1 = vector.load %arg2[%get3A, %get3A_0] : memref<1x128xf32, #tpu.memory_space<vmem>>, vector<1x128xf32>
    %get3A_2 = arith.constant 0 : index
    %get3A_3 = arith.constant 0 : index
    %get3A_4 = vector.load %arg3[%get3A_2, %get3A_3] : memref<1x128xf32, #tpu.memory_space<vmem>>, vector<1x128xf32>
    %get3A_5 = arith.constant 0 : index
    %get3A_6 = arith.constant 0 : index
    %get3A_7 = vector.load %arg4[%get3A_5, %get3A_6] : memref<1x128xf32, #tpu.memory_space<vmem>>, vector<1x128xf32>
    %get3A_8 = arith.constant 0 : index
    %get3A_9 = arith.constant 0 : index
    %get3A_10 = vector.load %arg5[%get3A_8, %get3A_9] : memref<1x128xf32, #tpu.memory_space<vmem>>, vector<1x128xf32>
    %mul3A = arith.constant 9.99999974E-5 : f32
    %mul3A_11 = vector.broadcast %mul3A : f32 to vector<1x128xf32>
    %mul3A_12 = arith.mulf %get3A_1, %mul3A_11 : vector<1x128xf32>
    %mul3A_13 = arith.constant 9.99999974E-5 : f32
    %mul3A_14 = vector.broadcast %mul3A_13 : f32 to vector<1x128xf32>
    %mul3A_15 = arith.mulf %get3A_4, %mul3A_14 : vector<1x128xf32>
    %mul3A_16 = arith.mulf %mul3A_12, %mul3A_12 : vector<1x128xf32>
    %sub3A = arith.subf %mul3A_15, %mul3A_16 : vector<1x128xf32>
    %add3A = arith.constant 9.99999974E-6 : f32
    %add3A_17 = vector.broadcast %add3A : f32 to vector<1x128xf32>
    %add3A_18 = arith.addf %sub3A, %add3A_17 : vector<1x128xf32>
    %rsqrt3A = math.rsqrt %add3A_18 : vector<1x128xf32>
    %mul3A_19 = arith.mulf %get3A_7, %rsqrt3A : vector<1x128xf32>
    %mul3A_20 = arith.mulf %mul3A_12, %mul3A_19 : vector<1x128xf32>
    %sub3A_21 = arith.subf %get3A_10, %mul3A_20 : vector<1x128xf32>
    %get3A_22 = arith.constant 0 : index
    %get3A_23 = arith.constant 0 : index
    %get3A_24 = vector.load %arg1[%get3A_22, %get3A_23] : memref<1000x128xf32, #tpu.memory_space<vmem>>, vector<1000x128xf32>
    %mul3A_25 = vector.broadcast %mul3A_19 : vector<1x128xf32> to vector<1000x128xf32>
    %mul3A_26 = arith.mulf %get3A_24, %mul3A_25 : vector<1000x128xf32>
    %add3A_27 = vector.broadcast %sub3A_21 : vector<1x128xf32> to vector<1000x128xf32>
    %add3A_28 = arith.addf %mul3A_26, %add3A_27 : vector<1000x128xf32>
    %max3A = arith.constant 0.000000e+00 : f32
    %max3A_29 = vector.broadcast %max3A : f32 to vector<1000x128xf32>
    %max3A_30 = arith.maximumf %add3A_28, %max3A_29 : vector<1000x128xf32>
    %swap3A = arith.constant 0 : index
    %swap3A_31 = arith.constant 0 : index
    %swap3A_32 = vector.load %arg7[%swap3A, %swap3A_31] : memref<1000x128xf32, #tpu.memory_space<vmem>>, vector<1000x128xf32>
    tpu.vector_store %arg7[%swap3A, %swap3A_31], %max3A_30 {strides = array<i32>} : memref<1000x128xf32, #tpu.memory_space<vmem>>, vector<1000x128xf32>,
    %get3A_33 = arith.constant 0 : index
    %get3A_34 = arith.constant 0 : index
    %get3A_35 = vector.load %arg6[%get3A_33, %get3A_34] : memref<1000x1xi32, #tpu.memory_space<vmem>>, vector<1000x1xi32>
    %iota3A = tpu.iota {dimensions = array<i32: 1>} : vector<1000x64xi32>
    %eq3A = vector.broadcast %get3A_35 : vector<1000x1xi32> to vector<1000x64xi32>
    %eq3A_36 = arith.cmpi eq, %eq3A, %iota3A : vector<1000x64xi32>
    %convert_element_type3A = arith.extui %eq3A_36 : vector<1000x64xi1> to vector<1000x64xi32>
    %convert_element_type3A_37 = arith.sitofp %convert_element_type3A : vector<1000x64xi32> to vector<1000x64xf32>
    %dot_general3A = arith.constant dense<0.000000e+00> : vector<64x128xf32>
    %dot_general3A_38 = tpu.matmul %convert_element_type3A_37, %max3A_30, %dot_general3A {dimension_numbers = #tpu.dot_dimension_numbers<[0], [0], [1], [1], [0, 1, 1, 1], [], []>, transpose_lhs_hint = false} : vector<1000x64xf32>, vector<1000x128xf32>, vector<64x128xf32> -> vector<64x128xf32>
    %broadcast_in_dim3A = arith.constant 1.000000e+00 : f32
    %broadcast_in_dim3A_39 = vector.broadcast %broadcast_in_dim3A : f32 to vector<1000x128xf32>
    %dot_general3A_40 = arith.constant dense<0.000000e+00> : vector<64x128xf32>
    %dot_general3A_41 = tpu.matmul %convert_element_type3A_37, %broadcast_in_dim3A_39, %dot_general3A_40 {dimension_numbers = #tpu.dot_dimension_numbers<[0], [0], [1], [1], [0, 1, 1, 1], [], []>, transpose_lhs_hint = false} : vector<1000x64xf32>, vector<1000x128xf32>, vector<64x128xf32> -> vector<64x128xf32>
    %eq3A_42 = arith.constant 0 : i32
    %eq3A_43 = arith.cmpi eq, %arg0, %eq3A_42 : i32
    %convert_element_type3A_44 = arith.extui %eq3A_43 : i1 to i32
    %cond3A = arith.constant 0 : i32
    %cond3A_45 = arith.cmpi ne, %convert_element_type3A_44, %cond3A : i32
    scf.if %cond3A_45 {
      %broadcast_in_dim3A_65 = arith.constant 0.000000e+00 : f32
      %broadcast_in_dim3A_66 = vector.broadcast %broadcast_in_dim3A_65 : f32 to vector<64x128xf32>
      %swap3A_67 = arith.constant 0 : index
      %swap3A_68 = arith.constant 0 : index
      %swap3A_69 = vector.load %arg8[%swap3A_67, %swap3A_68] : memref<64x128xf32, #tpu.memory_space<vmem>>, vector<64x128xf32>
      tpu.vector_store %arg8[%swap3A_67, %swap3A_68], %broadcast_in_dim3A_66 {strides = array<i32>} : memref<64x128xf32, #tpu.memory_space<vmem>>, vector<64x128xf32>,
      %broadcast_in_dim3A_70 = arith.constant 0.000000e+00 : f32
      %broadcast_in_dim3A_71 = vector.broadcast %broadcast_in_dim3A_70 : f32 to vector<64x128xf32>
      %swap3A_72 = arith.constant 0 : index
      %swap3A_73 = arith.constant 0 : index
      %swap3A_74 = vector.load %arg9[%swap3A_72, %swap3A_73] : memref<64x128xf32, #tpu.memory_space<vmem>>, vector<64x128xf32>
      tpu.vector_store %arg9[%swap3A_72, %swap3A_73], %broadcast_in_dim3A_71 {strides = array<i32>} : memref<64x128xf32, #tpu.memory_space<vmem>>, vector<64x128xf32>,
    } else {
    }
    %get3A_46 = arith.constant 0 : index
    %get3A_47 = arith.constant 0 : index
    %get3A_48 = vector.load %arg8[%get3A_46, %get3A_47] : memref<64x128xf32, #tpu.memory_space<vmem>>, vector<64x128xf32>
    %add3A_49 = arith.addf %get3A_48, %dot_general3A_38 : vector<64x128xf32>
    %swap3A_50 = arith.constant 0 : index
    %swap3A_51 = arith.constant 0 : index
    %swap3A_52 = vector.load %arg8[%swap3A_50, %swap3A_51] : memref<64x128xf32, #tpu.memory_space<vmem>>, vector<64x128xf32>
    tpu.vector_store %arg8[%swap3A_50, %swap3A_51], %add3A_49 {strides = array<i32>} : memref<64x128xf32, #tpu.memory_space<vmem>>, vector<64x128xf32>,
    %get3A_53 = arith.constant 0 : index
    %get3A_54 = arith.constant 0 : index
    %get3A_55 = vector.load %arg9[%get3A_53, %get3A_54] : memref<64x128xf32, #tpu.memory_space<vmem>>, vector<64x128xf32>
    %add3A_56 = arith.addf %get3A_55, %dot_general3A_41 : vector<64x128xf32>
    %swap3A_57 = arith.constant 0 : index
    %swap3A_58 = arith.constant 0 : index
    %swap3A_59 = vector.load %arg9[%swap3A_57, %swap3A_58] : memref<64x128xf32, #tpu.memory_space<vmem>>, vector<64x128xf32>
    tpu.vector_store %arg9[%swap3A_57, %swap3A_58], %add3A_56 {strides = array<i32>} : memref<64x128xf32, #tpu.memory_space<vmem>>, vector<64x128xf32>,
    %eq3A_60 = arith.constant 9 : i32
    %eq3A_61 = arith.cmpi eq, %arg0, %eq3A_60 : i32
    %convert_element_type3A_62 = arith.extui %eq3A_61 : i1 to i32
    %cond3A_63 = arith.constant 0 : i32
    %cond3A_64 = arith.cmpi ne, %convert_element_type3A_62, %cond3A_63 : i32
    scf.if %cond3A_64 {
      %get3A_65 = arith.constant 0 : index
      %get3A_66 = arith.constant 0 : index
      %get3A_67 = vector.load %arg8[%get3A_65, %get3A_66] : memref<64x128xf32, #tpu.memory_space<vmem>>, vector<64x128xf32>
      %get3A_68 = arith.constant 0 : index
      %get3A_69 = arith.constant 0 : index
      %get3A_70 = vector.load %arg9[%get3A_68, %get3A_69] : memref<64x128xf32, #tpu.memory_space<vmem>>, vector<64x128xf32>
      %max3A_71 = arith.constant 1.000000e+00 : f32
      %max3A_72 = vector.broadcast %max3A_71 : f32 to vector<64x128xf32>
      %max3A_73 = arith.maximumf %get3A_70, %max3A_72 : vector<64x128xf32>
      %div3A = arith.divf %get3A_67, %max3A_73 : vector<64x128xf32>
      %swap3A_74 = arith.constant 0 : index
      %swap3A_75 = arith.constant 0 : index
      %swap3A_76 = vector.load %arg8[%swap3A_74, %swap3A_75] : memref<64x128xf32, #tpu.memory_space<vmem>>, vector<64x128xf32>
      tpu.vector_store %arg8[%swap3A_74, %swap3A_75], %div3A {strides = array<i32>} : memref<64x128xf32, #tpu.memory_space<vmem>>, vector<64x128xf32>,
    } else {
    }
    return
  }
  func.func @transform_0(%arg0: i32) -> (i32, i32) {
    %c0_i32 = arith.constant 0 : i32
    %c0_i32_0 = arith.constant 0 : i32
    return %arg0, %c0_i32 : i32, i32
  }
  func.func @transform_1(%arg0: i32) -> (i32, i32) {
    %c0_i32 = arith.constant 0 : i32
    %c0_i32_0 = arith.constant 0 : i32
    %c0_i32_1 = arith.constant 0 : i32
    return %c0_i32, %c0_i32_0 : i32, i32
  }
  func.func @transform_2(%arg0: i32) -> (i32, i32) {
    %c0_i32 = arith.constant 0 : i32
    %c0_i32_0 = arith.constant 0 : i32
    %c0_i32_1 = arith.constant 0 : i32
    return %c0_i32, %c0_i32_0 : i32, i32
  }
  func.func @transform_3(%arg0: i32) -> (i32, i32) {
    %c0_i32 = arith.constant 0 : i32
    %c0_i32_0 = arith.constant 0 : i32
    %c0_i32_1 = arith.constant 0 : i32
    return %c0_i32, %c0_i32_0 : i32, i32
  }
  func.func @transform_4(%arg0: i32) -> (i32, i32) {
    %c0_i32 = arith.constant 0 : i32
    %c0_i32_0 = arith.constant 0 : i32
    %c0_i32_1 = arith.constant 0 : i32
    return %c0_i32, %c0_i32_0 : i32, i32
  }
  func.func @transform_5(%arg0: i32) -> (i32, i32) {
    %c0_i32 = arith.constant 0 : i32
    %c0_i32_0 = arith.constant 0 : i32
    return %arg0, %c0_i32 : i32, i32
  }
  func.func @transform_6(%arg0: i32) -> (i32, i32) {
    %c0_i32 = arith.constant 0 : i32
    %c0_i32_0 = arith.constant 0 : i32
    return %arg0, %c0_i32 : i32, i32
  }
  func.func @transform_7(%arg0: i32) -> (i32, i32) {
    %c0_i32 = arith.constant 0 : i32
    %c0_i32_0 = arith.constant 0 : i32
    %c0_i32_1 = arith.constant 0 : i32
    return %c0_i32, %c0_i32_0 : i32, i32
  }
}

</mosaic_0001>

<sc_bundles>
// kernel: kernel.11.cloned.1.call-start
scs
__scs_entry_jumppad:
0x0: {  	(pc) =	sbr.rel $0x88, $3  }
0x1: {  	(tag) =	ssettag $0x0;
	lr =	simm.s32 $0x1  }
0x2: {  	[smem:$0x3F8C] =	sst lr;
	_ =	strace $0xD0000000  }
0x3: {  	_ = 	snop  }
0x4: {  	_ = 	snop  }
0x5: {  	_ = 	snop  }
0x6: {  	_ = 	snop  }
0x7: {  	_ = 	snop  }
__scs_overlays_trampoline_lowered:
0x8: {  	[smem:$0x3F9B] =	sst s0  }
0x9: {  	[smem:$0x3F9C] =	sst s1  }
0xa: {  	[smem:$0x3F9D] =	sst s2  }
0xb: {  	[smem:$0x3F9E] =	sst s3  }
0xc: {  	[smem:$0x3F9F] =	sst s4  }
0xd: {  	[smem:$0x3FA0] =	sst s5  }
0xe: {  	[smem:$0x3FA1] =	sst s6  }
0xf: {  	[smem:$0x3FA2] =	sst s7  }
0x10: {  	[smem:$0x3FA3] =	sst s8  }
0x11: {  	[smem:$0x3FA4] =	sst s9;
	s0 =	simm.s32 @!p0 $0x0  }
0x12: {  	s1 =	sld [smem:$0x3F8A];
	s0 =	simm.s32 @p0 $0x1  }
0x13: {  	[smem:$0x3FA5] =	sst s0;
	s0 =	simm.s32 @!p1 $0x0  }
0x14: {  	s2 =	sld [smem:$0x3F89];
	s0 =	simm.s32 @p1 $0x1  }
0x15: {  	[smem:$0x3FA6] =	sst s0;
	s0 =	simm.s32 @!p2 $0x0  }
0x16: {  	s3 =	sld [smem:$0x3FDB];
	s0 =	simm.s32 @p2 $0x1  }
0x17: {  	s4 =	simm.s32 $0x1BF5;
	[smem:$0x3FA8] =	sst s0  }
0x18: {  	s0 =	sld [smem:$0x3F8B];
	_ =	swait.ge [sflag:s4], $0x0  }
0x19: {  	s7 =	sld [smem:$0x3F8C]  }
0x1a: {  	s8 =	sadd.s32 $0xFFFFE003, lr  }
0x1b: {  	s9 =	sadd.s32 $0xFFFFFEF7, lr;
	s5 =	simm.s32 $0xFFFFFFFF;
	p2 =	slt.u32 s8, $0xFFFFF086  }
0x1c: {  	p1 =	slt.u32 s9, $0xF7A;
	s5 =	simm.s32 @!p2 $0x0  }
0x1d: {  	s5 =	simm.s32 @p1 $0x1;
	p0 =	seq.s32 s7, s2  }
0x1e: {  	s7 =	smul.u32 @!p0 $0xF7A, s2;
	p2 =	seq.s32 @!p0 s5, $0x0  }
0x1f: {  	s9 =	smul.u32 $0xF7A, s1;
	s8 =	simm.s32 @!p0 $0x1BF5;
	p2 =	por !p2, p0  }
0x20: {  	[sflag:s8] =	ssyncset.s32 @!p0 $0xFFFFF086;
	s6 =	sadd.s32 @!p0 s3, s7;
	s7 =	simm.s32 @!p0 $0x108  }
0x21: {  	s3 =	sadd.s32 s3, s9;
	s6 =	sadd.s32 @!p0 $0x88, s6;
	s7 =	simm.s32 @p2 $0x1082  }
0x22: {  	[simem:s7], [sflag:s8] =	dma.local @!p0 [hbm:s6], $0xF7A  }
0x23: {  	s9 =	sor.u32 $0xD0000000, s2;
	s6 =	simm.s32 $0x108;
	_ =	swait.ge @!p0 [sflag:s8], $0x0  }
0x24: {  	s3 =	sadd.s32 $0x88, s3;
	s6 =	simm.s32 @!p1 $0x1082;
	[sflag:s4] =	ssyncset.s32 $0xFFFFF086  }
0x25: {  	[simem:s6], [sflag:s4] =	dma.local [hbm:s3], $0xF7A  }
0x26: {  	[smem:$0x3F8C] =	sst s1;
	(tag) =	ssettag s2;
	_ =	strace s9  }
0x27: {  	s1 =	sld [smem:$0x3F9C]  }
0x28: {  	s2 =	sld [smem:$0x3F9D]  }
0x29: {  	s4 =	sld [smem:$0x3F9F]  }
0x2a: {  	p0 =	seq.s32 s5, $0x0;
	s5 =	sld [smem:$0x3FA0]  }
0x2b: {  	s6 =	sld [smem:$0x3FA1]  }
0x2c: {  	s7 =	sld [smem:$0x3FA2]  }
0x2d: {  	s3 =	simm.s32 $0x108;
	s8 =	sld [smem:$0x3FA3]  }
0x2e: {  	s3 =	simm.s32 @!p0 $0x1082;
	s9 =	sld [smem:$0x3FA4]  }
0x2f: {  	lr =	sadd.s32 s0, s3;
	s0 =	sld [smem:$0x3F9B]  }
0x30: {  	s3 =	sld [smem:$0x3F9E]  }
0x31: {  	[smem:$0x3FA7] =	sst s10  }
0x32: {  	s10 =	sld [smem:$0x3FA5];
	_ =	sdelay $0x3  }
0x33: {  	p0 =	seq.s32 s10, $0x1;
	s10 =	sld [smem:$0x3FA7];
	_ =	sdelay $0x3  }
0x34: {  	[smem:$0x3FA7] =	sst s10  }
0x35: {  	s10 =	sld [smem:$0x3FA6];
	_ =	sdelay $0x3  }
0x36: {  	p1 =	seq.s32 s10, $0x1;
	s10 =	sld [smem:$0x3FA7];
	_ =	sdelay $0x3  }
0x37: {  	[smem:$0x3FA7] =	sst s10  }
0x38: {  	s10 =	sld [smem:$0x3FA8]  }
0x39: {  	_ = 	snop;
	(pc) =	sbr.ind lr, $3  }
0x3a: {  	_ = 	snop  }
0x3b: {  	_ = 	snop  }
0x3c: {  	p2 =	seq.s32 s10, $0x1;
	s10 =	sld [smem:$0x3FA7]  }
0x3d: {  	_ =	shalt  }
0x3e: {  	_ =	shalt  }
0x3f: {  	_ =	shalt  }
0x40: {  	_ =	shalt  }
0x41: {  	_ =	shalt  }
0x42: {  	_ =	shalt  }
0x43: {  	_ =	shalt  }
0x44: {  	_ =	shalt  }
0x45: {  	_ =	shalt  }
0x46: {  	_ =	shalt  }
0x47: {  	_ =	shalt  }
0x48: {  	_ =	shalt  }
0x49: {  	_ =	shalt  }
0x4a: {  	_ =	shalt  }
0x4b: {  	_ =	shalt  }
0x4c: {  	_ =	shalt  }
0x4d: {  	_ =	shalt  }
0x4e: {  	_ =	shalt  }
0x4f: {  	_ =	shalt  }
0x50: {  	_ =	shalt  }
0x51: {  	_ =	shalt  }
0x52: {  	_ =	shalt  }
0x53: {  	_ =	shalt  }
0x54: {  	_ =	shalt  }
0x55: {  	_ =	shalt  }
0x56: {  	_ =	shalt  }
0x57: {  	_ =	shalt  }
0x58: {  	_ =	shalt  }
0x59: {  	_ =	shalt  }
0x5a: {  	_ =	shalt  }
0x5b: {  	_ =	shalt  }
0x5c: {  	_ =	shalt  }
0x5d: {  	_ =	shalt  }
0x5e: {  	_ =	shalt  }
0x5f: {  	_ =	shalt  }
0x60: {  	_ =	shalt  }
0x61: {  	_ =	shalt  }
0x62: {  	_ =	shalt  }
0x63: {  	_ =	shalt  }
0x64: {  	_ =	shalt  }
0x65: {  	_ =	shalt  }
0x66: {  	_ =	shalt  }
0x67: {  	_ =	shalt  }
0x68: {  	_ =	shalt  }
0x69: {  	_ =	shalt  }
0x6a: {  	_ =	shalt  }
0x6b: {  	_ =	shalt  }
0x6c: {  	_ =	shalt  }
0x6d: {  	_ =	shalt  }
0x6e: {  	_ =	shalt  }
0x6f: {  	_ =	shalt  }
0x70: {  	_ =	shalt  }
0x71: {  	_ =	shalt  }
0x72: {  	_ =	shalt  }
0x73: {  	_ =	shalt  }
0x74: {  	_ =	shalt  }
0x75: {  	_ =	shalt  }
0x76: {  	_ =	shalt  }
0x77: {  	_ =	shalt  }
0x78: {  	_ =	shalt  }
0x79: {  	_ =	shalt  }
0x7a: {  	_ =	shalt  }
0x7b: {  	_ =	shalt  }
0x7c: {  	_ =	shalt  }
0x7d: {  	_ =	shalt  }
0x7e: {  	_ =	shalt  }
0x7f: {  	_ =	shalt  }
0x80: {  	_ =	shalt  }
0x81: {  	_ =	shalt  }
0x82: {  	_ =	shalt  }
0x83: {  	_ =	shalt  }
0x84: {  	_ =	shalt  }
0x85: {  	_ =	shalt  }
0x86: {  	_ =	shalt  }
0x87: {  	_ =	shalt  }
.Lfunc_end0:
.L_simem_size_0:
called_computation_lowered:
.L_overlay_start_0:
0x88: {  	s2 =	sld [smem:$0x3FD9]  }
0x89: {  	s3 =	sld [smem:$0x3FFE];
	_ =	sdelay $0x1  }
0x8a: {  	s1 =	srdreg.scid  }
0x8b: {  	s0 =	sand.u32 $0x1, s1  }
0x8c: {  	s17 =	sshll.u32 s0, $0xA;
	s2 =	sadd.s32 s3, s2  }
0x8d: {  	s2 =	sadd.s32 s2, s17  }
0x8e: {  	[smem:$0x3FB3] =	sst s2  }
0x8f: {  	_ = 	snop  }
0x90: {  	s2 =	sld [smem:$0x3FC9];
	(tm) =	ssettm $0x1  }
0x91: {  	s18 =	sld [smem:$0x3FFB];
	_ =	sdelay $0x3  }
0x92: {  	_ =	strace s18  }
0x93: {  	s3 =	sld [smem:$0x3FFC];
	_ =	sdelay $0x3  }
0x94: {  	_ =	strace s3  }
0x95: {  	s3 =	sld [smem:$0x3FFD];
	_ =	sdelay $0x3  }
0x96: {  	_ =	strace s3  }
0x97: {  	_ =	strace $0x8FFFFFFF  }
0x98: {  	s19 =	sld [smem:$0x3FDB];
	_ =	sdelay $0x1  }
0x99: {  	s4 =	simm.s32 $_scs_section_size  }
0x9a: {  	s5 =	simm.s32 $_size__tile_overlayer_lowered;
	s6 =	simm.s32 $_tile_overlayer_lowered  }
0x9b: {  	s22 =	simm.s32 $0x1BFF;
	s21 =	sshll.u32 s6, $0x1;
	s3 =	sadd.s32 s4, s19  }
0x9c: {  	s7 =	simm.s32 $0x0;
	s20 =	sshll.u32 s5, $0x1;
	s5 =	sadd.s32 s21, s3  }
0x9d: {  	[timem:s7], [sflag:s22] =	dma.local [hbm:s5], s20  }
0x9e: {  	_ =	swait.ge [sflag:s22], s20  }
0x9f: {  	s4 =	ssub.s32 $0x0, s20;
	[sflag:s22] =	ssyncset.done $0x0  }
0xa0: {  	[sflag:s22] =	ssyncadd.s32 s4;
	_ =	sdelay $0x1  }
0xa1: {  	s23 =	simm.s32 $0x1B8B  }
0xa2: {  	_ =	swait.ge [sflag:s23], $0x1  }
0xa3: {  	[sflag:s23] =	ssyncset.done $0x0  }
0xa4: {  	s25 =	simm.s32 $0x1B8E;
	s24 =	sld [smem:$0x3FFE];
	[sflag:s23] =	ssyncadd.s32 $0xFFFFFFFF  }
0xa5: {  	s26 =	simm.s32 $execute0_lowered;
	[smem:$0x3FD2] =	sst s25  }
0xa6: {  	s5 =	sshll.u32 s26, $0x1;
	_ =	strace $0x80000046;
	[dreg:$0x1] =	wrdreg $0xFFFFFFFF  }
0xa7: {  	s28 =	simm.s32 $_size_execute0_lowered;
	s3 =	sadd.s32 s3, s5;
	[dreg:$0x0] =	wrdreg $0x0  }
0xa8: {  	s5 =	sshll.u32 s28, $0x1;
	[dreg:$0x2] =	wrdreg s3  }
0xa9: {  	[dreg:$0x3] =	wrdreg s5  }
0xaa: {  	[dreg:$0x4] =	wrdreg $0xC0  }
0xab: {  	_ =	task [dreg:s7], $0x5FFFF  }
0xac: {  	[dreg:$0x1] =	wrdreg $0xFFFFFFFF  }
0xad: {  	[dreg:$0x0] =	wrdreg $0x60  }
0xae: {  	[dreg:$0x2] =	wrdreg s24  }
0xaf: {  	[dreg:$0x3] =	wrdreg s2  }
0xb0: {  	[dreg:$0x4] =	wrdreg $0x0  }
0xb1: {  	[dreg:$0x5] =	wrdreg $0x9  }
0xb2: {  	_ =	task.clear_ibuf [dreg:s7], $0x6FFFF;
	_ =	strace $0x90000046  }
0xb3: {  	s29 =	simm.s32 $0x9;
	_ =	strace $0x80000048  }
0xb4: {  	_ =	swait.ge [sflag:s29], $0x1  }
0xb5: {  	[sflag:s29] =	ssyncadd.s32 $0xFFFFFFFF  }
0xb6: {  	_ =	strace $0x90000048  }
0xb7: {  	_ =	sfence  }
0xb8: {  	s30 =	sld [smem:$0x0];
	_ =	sdelay $0x2  }
0xb9: {  	s31 =	sshll.u32 s1, $0xD;
	s1 =	sshrl.u32 s1, $0x2  }
0xba: {  	s3 =	sand.u32 $0x4000, s31;
	s1 =	sadd.s32 s1, s30  }
0xbb: {  	s0 =	sor.u32 s3, s0;
	s1 =	sshll.u32 s1, $0x11  }
0xbc: {  	s0 =	sor.u32 s1, s0  }
0xbd: {  	s0 =	sadd.s32 $0x8F2B, s0  }
0xbe: {  	[sflag:s0] =	ssyncadd.remote.s32 $0x1  }
0xbf: {  	_ =	sfence.sel $0xFFFF  }
0xc0: {  	[dreg:$0x0] =	wrdreg $0xFFFFFFFF;
	(pc) =	sbr.abs _section_cstart, $3  }
0xc1: {  	[dreg:$0x1] =	wrdreg $0xFFFFFFFF  }
0xc2: {  	_ =	task.clear_ibuf [dreg:s7], $0x2FFFF;
	_ =	strace $0x9FFFFFFF  }
0xc3: {  	(tm) =	ssettm $0x7FFFFFFF  }
tec
execute0_lowered:
.L_overlay_start_1:
0x0: {  	(tag) =	ssettag $0x1  }
0x1: {  	s6 =	rddreg [dreg:$0x0]  }
0x2: {  	s2 =	rddreg [dreg:$0x1]  }
0x3: {  	s1 =	srdreg.scid;
	s0 =	stileid.u32  }
0x4: {  	s3 =	rddreg [dreg:$0x2];
	s4 =	simm.s32 $0x0;
	s23 =	simm.s32 $0x1  }
0x5: {  	s24 =	simm.s32 $0x0;
	s13 =	sand.u32 $0x1, s1;
	s1 =	rddreg [dreg:$0x3]  }
0x6: {  	s5 =	sshll.u32 s0, $0x1;
	[smem:$0x7FF] =	sst s4;
	s8 =	smul.u32 $0x280, s0  }
0x7: {  	s14 =	sadd.s32 $0x1FA00, s6;
	s9 =	smul.u32 $0x50000, s0;
	s19 =	sadd.s32 $0x47A00, s6  }
0x8: {  	s21 =	smul.u32 $0x2800, s0;
	s5 =	sor.u32 s13, s5;
	_ =	strace $0x80000047  }
0x9: {  	s7 =	ssub.s32 $0x2, s13;
	p0 =	seq.s32 s13, $0x0;
	s13 =	simm.s32 $0x61  }
0xa: {  	s5 =	smul.u32 $0x680, s5;
	s26 =	sshrl.u32 s7, $0x1;
	s15 =	sadd.s32 $0x80, s8  }
0xb: {  	s28 =	sshrl.u32 s9, $0x2;
	s17 =	sadd.s32 $0x100, s8;
	s18 =	sadd.s32 $0x180, s8  }
0xc: {  	s20 =	sadd.s32 $0x200, s8;
	s13 =	simm.s32 @!p0 $0x3C;
	s19 =	smov.u32 @p0 s14  }
0xd: {  	s16 =	ssub.s32 s7, s26;
	s29 =	sshll.u32 s15, $0x7;
	s30 =	sshll.u32 s17, $0x7  }
0xe: {  	s31 =	sshll.u32 s18, $0x7;
	s10 =	sshll.u32 s20, $0x7;
	s22 =	sshll.u32 s15, $0x4  }
0xf: {  	s17 =	sshll.u32 s17, $0x4;
	s18 =	sshll.u32 s18, $0x4;
	s20 =	sshll.u32 s20, $0x4  }
0x10: {  	s15 =	sadd.s32 s19, s21;
	s21 =	simm.s32 $0x2;
	s12 =	sadd.s32 s5, s6  }
0x11: {  	s5 =	sadd.s32 $0x1F200, s6;
	s6 =	sadd.s32 s28, s3;
	s7 =	sadd.s32 s29, s3  }
0x12: {  	s8 =	sadd.s32 s30, s3;
	s9 =	sadd.s32 s31, s3;
	s10 =	sadd.s32 s10, s3  }
0x13: {  	s14 =	smax.u32 s16, $0x1;
	s16 =	sadd.s32 s19, s22;
	s17 =	sadd.s32 s19, s17  }
0x14: {  	s18 =	sadd.s32 s19, s18;
	s19 =	sadd.s32 s19, s20;
	s20 =	simm.s32 $0x1A800  }
0x15: {  	s22 =	simm.s32 $0x80;
	s11 =	sadd.s32 $0x5200, s12;
	s12 =	sadd.s32 $0x12200, s12  }
.LBB2_1:
0x16: {  	[tilespmem:s20], [sflag:$0x2] =	stream.linear.gather [hbm4b:s5+s4], $0x4000, $0x38;
	[tilespmem:$0x1E800] =	vst v63  }
0x17: {  	_ =	swait.ge [sflag:s21], $0x4000  }
0x18: {  	[sflag:s21] =	ssyncset.done $0x0  }
0x19: {  	[sflag:s21] =	ssyncadd.s32 $0xFFFFC000  }
0x1a: {  	[spmem:s6] =	stream.linear.scatter [tilespmem:s20], [sflag:$0x2], $0x4000, $0x38;
	[tilespmem:$0x1E800] =	vst v63  }
0x1b: {  	_ =	swait.ge [sflag:s21], $0x4000  }
0x1c: {  	[sflag:s21] =	ssyncset.done $0x0  }
0x1d: {  	[sflag:s21] =	ssyncadd.s32 $0xFFFFC000  }
0x1e: {  	[spmem:s7] =	stream.linear.scatter [tilespmem:s20], [sflag:$0x2], $0x4000, $0x38;
	[tilespmem:$0x1E800] =	vst v63  }
0x1f: {  	_ =	swait.ge [sflag:s21], $0x4000  }
0x20: {  	[sflag:s21] =	ssyncset.done $0x0  }
0x21: {  	[sflag:s21] =	ssyncadd.s32 $0xFFFFC000  }
0x22: {  	[spmem:s8] =	stream.linear.scatter [tilespmem:s20], [sflag:$0x2], $0x4000, $0x38;
	[tilespmem:$0x1E800] =	vst v63  }
0x23: {  	_ =	swait.ge [sflag:s21], $0x4000  }
0x24: {  	[sflag:s21] =	ssyncset.done $0x0  }
0x25: {  	[sflag:s21] =	ssyncadd.s32 $0xFFFFC000  }
0x26: {  	[spmem:s9] =	stream.linear.scatter [tilespmem:s20], [sflag:$0x2], $0x4000, $0x38;
	[tilespmem:$0x1E800] =	vst v63  }
0x27: {  	_ =	swait.ge [sflag:s21], $0x4000  }
0x28: {  	[sflag:s21] =	ssyncset.done $0x0  }
0x29: {  	[sflag:s21] =	ssyncadd.s32 $0xFFFFC000  }
0x2a: {  	[spmem:s10] =	stream.linear.scatter [tilespmem:s20], [sflag:$0x2], $0x4000, $0x38;
	[tilespmem:$0x1E800] =	vst v63  }
0x2b: {  	_ =	swait.ge [sflag:s21], $0x4000  }
0x2c: {  	[sflag:s21] =	ssyncset.done $0x0  }
0x2d: {  	s25 =	simm.s32 $0x14000;
	[sflag:s21] =	ssyncadd.s32 $0xFFFFC000  }
0x2e: {  	[tilespmem:s25], [sflag:$0x2] =	stream.linear.gather [hbm4b:s11+s4], $0x3080, $0x38;
	[tilespmem:$0x1E800] =	vst v63  }
0x2f: {  	_ =	swait.ge [sflag:s21], $0x3080  }
0x30: {  	[sflag:s21] =	ssyncset.done $0x0  }
0x31: {  	s26 =	simm.s32 $0x17400;
	[sflag:s21] =	ssyncadd.s32 $0xFFFFCF80  }
0x32: {  	[tilespmem:s26], [sflag:$0x2] =	stream.linear.gather [hbm4b:s12+s4], $0x3080, $0x38;
	[tilespmem:$0x1E800] =	vst v63  }
0x33: {  	_ =	swait.ge [sflag:s21], $0x3080  }
0x34: {  	[sflag:s21] =	ssyncset.done $0x0  }
0x35: {  	[sflag:s21] =	ssyncadd.s32 $0xFFFFCF80  }
0x36: {  	[bflag:$0x0] =	sbarrier.arrive $0xFFFF  }
0x37: {  	[tilespmem:s20], [sflag:$0x1] =	stream.indirect.gather [hbm4b:s2+s22], $0x80, s25, s22, $0xb8;
	[tilespmem:$0x1E800] =	vst v63  }
0x38: {  	p0 =	sne.s32 s13, $0x1;
	_ =	swait.ge [sflag:s23], $0x4000  }
.Ltmp0:
0x39: {  	[sflag:s23] =	ssyncset.done $0x0;
	(pc) =	sbr.rel @!p0 .LBB2_3-.Ltmp0, $4  }
0x3a: {  	[sflag:s23] =	ssyncadd.s32 $0xFFFFC000  }
0x3b: {  	[spmem:s3] =	stream.indirect.scatter.add.f32 [tilespmem:s20], [sflag:$0x2], $0x80, s26, s22, $0xb8;
	[tilespmem:$0x1E800] =	vst v63  }
0x3c: {  	_ =	swait.ge [sflag:s21], $0x4000  }
0x3d: {  	s28 =	sadd.s32 $0xFFFFFFFF, s13;
	[sflag:s21] =	ssyncset.done $0x0  }
.LBB2_2:
0x3e: {  	[sflag:s21] =	ssyncadd.s32 $0xFFFFC000;
	s25 =	sadd.s32 $0x80, s25;
	s26 =	sadd.s32 $0x80, s26  }
0x3f: {  	[tilespmem:s20], [sflag:$0x1] =	stream.indirect.gather [hbm4b:s2+s22], $0x80, s25, s22, $0xb8;
	[tilespmem:$0x1E800] =	vst v63  }
0x40: {  	p0 =	sne.s32 s28, $0x1;
	s28 =	sadd.s32 $0xFFFFFFFF, s28;
	_ =	swait.ge [sflag:s23], $0x4000  }
.Ltmp1:
0x41: {  	[sflag:s23] =	ssyncset.done $0x0;
	(pc) =	sbr.rel @p0 .LBB2_2-.Ltmp1, $4  }
0x42: {  	[sflag:s23] =	ssyncadd.s32 $0xFFFFC000  }
0x43: {  	[spmem:s3] =	stream.indirect.scatter.add.f32 [tilespmem:s20], [sflag:$0x2], $0x80, s26, s22, $0xb8;
	[tilespmem:$0x1E800] =	vst v63  }
0x44: {  	_ =	swait.ge [sflag:s21], $0x4000  }
0x45: {  	[sflag:s21] =	ssyncset.done $0x0  }
.LBB2_3:
0x46: {  	[sflag:s21] =	ssyncadd.s32 $0xFFFFC000  }
0x47: {  	[bflag:$0x0] =	sbarrier.arrive $0xFFFF  }
0x48: {  	[tilespmem:s20], [sflag:$0x2] =	stream.linear.gather [spmem:s6], $0x4000, $0x38;
	[tilespmem:$0x1E800] =	vst v63  }
0x49: {  	_ =	swait.ge [sflag:s21], $0x4000  }
0x4a: {  	[sflag:s21] =	ssyncset.done $0x0  }
0x4b: {  	[sflag:s21] =	ssyncadd.s32 $0xFFFFC000  }
0x4c: {  	[hbm4b:s15+s4] =	stream.linear.scatter [tilespmem:s20], [sflag:$0x2], $0x4000, $0x38;
	[tilespmem:$0x1E800] =	vst v63  }
0x4d: {  	_ =	swait.ge [sflag:s21], $0x4000  }
0x4e: {  	[sflag:s21] =	ssyncset.done $0x0  }
0x4f: {  	[sflag:s21] =	ssyncadd.s32 $0xFFFFC000  }
0x50: {  	[tilespmem:s20], [sflag:$0x2] =	stream.linear.gather [spmem:s7], $0x4000, $0x38;
	[tilespmem:$0x1E800] =	vst v63  }
0x51: {  	_ =	swait.ge [sflag:s21], $0x4000  }
0x52: {  	[sflag:s21] =	ssyncset.done $0x0  }
0x53: {  	[sflag:s21] =	ssyncadd.s32 $0xFFFFC000  }
0x54: {  	[hbm4b:s16+s4] =	stream.linear.scatter [tilespmem:s20], [sflag:$0x2], $0x4000, $0x38;
	[tilespmem:$0x1E800] =	vst v63  }
0x55: {  	_ =	swait.ge [sflag:s21], $0x4000  }
0x56: {  	[sflag:s21] =	ssyncset.done $0x0  }
0x57: {  	[sflag:s21] =	ssyncadd.s32 $0xFFFFC000  }
0x58: {  	[tilespmem:s20], [sflag:$0x2] =	stream.linear.gather [spmem:s8], $0x4000, $0x38;
	[tilespmem:$0x1E800] =	vst v63  }
0x59: {  	_ =	swait.ge [sflag:s21], $0x4000  }
0x5a: {  	[sflag:s21] =	ssyncset.done $0x0  }
0x5b: {  	[sflag:s21] =	ssyncadd.s32 $0xFFFFC000  }
0x5c: {  	[hbm4b:s17+s4] =	stream.linear.scatter [tilespmem:s20], [sflag:$0x2], $0x4000, $0x38;
	[tilespmem:$0x1E800] =	vst v63  }
0x5d: {  	_ =	swait.ge [sflag:s21], $0x4000  }
0x5e: {  	[sflag:s21] =	ssyncset.done $0x0  }
0x5f: {  	[sflag:s21] =	ssyncadd.s32 $0xFFFFC000  }
0x60: {  	[tilespmem:s20], [sflag:$0x2] =	stream.linear.gather [spmem:s9], $0x4000, $0x38;
	[tilespmem:$0x1E800] =	vst v63  }
0x61: {  	_ =	swait.ge [sflag:s21], $0x4000  }
0x62: {  	[sflag:s21] =	ssyncset.done $0x0  }
0x63: {  	[sflag:s21] =	ssyncadd.s32 $0xFFFFC000  }
0x64: {  	[hbm4b:s18+s4] =	stream.linear.scatter [tilespmem:s20], [sflag:$0x2], $0x4000, $0x38;
	[tilespmem:$0x1E800] =	vst v63  }
0x65: {  	_ =	swait.ge [sflag:s21], $0x4000  }
0x66: {  	[sflag:s21] =	ssyncset.done $0x0  }
0x67: {  	[sflag:s21] =	ssyncadd.s32 $0xFFFFC000  }
0x68: {  	[tilespmem:s20], [sflag:$0x2] =	stream.linear.gather [spmem:s10], $0x4000, $0x38;
	[tilespmem:$0x1E800] =	vst v63  }
0x69: {  	s24 =	sadd.s32 $0x1, s24;
	_ =	swait.ge [sflag:s21], $0x4000  }
0x6a: {  	p0 =	sne.s32 s24, s14;
	[sflag:s21] =	ssyncset.done $0x0  }
.Ltmp2:
0x6b: {  	[sflag:s21] =	ssyncadd.s32 $0xFFFFC000;
	(pc) =	sbr.rel @p0 .LBB2_1-.Ltmp2, $4  }
0x6c: {  	[hbm4b:s19+s4] =	stream.linear.scatter [tilespmem:s20], [sflag:$0x2], $0x4000, $0x38;
	[tilespmem:$0x1E800] =	vst v63  }
0x6d: {  	_ =	swait.ge [sflag:s21], $0x4000  }
0x6e: {  	[sflag:s21] =	ssyncset.done $0x0  }
0x6f: {  	[sflag:s21] =	ssyncadd.s32 $0xFFFFC000  }
0x70: {  	_ =	sfence.sel $0x180000  }
0x71: {  	[bflag:$0x0] =	sbarrier.arrive $0xFFFF  }
0x72: {  	p0 =	sne.s32 s0, $0x0;
	_ =	strace $0x90000047  }
0x73: {  	s0 =	sadd.s32 @!p0 $0x100000, s1;
	[bflag:$0x2] =	sbarrier.arrive $0xFFFF  }
0x74: {  	[sflag:s0] =	ssyncadd.tile.s32 @!p0 $0x1;
	_ =	shalt  }
.Lfunc_end2:
_tile_overlayer_lowered:
.L_overlay_start_2:
0x75: {  	(tag) =	ssettag $0x2  }
0x76: {  	s0 =	rddreg [dreg:$0x0];
	s2 =	stileid.u32  }
0x77: {  	s1 =	rddreg [dreg:$0x1];
	p0 =	sne.s32 s2, $0x0  }
0x78: {  	s3 =	rddreg [dreg:$0x2];
	[bflag:$0x3] =	sbarrier.arrive $0xFFFF;
	s2 =	simm.s32 @!p0 $0x1C02  }
0x79: {  	[timem:s3], [sflag:s2] =	dma.local @!p0 [hbm:s0], s1  }
0x7a: {  	s0 =	simm.s32 @!p0 $0x2  }
0x7b: {  	_ =	swait.ge @!p0 [sflag:s0], s1  }
0x7c: {  	s1 =	ssub.s32 @!p0 $0x0, s1;
	[sflag:s0] =	ssyncset.done @!p0 $0x0  }
0x7d: {  	[sflag:s0] =	ssyncadd.s32 @!p0 s1  }
0x7e: {  	[bflag:$0x3] =	sbarrier.arrive $0xFFFF  }
0x7f: {  	_ =	shalt  }

// kernel: kernel.14.cloned.1.call-start
scs
__scs_entry_jumppad:
0x0: {  	(pc) =	sbr.rel $0x88, $3  }
0x1: {  	(tag) =	ssettag $0x0;
	lr =	simm.s32 $0x1  }
0x2: {  	[smem:$0x3F8C] =	sst lr;
	_ =	strace $0xD0000000  }
0x3: {  	_ = 	snop  }
0x4: {  	_ = 	snop  }
0x5: {  	_ = 	snop  }
0x6: {  	_ = 	snop  }
0x7: {  	_ = 	snop  }
__scs_overlays_trampoline_lowered:
0x8: {  	[smem:$0x3F9B] =	sst s0  }
0x9: {  	[smem:$0x3F9C] =	sst s1  }
0xa: {  	[smem:$0x3F9D] =	sst s2  }
0xb: {  	[smem:$0x3F9E] =	sst s3  }
0xc: {  	[smem:$0x3F9F] =	sst s4  }
0xd: {  	[smem:$0x3FA0] =	sst s5  }
0xe: {  	[smem:$0x3FA1] =	sst s6  }
0xf: {  	[smem:$0x3FA2] =	sst s7  }
0x10: {  	[smem:$0x3FA3] =	sst s8  }
0x11: {  	[smem:$0x3FA4] =	sst s9;
	s0 =	simm.s32 @!p0 $0x0  }
0x12: {  	s1 =	sld [smem:$0x3F8A];
	s0 =	simm.s32 @p0 $0x1  }
0x13: {  	[smem:$0x3FA5] =	sst s0;
	s0 =	simm.s32 @!p1 $0x0  }
0x14: {  	s2 =	sld [smem:$0x3F89];
	s0 =	simm.s32 @p1 $0x1  }
0x15: {  	[smem:$0x3FA6] =	sst s0;
	s0 =	simm.s32 @!p2 $0x0  }
0x16: {  	s3 =	sld [smem:$0x3FDB];
	s0 =	simm.s32 @p2 $0x1  }
0x17: {  	s4 =	simm.s32 $0x1BF5;
	[smem:$0x3FA8] =	sst s0  }
0x18: {  	s0 =	sld [smem:$0x3F8B];
	_ =	swait.ge [sflag:s4], $0x0  }
0x19: {  	s7 =	sld [smem:$0x3F8C]  }
0x1a: {  	s8 =	sadd.s32 $0xFFFFE003, lr  }
0x1b: {  	s9 =	sadd.s32 $0xFFFFFEF7, lr;
	s5 =	simm.s32 $0xFFFFFFFF;
	p2 =	slt.u32 s8, $0xFFFFF086  }
0x1c: {  	p1 =	slt.u32 s9, $0xF7A;
	s5 =	simm.s32 @!p2 $0x0  }
0x1d: {  	s5 =	simm.s32 @p1 $0x1;
	p0 =	seq.s32 s7, s2  }
0x1e: {  	s7 =	smul.u32 @!p0 $0xF7A, s2;
	p2 =	seq.s32 @!p0 s5, $0x0  }
0x1f: {  	s9 =	smul.u32 $0xF7A, s1;
	s8 =	simm.s32 @!p0 $0x1BF5;
	p2 =	por !p2, p0  }
0x20: {  	[sflag:s8] =	ssyncset.s32 @!p0 $0xFFFFF086;
	s6 =	sadd.s32 @!p0 s3, s7;
	s7 =	simm.s32 @!p0 $0x108  }
0x21: {  	s3 =	sadd.s32 s3, s9;
	s6 =	sadd.s32 @!p0 $0x88, s6;
	s7 =	simm.s32 @p2 $0x1082  }
0x22: {  	[simem:s7], [sflag:s8] =	dma.local @!p0 [hbm:s6], $0xF7A  }
0x23: {  	s9 =	sor.u32 $0xD0000000, s2;
	s6 =	simm.s32 $0x108;
	_ =	swait.ge @!p0 [sflag:s8], $0x0  }
0x24: {  	s3 =	sadd.s32 $0x88, s3;
	s6 =	simm.s32 @!p1 $0x1082;
	[sflag:s4] =	ssyncset.s32 $0xFFFFF086  }
0x25: {  	[simem:s6], [sflag:s4] =	dma.local [hbm:s3], $0xF7A  }
0x26: {  	[smem:$0x3F8C] =	sst s1;
	(tag) =	ssettag s2;
	_ =	strace s9  }
0x27: {  	s1 =	sld [smem:$0x3F9C]  }
0x28: {  	s2 =	sld [smem:$0x3F9D]  }
0x29: {  	s4 =	sld [smem:$0x3F9F]  }
0x2a: {  	p0 =	seq.s32 s5, $0x0;
	s5 =	sld [smem:$0x3FA0]  }
0x2b: {  	s6 =	sld [smem:$0x3FA1]  }
0x2c: {  	s7 =	sld [smem:$0x3FA2]  }
0x2d: {  	s3 =	simm.s32 $0x108;
	s8 =	sld [smem:$0x3FA3]  }
0x2e: {  	s3 =	simm.s32 @!p0 $0x1082;
	s9 =	sld [smem:$0x3FA4]  }
0x2f: {  	lr =	sadd.s32 s0, s3;
	s0 =	sld [smem:$0x3F9B]  }
0x30: {  	s3 =	sld [smem:$0x3F9E]  }
0x31: {  	[smem:$0x3FA7] =	sst s10  }
0x32: {  	s10 =	sld [smem:$0x3FA5];
	_ =	sdelay $0x3  }
0x33: {  	p0 =	seq.s32 s10, $0x1;
	s10 =	sld [smem:$0x3FA7];
	_ =	sdelay $0x3  }
0x34: {  	[smem:$0x3FA7] =	sst s10  }
0x35: {  	s10 =	sld [smem:$0x3FA6];
	_ =	sdelay $0x3  }
0x36: {  	p1 =	seq.s32 s10, $0x1;
	s10 =	sld [smem:$0x3FA7];
	_ =	sdelay $0x3  }
0x37: {  	[smem:$0x3FA7] =	sst s10  }
0x38: {  	s10 =	sld [smem:$0x3FA8]  }
0x39: {  	_ = 	snop;
	(pc) =	sbr.ind lr, $3  }
0x3a: {  	_ = 	snop  }
0x3b: {  	_ = 	snop  }
0x3c: {  	p2 =	seq.s32 s10, $0x1;
	s10 =	sld [smem:$0x3FA7]  }
0x3d: {  	_ =	shalt  }
0x3e: {  	_ =	shalt  }
0x3f: {  	_ =	shalt  }
0x40: {  	_ =	shalt  }
0x41: {  	_ =	shalt  }
0x42: {  	_ =	shalt  }
0x43: {  	_ =	shalt  }
0x44: {  	_ =	shalt  }
0x45: {  	_ =	shalt  }
0x46: {  	_ =	shalt  }
0x47: {  	_ =	shalt  }
0x48: {  	_ =	shalt  }
0x49: {  	_ =	shalt  }
0x4a: {  	_ =	shalt  }
0x4b: {  	_ =	shalt  }
0x4c: {  	_ =	shalt  }
0x4d: {  	_ =	shalt  }
0x4e: {  	_ =	shalt  }
0x4f: {  	_ =	shalt  }
0x50: {  	_ =	shalt  }
0x51: {  	_ =	shalt  }
0x52: {  	_ =	shalt  }
0x53: {  	_ =	shalt  }
0x54: {  	_ =	shalt  }
0x55: {  	_ =	shalt  }
0x56: {  	_ =	shalt  }
0x57: {  	_ =	shalt  }
0x58: {  	_ =	shalt  }
0x59: {  	_ =	shalt  }
0x5a: {  	_ =	shalt  }
0x5b: {  	_ =	shalt  }
0x5c: {  	_ =	shalt  }
0x5d: {  	_ =	shalt  }
0x5e: {  	_ =	shalt  }
0x5f: {  	_ =	shalt  }
0x60: {  	_ =	shalt  }
0x61: {  	_ =	shalt  }
0x62: {  	_ =	shalt  }
0x63: {  	_ =	shalt  }
0x64: {  	_ =	shalt  }
0x65: {  	_ =	shalt  }
0x66: {  	_ =	shalt  }
0x67: {  	_ =	shalt  }
0x68: {  	_ =	shalt  }
0x69: {  	_ =	shalt  }
0x6a: {  	_ =	shalt  }
0x6b: {  	_ =	shalt  }
0x6c: {  	_ =	shalt  }
0x6d: {  	_ =	shalt  }
0x6e: {  	_ =	shalt  }
0x6f: {  	_ =	shalt  }
0x70: {  	_ =	shalt  }
0x71: {  	_ =	shalt  }
0x72: {  	_ =	shalt  }
0x73: {  	_ =	shalt  }
0x74: {  	_ =	shalt  }
0x75: {  	_ =	shalt  }
0x76: {  	_ =	shalt  }
0x77: {  	_ =	shalt  }
0x78: {  	_ =	shalt  }
0x79: {  	_ =	shalt  }
0x7a: {  	_ =	shalt  }
0x7b: {  	_ =	shalt  }
0x7c: {  	_ =	shalt  }
0x7d: {  	_ =	shalt  }
0x7e: {  	_ =	shalt  }
0x7f: {  	_ =	shalt  }
0x80: {  	_ =	shalt  }
0x81: {  	_ =	shalt  }
0x82: {  	_ =	shalt  }
0x83: {  	_ =	shalt  }
0x84: {  	_ =	shalt  }
0x85: {  	_ =	shalt  }
0x86: {  	_ =	shalt  }
0x87: {  	_ =	shalt  }
.Lfunc_end0:
.L_simem_size_0:
called_computation.1_lowered:
.L_overlay_start_0:
0x88: {  	s2 =	sld [smem:$0x3FD9]  }
0x89: {  	s3 =	sld [smem:$0x3FFE];
	_ =	sdelay $0x1  }
0x8a: {  	s1 =	srdreg.scid  }
0x8b: {  	s0 =	sand.u32 $0x1, s1  }
0x8c: {  	s14 =	sshll.u32 s0, $0xA;
	s2 =	sadd.s32 s3, s2  }
0x8d: {  	s2 =	sadd.s32 s2, s14  }
0x8e: {  	[smem:$0x3FB3] =	sst s2  }
0x8f: {  	_ = 	snop  }
0x90: {  	s2 =	sld [smem:$0x3FD0];
	_ =	sdelay $0x2  }
0x91: {  	s15 =	simm.s32 $0xA;
	s4 =	simm.s32 $0x10  }
0x92: {  	[smem:s4], [sflag:s15] =	dma.local [hbm:s2], $0x1  }
0x93: {  	_ =	swait.eq [sflag:s15], $0x1  }
0x94: {  	[sflag:s15] =	ssyncset.done $0x0  }
0x95: {  	[sflag:s15] =	ssyncadd.s32 $0xFFFFFFFF  }
0x96: {  	s16 =	sld [smem:$0x10];
	(tm) =	ssettm $0x1  }
0x97: {  	s17 =	sld [smem:$0x3FFB];
	_ =	sdelay $0x3  }
0x98: {  	_ =	strace s17  }
0x99: {  	s3 =	sld [smem:$0x3FFC];
	_ =	sdelay $0x3  }
0x9a: {  	_ =	strace s3  }
0x9b: {  	s3 =	sld [smem:$0x3FFD];
	_ =	sdelay $0x3  }
0x9c: {  	_ =	strace s3  }
0x9d: {  	_ =	strace $0x8FFFFFFF  }
0x9e: {  	s18 =	sld [smem:$0x3FDB];
	_ =	sdelay $0x1  }
0x9f: {  	s19 =	simm.s32 $_scs_section_size  }
0xa0: {  	s5 =	simm.s32 $_size__tile_overlayer_lowered;
	s6 =	simm.s32 $_tile_overlayer_lowered  }
0xa1: {  	s22 =	simm.s32 $0x1BFF;
	s21 =	sshll.u32 s6, $0x1;
	s3 =	sadd.s32 s19, s18  }
0xa2: {  	s7 =	simm.s32 $0x0;
	s20 =	sshll.u32 s5, $0x1;
	s5 =	sadd.s32 s21, s3  }
0xa3: {  	[timem:s7], [sflag:s22] =	dma.local [hbm:s5], s20  }
0xa4: {  	_ =	swait.ge [sflag:s22], s20  }
0xa5: {  	s4 =	ssub.s32 $0x0, s20;
	[sflag:s22] =	ssyncset.done $0x0  }
0xa6: {  	[sflag:s22] =	ssyncadd.s32 s4;
	_ =	sdelay $0x1  }
0xa7: {  	s23 =	simm.s32 $0x1B8B  }
0xa8: {  	_ =	swait.ge [sflag:s23], $0x1  }
0xa9: {  	[sflag:s23] =	ssyncset.done $0x0  }
0xaa: {  	s25 =	simm.s32 $0x1B8E;
	s24 =	sld [smem:$0x3FFE];
	[sflag:s23] =	ssyncadd.s32 $0xFFFFFFFF  }
0xab: {  	s26 =	simm.s32 $execute0_lowered;
	[smem:$0x3FD2] =	sst s25  }
0xac: {  	s5 =	sshll.u32 s26, $0x1;
	_ =	strace $0x80000049;
	[dreg:$0x1] =	wrdreg $0xFFFFFFFF  }
0xad: {  	s28 =	simm.s32 $_size_execute0_lowered;
	s3 =	sadd.s32 s3, s5;
	[dreg:$0x0] =	wrdreg $0x0  }
0xae: {  	s5 =	sshll.u32 s28, $0x1;
	[dreg:$0x2] =	wrdreg s3  }
0xaf: {  	[dreg:$0x3] =	wrdreg s5  }
0xb0: {  	[dreg:$0x4] =	wrdreg $0xC0  }
0xb1: {  	_ =	task [dreg:s7], $0x5FFFF  }
0xb2: {  	[dreg:$0x1] =	wrdreg $0xFFFFFFFF  }
0xb3: {  	[dreg:$0x0] =	wrdreg $0x60  }
0xb4: {  	[dreg:$0x2] =	wrdreg s24  }
0xb5: {  	[dreg:$0x3] =	wrdreg s16  }
0xb6: {  	[dreg:$0x4] =	wrdreg $0x0  }
0xb7: {  	[dreg:$0x5] =	wrdreg $0x9  }
0xb8: {  	_ =	task.clear_ibuf [dreg:s7], $0x6FFFF;
	_ =	strace $0x90000049  }
0xb9: {  	s29 =	simm.s32 $0x9;
	_ =	strace $0x8000004B  }
0xba: {  	_ =	swait.ge [sflag:s29], $0x1  }
0xbb: {  	[sflag:s29] =	ssyncadd.s32 $0xFFFFFFFF  }
0xbc: {  	_ =	strace $0x9000004B  }
0xbd: {  	_ =	sfence  }
0xbe: {  	s30 =	sld [smem:$0x0];
	_ =	sdelay $0x2  }
0xbf: {  	s31 =	sshll.u32 s1, $0xD;
	s1 =	sshrl.u32 s1, $0x2  }
0xc0: {  	s3 =	sand.u32 $0x4000, s31;
	s1 =	sadd.s32 s1, s30  }
0xc1: {  	s0 =	sor.u32 s3, s0;
	s1 =	sshll.u32 s1, $0x11  }
0xc2: {  	s0 =	sor.u32 s1, s0  }
0xc3: {  	s0 =	sadd.s32 $0x8F2B, s0  }
0xc4: {  	[sflag:s0] =	ssyncadd.remote.s32 $0x1  }
0xc5: {  	_ =	sfence.sel $0xFFFF  }
0xc6: {  	[dreg:$0x0] =	wrdreg $0xFFFFFFFF;
	(pc) =	sbr.abs _section_cstart, $3  }
0xc7: {  	[dreg:$0x1] =	wrdreg $0xFFFFFFFF  }
0xc8: {  	_ =	task.clear_ibuf [dreg:s7], $0x2FFFF;
	_ =	strace $0x9FFFFFFF  }
0xc9: {  	(tm) =	ssettm $0x7FFFFFFF  }
tec
execute0_lowered:
.L_overlay_start_1:
0x0: {  	(tag) =	ssettag $0x1  }
0x1: {  	s6 =	rddreg [dreg:$0x0]  }
0x2: {  	s2 =	rddreg [dreg:$0x1]  }
0x3: {  	s1 =	srdreg.scid;
	s0 =	stileid.u32  }
0x4: {  	s3 =	rddreg [dreg:$0x2];
	s4 =	simm.s32 $0x0;
	s23 =	simm.s32 $0x1  }
0x5: {  	s24 =	simm.s32 $0x0;
	s13 =	sand.u32 $0x1, s1;
	s1 =	rddreg [dreg:$0x3]  }
0x6: {  	s5 =	sshll.u32 s0, $0x1;
	[smem:$0x7FF] =	sst s4;
	s8 =	smul.u32 $0x280, s0  }
0x7: {  	s14 =	sadd.s32 $0x1FA00, s6;
	s9 =	smul.u32 $0x50000, s0;
	s19 =	sadd.s32 $0x47A00, s6  }
0x8: {  	s21 =	smul.u32 $0x2800, s0;
	s5 =	sor.u32 s13, s5;
	_ =	strace $0x8000004A  }
0x9: {  	s7 =	ssub.s32 $0x2, s13;
	p0 =	seq.s32 s13, $0x0;
	s13 =	simm.s32 $0x61  }
0xa: {  	s5 =	smul.u32 $0x680, s5;
	s26 =	sshrl.u32 s7, $0x1;
	s15 =	sadd.s32 $0x80, s8  }
0xb: {  	s28 =	sshrl.u32 s9, $0x2;
	s17 =	sadd.s32 $0x100, s8;
	s18 =	sadd.s32 $0x180, s8  }
0xc: {  	s20 =	sadd.s32 $0x200, s8;
	s13 =	simm.s32 @!p0 $0x3C;
	s19 =	smov.u32 @p0 s14  }
0xd: {  	s16 =	ssub.s32 s7, s26;
	s29 =	sshll.u32 s15, $0x7;
	s30 =	sshll.u32 s17, $0x7  }
0xe: {  	s31 =	sshll.u32 s18, $0x7;
	s10 =	sshll.u32 s20, $0x7;
	s22 =	sshll.u32 s15, $0x4  }
0xf: {  	s17 =	sshll.u32 s17, $0x4;
	s18 =	sshll.u32 s18, $0x4;
	s20 =	sshll.u32 s20, $0x4  }
0x10: {  	s15 =	sadd.s32 s19, s21;
	s21 =	simm.s32 $0x2;
	s12 =	sadd.s32 s5, s6  }
0x11: {  	s5 =	sadd.s32 $0x1F200, s6;
	s6 =	sadd.s32 s28, s3;
	s7 =	sadd.s32 s29, s3  }
0x12: {  	s8 =	sadd.s32 s30, s3;
	s9 =	sadd.s32 s31, s3;
	s10 =	sadd.s32 s10, s3  }
0x13: {  	s14 =	smax.u32 s16, $0x1;
	s16 =	sadd.s32 s19, s22;
	s17 =	sadd.s32 s19, s17  }
0x14: {  	s18 =	sadd.s32 s19, s18;
	s19 =	sadd.s32 s19, s20;
	s20 =	simm.s32 $0x1A800  }
0x15: {  	s22 =	simm.s32 $0x80;
	s11 =	sadd.s32 $0x5200, s12;
	s12 =	sadd.s32 $0x12200, s12  }
.LBB2_1:
0x16: {  	[tilespmem:s20], [sflag:$0x2] =	stream.linear.gather [hbm4b:s5+s4], $0x4000, $0x38;
	[tilespmem:$0x1E800] =	vst v63  }
0x17: {  	_ =	swait.ge [sflag:s21], $0x4000  }
0x18: {  	[sflag:s21] =	ssyncset.done $0x0  }
0x19: {  	[sflag:s21] =	ssyncadd.s32 $0xFFFFC000  }
0x1a: {  	[spmem:s6] =	stream.linear.scatter [tilespmem:s20], [sflag:$0x2], $0x4000, $0x38;
	[tilespmem:$0x1E800] =	vst v63  }
0x1b: {  	_ =	swait.ge [sflag:s21], $0x4000  }
0x1c: {  	[sflag:s21] =	ssyncset.done $0x0  }
0x1d: {  	[sflag:s21] =	ssyncadd.s32 $0xFFFFC000  }
0x1e: {  	[spmem:s7] =	stream.linear.scatter [tilespmem:s20], [sflag:$0x2], $0x4000, $0x38;
	[tilespmem:$0x1E800] =	vst v63  }
0x1f: {  	_ =	swait.ge [sflag:s21], $0x4000  }
0x20: {  	[sflag:s21] =	ssyncset.done $0x0  }
0x21: {  	[sflag:s21] =	ssyncadd.s32 $0xFFFFC000  }
0x22: {  	[spmem:s8] =	stream.linear.scatter [tilespmem:s20], [sflag:$0x2], $0x4000, $0x38;
	[tilespmem:$0x1E800] =	vst v63  }
0x23: {  	_ =	swait.ge [sflag:s21], $0x4000  }
0x24: {  	[sflag:s21] =	ssyncset.done $0x0  }
0x25: {  	[sflag:s21] =	ssyncadd.s32 $0xFFFFC000  }
0x26: {  	[spmem:s9] =	stream.linear.scatter [tilespmem:s20], [sflag:$0x2], $0x4000, $0x38;
	[tilespmem:$0x1E800] =	vst v63  }
0x27: {  	_ =	swait.ge [sflag:s21], $0x4000  }
0x28: {  	[sflag:s21] =	ssyncset.done $0x0  }
0x29: {  	[sflag:s21] =	ssyncadd.s32 $0xFFFFC000  }
0x2a: {  	[spmem:s10] =	stream.linear.scatter [tilespmem:s20], [sflag:$0x2], $0x4000, $0x38;
	[tilespmem:$0x1E800] =	vst v63  }
0x2b: {  	_ =	swait.ge [sflag:s21], $0x4000  }
0x2c: {  	[sflag:s21] =	ssyncset.done $0x0  }
0x2d: {  	s25 =	simm.s32 $0x14000;
	[sflag:s21] =	ssyncadd.s32 $0xFFFFC000  }
0x2e: {  	[tilespmem:s25], [sflag:$0x2] =	stream.linear.gather [hbm4b:s11+s4], $0x3080, $0x38;
	[tilespmem:$0x1E800] =	vst v63  }
0x2f: {  	_ =	swait.ge [sflag:s21], $0x3080  }
0x30: {  	[sflag:s21] =	ssyncset.done $0x0  }
0x31: {  	s26 =	simm.s32 $0x17400;
	[sflag:s21] =	ssyncadd.s32 $0xFFFFCF80  }
0x32: {  	[tilespmem:s26], [sflag:$0x2] =	stream.linear.gather [hbm4b:s12+s4], $0x3080, $0x38;
	[tilespmem:$0x1E800] =	vst v63  }
0x33: {  	_ =	swait.ge [sflag:s21], $0x3080  }
0x34: {  	[sflag:s21] =	ssyncset.done $0x0  }
0x35: {  	[sflag:s21] =	ssyncadd.s32 $0xFFFFCF80  }
0x36: {  	[bflag:$0x0] =	sbarrier.arrive $0xFFFF  }
0x37: {  	[tilespmem:s20], [sflag:$0x1] =	stream.indirect.gather [hbm4b:s2+s22], $0x80, s25, s22, $0xb8;
	[tilespmem:$0x1E800] =	vst v63  }
0x38: {  	p0 =	sne.s32 s13, $0x1;
	_ =	swait.ge [sflag:s23], $0x4000  }
.Ltmp0:
0x39: {  	[sflag:s23] =	ssyncset.done $0x0;
	(pc) =	sbr.rel @!p0 .LBB2_3-.Ltmp0, $4  }
0x3a: {  	[sflag:s23] =	ssyncadd.s32 $0xFFFFC000  }
0x3b: {  	[spmem:s3] =	stream.indirect.scatter.add.f32 [tilespmem:s20], [sflag:$0x2], $0x80, s26, s22, $0xb8;
	[tilespmem:$0x1E800] =	vst v63  }
0x3c: {  	_ =	swait.ge [sflag:s21], $0x4000  }
0x3d: {  	s28 =	sadd.s32 $0xFFFFFFFF, s13;
	[sflag:s21] =	ssyncset.done $0x0  }
.LBB2_2:
0x3e: {  	[sflag:s21] =	ssyncadd.s32 $0xFFFFC000;
	s25 =	sadd.s32 $0x80, s25;
	s26 =	sadd.s32 $0x80, s26  }
0x3f: {  	[tilespmem:s20], [sflag:$0x1] =	stream.indirect.gather [hbm4b:s2+s22], $0x80, s25, s22, $0xb8;
	[tilespmem:$0x1E800] =	vst v63  }
0x40: {  	p0 =	sne.s32 s28, $0x1;
	s28 =	sadd.s32 $0xFFFFFFFF, s28;
	_ =	swait.ge [sflag:s23], $0x4000  }
.Ltmp1:
0x41: {  	[sflag:s23] =	ssyncset.done $0x0;
	(pc) =	sbr.rel @p0 .LBB2_2-.Ltmp1, $4  }
0x42: {  	[sflag:s23] =	ssyncadd.s32 $0xFFFFC000  }
0x43: {  	[spmem:s3] =	stream.indirect.scatter.add.f32 [tilespmem:s20], [sflag:$0x2], $0x80, s26, s22, $0xb8;
	[tilespmem:$0x1E800] =	vst v63  }
0x44: {  	_ =	swait.ge [sflag:s21], $0x4000  }
0x45: {  	[sflag:s21] =	ssyncset.done $0x0  }
.LBB2_3:
0x46: {  	[sflag:s21] =	ssyncadd.s32 $0xFFFFC000  }
0x47: {  	[bflag:$0x0] =	sbarrier.arrive $0xFFFF  }
0x48: {  	[tilespmem:s20], [sflag:$0x2] =	stream.linear.gather [spmem:s6], $0x4000, $0x38;
	[tilespmem:$0x1E800] =	vst v63  }
0x49: {  	_ =	swait.ge [sflag:s21], $0x4000  }
0x4a: {  	[sflag:s21] =	ssyncset.done $0x0  }
0x4b: {  	[sflag:s21] =	ssyncadd.s32 $0xFFFFC000  }
0x4c: {  	[hbm4b:s15+s4] =	stream.linear.scatter [tilespmem:s20], [sflag:$0x2], $0x4000, $0x38;
	[tilespmem:$0x1E800] =	vst v63  }
0x4d: {  	_ =	swait.ge [sflag:s21], $0x4000  }
0x4e: {  	[sflag:s21] =	ssyncset.done $0x0  }
0x4f: {  	[sflag:s21] =	ssyncadd.s32 $0xFFFFC000  }
0x50: {  	[tilespmem:s20], [sflag:$0x2] =	stream.linear.gather [spmem:s7], $0x4000, $0x38;
	[tilespmem:$0x1E800] =	vst v63  }
0x51: {  	_ =	swait.ge [sflag:s21], $0x4000  }
0x52: {  	[sflag:s21] =	ssyncset.done $0x0  }
0x53: {  	[sflag:s21] =	ssyncadd.s32 $0xFFFFC000  }
0x54: {  	[hbm4b:s16+s4] =	stream.linear.scatter [tilespmem:s20], [sflag:$0x2], $0x4000, $0x38;
	[tilespmem:$0x1E800] =	vst v63  }
0x55: {  	_ =	swait.ge [sflag:s21], $0x4000  }
0x56: {  	[sflag:s21] =	ssyncset.done $0x0  }
0x57: {  	[sflag:s21] =	ssyncadd.s32 $0xFFFFC000  }
0x58: {  	[tilespmem:s20], [sflag:$0x2] =	stream.linear.gather [spmem:s8], $0x4000, $0x38;
	[tilespmem:$0x1E800] =	vst v63  }
0x59: {  	_ =	swait.ge [sflag:s21], $0x4000  }
0x5a: {  	[sflag:s21] =	ssyncset.done $0x0  }
0x5b: {  	[sflag:s21] =	ssyncadd.s32 $0xFFFFC000  }
0x5c: {  	[hbm4b:s17+s4] =	stream.linear.scatter [tilespmem:s20], [sflag:$0x2], $0x4000, $0x38;
	[tilespmem:$0x1E800] =	vst v63  }
0x5d: {  	_ =	swait.ge [sflag:s21], $0x4000  }
0x5e: {  	[sflag:s21] =	ssyncset.done $0x0  }
0x5f: {  	[sflag:s21] =	ssyncadd.s32 $0xFFFFC000  }
0x60: {  	[tilespmem:s20], [sflag:$0x2] =	stream.linear.gather [spmem:s9], $0x4000, $0x38;
	[tilespmem:$0x1E800] =	vst v63  }
0x61: {  	_ =	swait.ge [sflag:s21], $0x4000  }
0x62: {  	[sflag:s21] =	ssyncset.done $0x0  }
0x63: {  	[sflag:s21] =	ssyncadd.s32 $0xFFFFC000  }
0x64: {  	[hbm4b:s18+s4] =	stream.linear.scatter [tilespmem:s20], [sflag:$0x2], $0x4000, $0x38;
	[tilespmem:$0x1E800] =	vst v63  }
0x65: {  	_ =	swait.ge [sflag:s21], $0x4000  }
0x66: {  	[sflag:s21] =	ssyncset.done $0x0  }
0x67: {  	[sflag:s21] =	ssyncadd.s32 $0xFFFFC000  }
0x68: {  	[tilespmem:s20], [sflag:$0x2] =	stream.linear.gather [spmem:s10], $0x4000, $0x38;
	[tilespmem:$0x1E800] =	vst v63  }
0x69: {  	s24 =	sadd.s32 $0x1, s24;
	_ =	swait.ge [sflag:s21], $0x4000  }
0x6a: {  	p0 =	sne.s32 s24, s14;
	[sflag:s21] =	ssyncset.done $0x0  }
.Ltmp2:
0x6b: {  	[sflag:s21] =	ssyncadd.s32 $0xFFFFC000;
	(pc) =	sbr.rel @p0 .LBB2_1-.Ltmp2, $4  }
0x6c: {  	[hbm4b:s19+s4] =	stream.linear.scatter [tilespmem:s20], [sflag:$0x2], $0x4000, $0x38;
	[tilespmem:$0x1E800] =	vst v63  }
0x6d: {  	_ =	swait.ge [sflag:s21], $0x4000  }
0x6e: {  	[sflag:s21] =	ssyncset.done $0x0  }
0x6f: {  	[sflag:s21] =	ssyncadd.s32 $0xFFFFC000  }
0x70: {  	_ =	sfence.sel $0x180000  }
0x71: {  	[bflag:$0x0] =	sbarrier.arrive $0xFFFF  }
0x72: {  	p0 =	sne.s32 s0, $0x0;
	_ =	strace $0x9000004A  }
0x73: {  	s0 =	sadd.s32 @!p0 $0x100000, s1;
	[bflag:$0x2] =	sbarrier.arrive $0xFFFF  }
0x74: {  	[sflag:s0] =	ssyncadd.tile.s32 @!p0 $0x1;
	_ =	shalt  }
.Lfunc_end2:
_tile_overlayer_lowered:
.L_overlay_start_2:
0x75: {  	(tag) =	ssettag $0x2  }
0x76: {  	s0 =	rddreg [dreg:$0x0];
	s2 =	stileid.u32  }
0x77: {  	s1 =	rddreg [dreg:$0x1];
	p0 =	sne.s32 s2, $0x0  }
0x78: {  	s3 =	rddreg [dreg:$0x2];
	[bflag:$0x3] =	sbarrier.arrive $0xFFFF;
	s2 =	simm.s32 @!p0 $0x1C02  }
0x79: {  	[timem:s3], [sflag:s2] =	dma.local @!p0 [hbm:s0], s1  }
0x7a: {  	s0 =	simm.s32 @!p0 $0x2  }
0x7b: {  	_ =	swait.ge @!p0 [sflag:s0], s1  }
0x7c: {  	s1 =	ssub.s32 @!p0 $0x0, s1;
	[sflag:s0] =	ssyncset.done @!p0 $0x0  }
0x7d: {  	[sflag:s0] =	ssyncadd.s32 @!p0 s1  }
0x7e: {  	[bflag:$0x3] =	sbarrier.arrive $0xFFFF  }
0x7f: {  	_ =	shalt  }

// kernel: kernel.17.cloned.1.call-start
scs
__scs_entry_jumppad:
0x0: {  	(pc) =	sbr.rel $0x88, $3  }
0x1: {  	(tag) =	ssettag $0x0;
	lr =	simm.s32 $0x1  }
0x2: {  	[smem:$0x3F8C] =	sst lr;
	_ =	strace $0xD0000000  }
0x3: {  	_ = 	snop  }
0x4: {  	_ = 	snop  }
0x5: {  	_ = 	snop  }
0x6: {  	_ = 	snop  }
0x7: {  	_ = 	snop  }
__scs_overlays_trampoline_lowered:
0x8: {  	[smem:$0x3F9B] =	sst s0  }
0x9: {  	[smem:$0x3F9C] =	sst s1  }
0xa: {  	[smem:$0x3F9D] =	sst s2  }
0xb: {  	[smem:$0x3F9E] =	sst s3  }
0xc: {  	[smem:$0x3F9F] =	sst s4  }
0xd: {  	[smem:$0x3FA0] =	sst s5  }
0xe: {  	[smem:$0x3FA1] =	sst s6  }
0xf: {  	[smem:$0x3FA2] =	sst s7  }
0x10: {  	[smem:$0x3FA3] =	sst s8  }
0x11: {  	[smem:$0x3FA4] =	sst s9;
	s0 =	simm.s32 @!p0 $0x0  }
0x12: {  	s1 =	sld [smem:$0x3F8A];
	s0 =	simm.s32 @p0 $0x1  }
0x13: {  	[smem:$0x3FA5] =	sst s0;
	s0 =	simm.s32 @!p1 $0x0  }
0x14: {  	s2 =	sld [smem:$0x3F89];
	s0 =	simm.s32 @p1 $0x1  }
0x15: {  	[smem:$0x3FA6] =	sst s0;
	s0 =	simm.s32 @!p2 $0x0  }
0x16: {  	s3 =	sld [smem:$0x3FDB];
	s0 =	simm.s32 @p2 $0x1  }
0x17: {  	s4 =	simm.s32 $0x1BF5;
	[smem:$0x3FA8] =	sst s0  }
0x18: {  	s0 =	sld [smem:$0x3F8B];
	_ =	swait.ge [sflag:s4], $0x0  }
0x19: {  	s7 =	sld [smem:$0x3F8C]  }
0x1a: {  	s8 =	sadd.s32 $0xFFFFE003, lr  }
0x1b: {  	s9 =	sadd.s32 $0xFFFFFEF7, lr;
	s5 =	simm.s32 $0xFFFFFFFF;
	p2 =	slt.u32 s8, $0xFFFFF086  }
0x1c: {  	p1 =	slt.u32 s9, $0xF7A;
	s5 =	simm.s32 @!p2 $0x0  }
0x1d: {  	s5 =	simm.s32 @p1 $0x1;
	p0 =	seq.s32 s7, s2  }
0x1e: {  	s7 =	smul.u32 @!p0 $0xF7A, s2;
	p2 =	seq.s32 @!p0 s5, $0x0  }
0x1f: {  	s9 =	smul.u32 $0xF7A, s1;
	s8 =	simm.s32 @!p0 $0x1BF5;
	p2 =	por !p2, p0  }
0x20: {  	[sflag:s8] =	ssyncset.s32 @!p0 $0xFFFFF086;
	s6 =	sadd.s32 @!p0 s3, s7;
	s7 =	simm.s32 @!p0 $0x108  }
0x21: {  	s3 =	sadd.s32 s3, s9;
	s6 =	sadd.s32 @!p0 $0x88, s6;
	s7 =	simm.s32 @p2 $0x1082  }
0x22: {  	[simem:s7], [sflag:s8] =	dma.local @!p0 [hbm:s6], $0xF7A  }
0x23: {  	s9 =	sor.u32 $0xD0000000, s2;
	s6 =	simm.s32 $0x108;
	_ =	swait.ge @!p0 [sflag:s8], $0x0  }
0x24: {  	s3 =	sadd.s32 $0x88, s3;
	s6 =	simm.s32 @!p1 $0x1082;
	[sflag:s4] =	ssyncset.s32 $0xFFFFF086  }
0x25: {  	[simem:s6], [sflag:s4] =	dma.local [hbm:s3], $0xF7A  }
0x26: {  	[smem:$0x3F8C] =	sst s1;
	(tag) =	ssettag s2;
	_ =	strace s9  }
0x27: {  	s1 =	sld [smem:$0x3F9C]  }
0x28: {  	s2 =	sld [smem:$0x3F9D]  }
0x29: {  	s4 =	sld [smem:$0x3F9F]  }
0x2a: {  	p0 =	seq.s32 s5, $0x0;
	s5 =	sld [smem:$0x3FA0]  }
0x2b: {  	s6 =	sld [smem:$0x3FA1]  }
0x2c: {  	s7 =	sld [smem:$0x3FA2]  }
0x2d: {  	s3 =	simm.s32 $0x108;
	s8 =	sld [smem:$0x3FA3]  }
0x2e: {  	s3 =	simm.s32 @!p0 $0x1082;
	s9 =	sld [smem:$0x3FA4]  }
0x2f: {  	lr =	sadd.s32 s0, s3;
	s0 =	sld [smem:$0x3F9B]  }
0x30: {  	s3 =	sld [smem:$0x3F9E]  }
0x31: {  	[smem:$0x3FA7] =	sst s10  }
0x32: {  	s10 =	sld [smem:$0x3FA5];
	_ =	sdelay $0x3  }
0x33: {  	p0 =	seq.s32 s10, $0x1;
	s10 =	sld [smem:$0x3FA7];
	_ =	sdelay $0x3  }
0x34: {  	[smem:$0x3FA7] =	sst s10  }
0x35: {  	s10 =	sld [smem:$0x3FA6];
	_ =	sdelay $0x3  }
0x36: {  	p1 =	seq.s32 s10, $0x1;
	s10 =	sld [smem:$0x3FA7];
	_ =	sdelay $0x3  }
0x37: {  	[smem:$0x3FA7] =	sst s10  }
0x38: {  	s10 =	sld [smem:$0x3FA8]  }
0x39: {  	_ = 	snop;
	(pc) =	sbr.ind lr, $3  }
0x3a: {  	_ = 	snop  }
0x3b: {  	_ = 	snop  }
0x3c: {  	p2 =	seq.s32 s10, $0x1;
	s10 =	sld [smem:$0x3FA7]  }
0x3d: {  	_ =	shalt  }
0x3e: {  	_ =	shalt  }
0x3f: {  	_ =	shalt  }
0x40: {  	_ =	shalt  }
0x41: {  	_ =	shalt  }
0x42: {  	_ =	shalt  }
0x43: {  	_ =	shalt  }
0x44: {  	_ =	shalt  }
0x45: {  	_ =	shalt  }
0x46: {  	_ =	shalt  }
0x47: {  	_ =	shalt  }
0x48: {  	_ =	shalt  }
0x49: {  	_ =	shalt  }
0x4a: {  	_ =	shalt  }
0x4b: {  	_ =	shalt  }
0x4c: {  	_ =	shalt  }
0x4d: {  	_ =	shalt  }
0x4e: {  	_ =	shalt  }
0x4f: {  	_ =	shalt  }
0x50: {  	_ =	shalt  }
0x51: {  	_ =	shalt  }
0x52: {  	_ =	shalt  }
0x53: {  	_ =	shalt  }
0x54: {  	_ =	shalt  }
0x55: {  	_ =	shalt  }
0x56: {  	_ =	shalt  }
0x57: {  	_ =	shalt  }
0x58: {  	_ =	shalt  }
0x59: {  	_ =	shalt  }
0x5a: {  	_ =	shalt  }
0x5b: {  	_ =	shalt  }
0x5c: {  	_ =	shalt  }
0x5d: {  	_ =	shalt  }
0x5e: {  	_ =	shalt  }
0x5f: {  	_ =	shalt  }
0x60: {  	_ =	shalt  }
0x61: {  	_ =	shalt  }
0x62: {  	_ =	shalt  }
0x63: {  	_ =	shalt  }
0x64: {  	_ =	shalt  }
0x65: {  	_ =	shalt  }
0x66: {  	_ =	shalt  }
0x67: {  	_ =	shalt  }
0x68: {  	_ =	shalt  }
0x69: {  	_ =	shalt  }
0x6a: {  	_ =	shalt  }
0x6b: {  	_ =	shalt  }
0x6c: {  	_ =	shalt  }
0x6d: {  	_ =	shalt  }
0x6e: {  	_ =	shalt  }
0x6f: {  	_ =	shalt  }
0x70: {  	_ =	shalt  }
0x71: {  	_ =	shalt  }
0x72: {  	_ =	shalt  }
0x73: {  	_ =	shalt  }
0x74: {  	_ =	shalt  }
0x75: {  	_ =	shalt  }
0x76: {  	_ =	shalt  }
0x77: {  	_ =	shalt  }
0x78: {  	_ =	shalt  }
0x79: {  	_ =	shalt  }
0x7a: {  	_ =	shalt  }
0x7b: {  	_ =	shalt  }
0x7c: {  	_ =	shalt  }
0x7d: {  	_ =	shalt  }
0x7e: {  	_ =	shalt  }
0x7f: {  	_ =	shalt  }
0x80: {  	_ =	shalt  }
0x81: {  	_ =	shalt  }
0x82: {  	_ =	shalt  }
0x83: {  	_ =	shalt  }
0x84: {  	_ =	shalt  }
0x85: {  	_ =	shalt  }
0x86: {  	_ =	shalt  }
0x87: {  	_ =	shalt  }
.Lfunc_end0:
.L_simem_size_0:
called_computation.2_lowered:
.L_overlay_start_0:
0x88: {  	s2 =	sld [smem:$0x3FD9]  }
0x89: {  	s3 =	sld [smem:$0x3FFE];
	_ =	sdelay $0x1  }
0x8a: {  	s1 =	srdreg.scid  }
0x8b: {  	s0 =	sand.u32 $0x1, s1  }
0x8c: {  	s14 =	sshll.u32 s0, $0xA;
	s2 =	sadd.s32 s3, s2  }
0x8d: {  	s2 =	sadd.s32 s2, s14  }
0x8e: {  	[smem:$0x3FB3] =	sst s2  }
0x8f: {  	_ = 	snop  }
0x90: {  	s2 =	sld [smem:$0x3FD0];
	_ =	sdelay $0x2  }
0x91: {  	s15 =	simm.s32 $0xA;
	s4 =	simm.s32 $0x10  }
0x92: {  	[smem:s4], [sflag:s15] =	dma.local [hbm:s2], $0x1  }
0x93: {  	_ =	swait.eq [sflag:s15], $0x1  }
0x94: {  	[sflag:s15] =	ssyncset.done $0x0  }
0x95: {  	[sflag:s15] =	ssyncadd.s32 $0xFFFFFFFF  }
0x96: {  	s16 =	sld [smem:$0x10];
	(tm) =	ssettm $0x1  }
0x97: {  	s17 =	sld [smem:$0x3FFB];
	_ =	sdelay $0x3  }
0x98: {  	_ =	strace s17  }
0x99: {  	s3 =	sld [smem:$0x3FFC];
	_ =	sdelay $0x3  }
0x9a: {  	_ =	strace s3  }
0x9b: {  	s3 =	sld [smem:$0x3FFD];
	_ =	sdelay $0x3  }
0x9c: {  	_ =	strace s3  }
0x9d: {  	_ =	strace $0x8FFFFFFF  }
0x9e: {  	s18 =	sld [smem:$0x3FDB];
	_ =	sdelay $0x1  }
0x9f: {  	s19 =	simm.s32 $_scs_section_size  }
0xa0: {  	s5 =	simm.s32 $_size__tile_overlayer_lowered;
	s6 =	simm.s32 $_tile_overlayer_lowered  }
0xa1: {  	s22 =	simm.s32 $0x1BFF;
	s21 =	sshll.u32 s6, $0x1;
	s3 =	sadd.s32 s19, s18  }
0xa2: {  	s7 =	simm.s32 $0x0;
	s20 =	sshll.u32 s5, $0x1;
	s5 =	sadd.s32 s21, s3  }
0xa3: {  	[timem:s7], [sflag:s22] =	dma.local [hbm:s5], s20  }
0xa4: {  	_ =	swait.ge [sflag:s22], s20  }
0xa5: {  	s4 =	ssub.s32 $0x0, s20;
	[sflag:s22] =	ssyncset.done $0x0  }
0xa6: {  	[sflag:s22] =	ssyncadd.s32 s4;
	_ =	sdelay $0x1  }
0xa7: {  	s23 =	simm.s32 $0x1B8B  }
0xa8: {  	_ =	swait.ge [sflag:s23], $0x1  }
0xa9: {  	[sflag:s23] =	ssyncset.done $0x0  }
0xaa: {  	s25 =	simm.s32 $0x1B8E;
	s24 =	sld [smem:$0x3FFE];
	[sflag:s23] =	ssyncadd.s32 $0xFFFFFFFF  }
0xab: {  	s26 =	simm.s32 $execute0_lowered;
	[smem:$0x3FD2] =	sst s25  }
0xac: {  	s5 =	sshll.u32 s26, $0x1;
	_ =	strace $0x8000004C;
	[dreg:$0x1] =	wrdreg $0xFFFFFFFF  }
0xad: {  	s28 =	simm.s32 $_size_execute0_lowered;
	s3 =	sadd.s32 s3, s5;
	[dreg:$0x0] =	wrdreg $0x0  }
0xae: {  	s5 =	sshll.u32 s28, $0x1;
	[dreg:$0x2] =	wrdreg s3  }
0xaf: {  	[dreg:$0x3] =	wrdreg s5  }
0xb0: {  	[dreg:$0x4] =	wrdreg $0xC0  }
0xb1: {  	_ =	task [dreg:s7], $0x5FFFF  }
0xb2: {  	[dreg:$0x1] =	wrdreg $0xFFFFFFFF  }
0xb3: {  	[dreg:$0x0] =	wrdreg $0x60  }
0xb4: {  	[dreg:$0x2] =	wrdreg s24  }
0xb5: {  	[dreg:$0x3] =	wrdreg s16  }
0xb6: {  	[dreg:$0x4] =	wrdreg $0x0  }
0xb7: {  	[dreg:$0x5] =	wrdreg $0x9  }
0xb8: {  	_ =	task.clear_ibuf [dreg:s7], $0x6FFFF;
	_ =	strace $0x9000004C  }
0xb9: {  	s29 =	simm.s32 $0x9;
	_ =	strace $0x8000004E  }
0xba: {  	_ =	swait.ge [sflag:s29], $0x1  }
0xbb: {  	[sflag:s29] =	ssyncadd.s32 $0xFFFFFFFF  }
0xbc: {  	_ =	strace $0x9000004E  }
0xbd: {  	_ =	sfence  }
0xbe: {  	s30 =	sld [smem:$0x0];
	_ =	sdelay $0x2  }
0xbf: {  	s31 =	sshll.u32 s1, $0xD;
	s1 =	sshrl.u32 s1, $0x2  }
0xc0: {  	s3 =	sand.u32 $0x4000, s31;
	s1 =	sadd.s32 s1, s30  }
0xc1: {  	s0 =	sor.u32 s3, s0;
	s1 =	sshll.u32 s1, $0x11  }
0xc2: {  	s0 =	sor.u32 s1, s0  }
0xc3: {  	s0 =	sadd.s32 $0x8F2B, s0  }
0xc4: {  	[sflag:s0] =	ssyncadd.remote.s32 $0x1  }
0xc5: {  	_ =	sfence.sel $0xFFFF  }
0xc6: {  	[dreg:$0x0] =	wrdreg $0xFFFFFFFF;
	(pc) =	sbr.abs _section_cstart, $3  }
0xc7: {  	[dreg:$0x1] =	wrdreg $0xFFFFFFFF  }
0xc8: {  	_ =	task.clear_ibuf [dreg:s7], $0x2FFFF;
	_ =	strace $0x9FFFFFFF  }
0xc9: {  	(tm) =	ssettm $0x7FFFFFFF  }
tec
execute0_lowered:
.L_overlay_start_1:
0x0: {  	(tag) =	ssettag $0x1  }
0x1: {  	s6 =	rddreg [dreg:$0x0]  }
0x2: {  	s2 =	rddreg [dreg:$0x1]  }
0x3: {  	s1 =	srdreg.scid;
	s0 =	stileid.u32  }
0x4: {  	s3 =	rddreg [dreg:$0x2];
	s4 =	simm.s32 $0x0;
	s23 =	simm.s32 $0x1  }
0x5: {  	s24 =	simm.s32 $0x0;
	s13 =	sand.u32 $0x1, s1;
	s1 =	rddreg [dreg:$0x3]  }
0x6: {  	s5 =	sshll.u32 s0, $0x1;
	[smem:$0x7FF] =	sst s4;
	s8 =	smul.u32 $0x280, s0  }
0x7: {  	s14 =	sadd.s32 $0x1FA00, s6;
	s9 =	smul.u32 $0x50000, s0;
	s19 =	sadd.s32 $0x47A00, s6  }
0x8: {  	s21 =	smul.u32 $0x2800, s0;
	s5 =	sor.u32 s13, s5;
	_ =	strace $0x8000004D  }
0x9: {  	s7 =	ssub.s32 $0x2, s13;
	p0 =	seq.s32 s13, $0x0;
	s13 =	simm.s32 $0x61  }
0xa: {  	s5 =	smul.u32 $0x680, s5;
	s26 =	sshrl.u32 s7, $0x1;
	s15 =	sadd.s32 $0x80, s8  }
0xb: {  	s28 =	sshrl.u32 s9, $0x2;
	s17 =	sadd.s32 $0x100, s8;
	s18 =	sadd.s32 $0x180, s8  }
0xc: {  	s20 =	sadd.s32 $0x200, s8;
	s13 =	simm.s32 @!p0 $0x3C;
	s19 =	smov.u32 @p0 s14  }
0xd: {  	s16 =	ssub.s32 s7, s26;
	s29 =	sshll.u32 s15, $0x7;
	s30 =	sshll.u32 s17, $0x7  }
0xe: {  	s31 =	sshll.u32 s18, $0x7;
	s10 =	sshll.u32 s20, $0x7;
	s22 =	sshll.u32 s15, $0x4  }
0xf: {  	s17 =	sshll.u32 s17, $0x4;
	s18 =	sshll.u32 s18, $0x4;
	s20 =	sshll.u32 s20, $0x4  }
0x10: {  	s15 =	sadd.s32 s19, s21;
	s21 =	simm.s32 $0x2;
	s12 =	sadd.s32 s5, s6  }
0x11: {  	s5 =	sadd.s32 $0x1F200, s6;
	s6 =	sadd.s32 s28, s3;
	s7 =	sadd.s32 s29, s3  }
0x12: {  	s8 =	sadd.s32 s30, s3;
	s9 =	sadd.s32 s31, s3;
	s10 =	sadd.s32 s10, s3  }
0x13: {  	s14 =	smax.u32 s16, $0x1;
	s16 =	sadd.s32 s19, s22;
	s17 =	sadd.s32 s19, s17  }
0x14: {  	s18 =	sadd.s32 s19, s18;
	s19 =	sadd.s32 s19, s20;
	s20 =	simm.s32 $0x1A800  }
0x15: {  	s22 =	simm.s32 $0x80;
	s11 =	sadd.s32 $0x5200, s12;
	s12 =	sadd.s32 $0x12200, s12  }
.LBB2_1:
0x16: {  	[tilespmem:s20], [sflag:$0x2] =	stream.linear.gather [hbm4b:s5+s4], $0x4000, $0x38;
	[tilespmem:$0x1E800] =	vst v63  }
0x17: {  	_ =	swait.ge [sflag:s21], $0x4000  }
0x18: {  	[sflag:s21] =	ssyncset.done $0x0  }
0x19: {  	[sflag:s21] =	ssyncadd.s32 $0xFFFFC000  }
0x1a: {  	[spmem:s6] =	stream.linear.scatter [tilespmem:s20], [sflag:$0x2], $0x4000, $0x38;
	[tilespmem:$0x1E800] =	vst v63  }
0x1b: {  	_ =	swait.ge [sflag:s21], $0x4000  }
0x1c: {  	[sflag:s21] =	ssyncset.done $0x0  }
0x1d: {  	[sflag:s21] =	ssyncadd.s32 $0xFFFFC000  }
0x1e: {  	[spmem:s7] =	stream.linear.scatter [tilespmem:s20], [sflag:$0x2], $0x4000, $0x38;
	[tilespmem:$0x1E800] =	vst v63  }
0x1f: {  	_ =	swait.ge [sflag:s21], $0x4000  }
0x20: {  	[sflag:s21] =	ssyncset.done $0x0  }
0x21: {  	[sflag:s21] =	ssyncadd.s32 $0xFFFFC000  }
0x22: {  	[spmem:s8] =	stream.linear.scatter [tilespmem:s20], [sflag:$0x2], $0x4000, $0x38;
	[tilespmem:$0x1E800] =	vst v63  }
0x23: {  	_ =	swait.ge [sflag:s21], $0x4000  }
0x24: {  	[sflag:s21] =	ssyncset.done $0x0  }
0x25: {  	[sflag:s21] =	ssyncadd.s32 $0xFFFFC000  }
0x26: {  	[spmem:s9] =	stream.linear.scatter [tilespmem:s20], [sflag:$0x2], $0x4000, $0x38;
	[tilespmem:$0x1E800] =	vst v63  }
0x27: {  	_ =	swait.ge [sflag:s21], $0x4000  }
0x28: {  	[sflag:s21] =	ssyncset.done $0x0  }
0x29: {  	[sflag:s21] =	ssyncadd.s32 $0xFFFFC000  }
0x2a: {  	[spmem:s10] =	stream.linear.scatter [tilespmem:s20], [sflag:$0x2], $0x4000, $0x38;
	[tilespmem:$0x1E800] =	vst v63  }
0x2b: {  	_ =	swait.ge [sflag:s21], $0x4000  }
0x2c: {  	[sflag:s21] =	ssyncset.done $0x0  }
0x2d: {  	s25 =	simm.s32 $0x14000;
	[sflag:s21] =	ssyncadd.s32 $0xFFFFC000  }
0x2e: {  	[tilespmem:s25], [sflag:$0x2] =	stream.linear.gather [hbm4b:s11+s4], $0x3080, $0x38;
	[tilespmem:$0x1E800] =	vst v63  }
0x2f: {  	_ =	swait.ge [sflag:s21], $0x3080  }
0x30: {  	[sflag:s21] =	ssyncset.done $0x0  }
0x31: {  	s26 =	simm.s32 $0x17400;
	[sflag:s21] =	ssyncadd.s32 $0xFFFFCF80  }
0x32: {  	[tilespmem:s26], [sflag:$0x2] =	stream.linear.gather [hbm4b:s12+s4], $0x3080, $0x38;
	[tilespmem:$0x1E800] =	vst v63  }
0x33: {  	_ =	swait.ge [sflag:s21], $0x3080  }
0x34: {  	[sflag:s21] =	ssyncset.done $0x0  }
0x35: {  	[sflag:s21] =	ssyncadd.s32 $0xFFFFCF80  }
0x36: {  	[bflag:$0x0] =	sbarrier.arrive $0xFFFF  }
0x37: {  	[tilespmem:s20], [sflag:$0x1] =	stream.indirect.gather [hbm4b:s2+s22], $0x80, s25, s22, $0xb8;
	[tilespmem:$0x1E800] =	vst v63  }
0x38: {  	p0 =	sne.s32 s13, $0x1;
	_ =	swait.ge [sflag:s23], $0x4000  }
.Ltmp0:
0x39: {  	[sflag:s23] =	ssyncset.done $0x0;
	(pc) =	sbr.rel @!p0 .LBB2_3-.Ltmp0, $4  }
0x3a: {  	[sflag:s23] =	ssyncadd.s32 $0xFFFFC000  }
0x3b: {  	[spmem:s3] =	stream.indirect.scatter.add.f32 [tilespmem:s20], [sflag:$0x2], $0x80, s26, s22, $0xb8;
	[tilespmem:$0x1E800] =	vst v63  }
0x3c: {  	_ =	swait.ge [sflag:s21], $0x4000  }
0x3d: {  	s28 =	sadd.s32 $0xFFFFFFFF, s13;
	[sflag:s21] =	ssyncset.done $0x0  }
.LBB2_2:
0x3e: {  	[sflag:s21] =	ssyncadd.s32 $0xFFFFC000;
	s25 =	sadd.s32 $0x80, s25;
	s26 =	sadd.s32 $0x80, s26  }
0x3f: {  	[tilespmem:s20], [sflag:$0x1] =	stream.indirect.gather [hbm4b:s2+s22], $0x80, s25, s22, $0xb8;
	[tilespmem:$0x1E800] =	vst v63  }
0x40: {  	p0 =	sne.s32 s28, $0x1;
	s28 =	sadd.s32 $0xFFFFFFFF, s28;
	_ =	swait.ge [sflag:s23], $0x4000  }
.Ltmp1:
0x41: {  	[sflag:s23] =	ssyncset.done $0x0;
	(pc) =	sbr.rel @p0 .LBB2_2-.Ltmp1, $4  }
0x42: {  	[sflag:s23] =	ssyncadd.s32 $0xFFFFC000  }
0x43: {  	[spmem:s3] =	stream.indirect.scatter.add.f32 [tilespmem:s20], [sflag:$0x2], $0x80, s26, s22, $0xb8;
	[tilespmem:$0x1E800] =	vst v63  }
0x44: {  	_ =	swait.ge [sflag:s21], $0x4000  }
0x45: {  	[sflag:s21] =	ssyncset.done $0x0  }
.LBB2_3:
0x46: {  	[sflag:s21] =	ssyncadd.s32 $0xFFFFC000  }
0x47: {  	[bflag:$0x0] =	sbarrier.arrive $0xFFFF  }
0x48: {  	[tilespmem:s20], [sflag:$0x2] =	stream.linear.gather [spmem:s6], $0x4000, $0x38;
	[tilespmem:$0x1E800] =	vst v63  }
0x49: {  	_ =	swait.ge [sflag:s21], $0x4000  }
0x4a: {  	[sflag:s21] =	ssyncset.done $0x0  }
0x4b: {  	[sflag:s21] =	ssyncadd.s32 $0xFFFFC000  }
0x4c: {  	[hbm4b:s15+s4] =	stream.linear.scatter [tilespmem:s20], [sflag:$0x2], $0x4000, $0x38;
	[tilespmem:$0x1E800] =	vst v63  }
0x4d: {  	_ =	swait.ge [sflag:s21], $0x4000  }
0x4e: {  	[sflag:s21] =	ssyncset.done $0x0  }
0x4f: {  	[sflag:s21] =	ssyncadd.s32 $0xFFFFC000  }
0x50: {  	[tilespmem:s20], [sflag:$0x2] =	stream.linear.gather [spmem:s7], $0x4000, $0x38;
	[tilespmem:$0x1E800] =	vst v63  }
0x51: {  	_ =	swait.ge [sflag:s21], $0x4000  }
0x52: {  	[sflag:s21] =	ssyncset.done $0x0  }
0x53: {  	[sflag:s21] =	ssyncadd.s32 $0xFFFFC000  }
0x54: {  	[hbm4b:s16+s4] =	stream.linear.scatter [tilespmem:s20], [sflag:$0x2], $0x4000, $0x38;
	[tilespmem:$0x1E800] =	vst v63  }
0x55: {  	_ =	swait.ge [sflag:s21], $0x4000  }
0x56: {  	[sflag:s21] =	ssyncset.done $0x0  }
0x57: {  	[sflag:s21] =	ssyncadd.s32 $0xFFFFC000  }
0x58: {  	[tilespmem:s20], [sflag:$0x2] =	stream.linear.gather [spmem:s8], $0x4000, $0x38;
	[tilespmem:$0x1E800] =	vst v63  }
0x59: {  	_ =	swait.ge [sflag:s21], $0x4000  }
0x5a: {  	[sflag:s21] =	ssyncset.done $0x0  }
0x5b: {  	[sflag:s21] =	ssyncadd.s32 $0xFFFFC000  }
0x5c: {  	[hbm4b:s17+s4] =	stream.linear.scatter [tilespmem:s20], [sflag:$0x2], $0x4000, $0x38;
	[tilespmem:$0x1E800] =	vst v63  }
0x5d: {  	_ =	swait.ge [sflag:s21], $0x4000  }
0x5e: {  	[sflag:s21] =	ssyncset.done $0x0  }
0x5f: {  	[sflag:s21] =	ssyncadd.s32 $0xFFFFC000  }
0x60: {  	[tilespmem:s20], [sflag:$0x2] =	stream.linear.gather [spmem:s9], $0x4000, $0x38;
	[tilespmem:$0x1E800] =	vst v63  }
0x61: {  	_ =	swait.ge [sflag:s21], $0x4000  }
0x62: {  	[sflag:s21] =	ssyncset.done $0x0  }
0x63: {  	[sflag:s21] =	ssyncadd.s32 $0xFFFFC000  }
0x64: {  	[hbm4b:s18+s4] =	stream.linear.scatter [tilespmem:s20], [sflag:$0x2], $0x4000, $0x38;
	[tilespmem:$0x1E800] =	vst v63  }
0x65: {  	_ =	swait.ge [sflag:s21], $0x4000  }
0x66: {  	[sflag:s21] =	ssyncset.done $0x0  }
0x67: {  	[sflag:s21] =	ssyncadd.s32 $0xFFFFC000  }
0x68: {  	[tilespmem:s20], [sflag:$0x2] =	stream.linear.gather [spmem:s10], $0x4000, $0x38;
	[tilespmem:$0x1E800] =	vst v63  }
0x69: {  	s24 =	sadd.s32 $0x1, s24;
	_ =	swait.ge [sflag:s21], $0x4000  }
0x6a: {  	p0 =	sne.s32 s24, s14;
	[sflag:s21] =	ssyncset.done $0x0  }
.Ltmp2:
0x6b: {  	[sflag:s21] =	ssyncadd.s32 $0xFFFFC000;
	(pc) =	sbr.rel @p0 .LBB2_1-.Ltmp2, $4  }
0x6c: {  	[hbm4b:s19+s4] =	stream.linear.scatter [tilespmem:s20], [sflag:$0x2], $0x4000, $0x38;
	[tilespmem:$0x1E800] =	vst v63  }
0x6d: {  	_ =	swait.ge [sflag:s21], $0x4000  }
0x6e: {  	[sflag:s21] =	ssyncset.done $0x0  }
0x6f: {  	[sflag:s21] =	ssyncadd.s32 $0xFFFFC000  }
0x70: {  	_ =	sfence.sel $0x180000  }
0x71: {  	[bflag:$0x0] =	sbarrier.arrive $0xFFFF  }
0x72: {  	p0 =	sne.s32 s0, $0x0;
	_ =	strace $0x9000004D  }
0x73: {  	s0 =	sadd.s32 @!p0 $0x100000, s1;
	[bflag:$0x2] =	sbarrier.arrive $0xFFFF  }
0x74: {  	[sflag:s0] =	ssyncadd.tile.s32 @!p0 $0x1;
	_ =	shalt  }
.Lfunc_end2:
_tile_overlayer_lowered:
.L_overlay_start_2:
0x75: {  	(tag) =	ssettag $0x2  }
0x76: {  	s0 =	rddreg [dreg:$0x0];
	s2 =	stileid.u32  }
0x77: {  	s1 =	rddreg [dreg:$0x1];
	p0 =	sne.s32 s2, $0x0  }
0x78: {  	s3 =	rddreg [dreg:$0x2];
	[bflag:$0x3] =	sbarrier.arrive $0xFFFF;
	s2 =	simm.s32 @!p0 $0x1C02  }
0x79: {  	[timem:s3], [sflag:s2] =	dma.local @!p0 [hbm:s0], s1  }
0x7a: {  	s0 =	simm.s32 @!p0 $0x2  }
0x7b: {  	_ =	swait.ge @!p0 [sflag:s0], s1  }
0x7c: {  	s1 =	ssub.s32 @!p0 $0x0, s1;
	[sflag:s0] =	ssyncset.done @!p0 $0x0  }
0x7d: {  	[sflag:s0] =	ssyncadd.s32 @!p0 s1  }
0x7e: {  	[bflag:$0x3] =	sbarrier.arrive $0xFFFF  }
0x7f: {  	_ =	shalt  }

</sc_bundles>
